<compile_context>
chip_gen: v7x
topology: tpu7x:2x2x1
jax: 0.10.2.dev20260603
libtpu: 0.0.44.dev20260713+nightly
codegen_flags: <defaults>
</compile_context>

<pallas_src>
import functools

import jax
import jax.numpy as jnp
from jax import lax
from jax.experimental import pallas as pl
from jax.experimental.pallas import tpu as pltpu
from jax.experimental.pallas import tpu_sc as plsc

B = 32
C = 384
H = 56
W = 56
CH = 4
RING = 4
LEAD = 2
RA = RING - LEAD
NCHUNK = C // CH
NGROUP = NCHUNK // RING
NSUB = 16


def _permute(x, idx_i32):
    mesh = plsc.VectorSubcoreMesh(core_axis_name="c", subcore_axis_name="s")
    num_cores = mesh.num_cores

    @functools.partial(
        pl.kernel,
        out_type=jax.ShapeDtypeStruct((B, C, H, W), jnp.float32),
        mesh=mesh,
        scratch_types=[
            pltpu.VMEM((C + 16,), jnp.int32),
            pltpu.VMEM_SHARED((NSUB, RING, CH, H, W), jnp.float32),
            pltpu.SemaphoreType.DMA((RING,)),
            pltpu.SemaphoreType.DMA((RING,)),
        ],
    )
    def k(in_hbm, idx_hbm, out_hbm, idx_v, sbuf, gsem, psem):
        cid = lax.axis_index("c")
        sid = lax.axis_index("s")
        wid = sid * num_cores + cid
        buf = sbuf.at[sid]
        pltpu.sync_copy(idx_hbm, idx_v.at[pl.ds(0, C)])

        def gather_chunk(i, slot):
            v = idx_v[pl.ds(i * CH, 16)]
            for j in range(CH):
                pltpu.async_copy(
                    in_hbm.at[wid, v[j]], buf.at[slot, j], gsem.at[slot]
                )

        def wait_gather(slot):
            for _j in range(CH):
                pltpu.make_async_copy(
                    in_hbm.at[0, 0], buf.at[slot, 0], gsem.at[slot]
                ).wait()

        def put(i, slot):
            pltpu.async_copy(
                buf.at[slot], out_hbm.at[wid, pl.ds(i * CH, CH)], psem.at[slot]
            )

        def wait_put(slot):
            pltpu.make_async_copy(
                buf.at[slot], out_hbm.at[0, pl.ds(0, CH)], psem.at[slot]
            ).wait()

        for j in range(RA):
            gather_chunk(j, j)

        def step(i, need_wait_put):
            s = i % RING
            sg = (i + RA) % RING
            if need_wait_put:
                wait_put(sg)

            @pl.when(i + RA < NCHUNK)
            def _():
                gather_chunk(i + RA, sg)

            wait_gather(s)
            put(i, s)

        for i in range(RING):
            step(i, i >= LEAD)

        def body(q, _):
            i0 = q * RING
            for s in range(RING):
                step(i0 + s, True)
            return 0

        lax.fori_loop(1, NGROUP, body, 0)
        for k in range(LEAD):
            wait_put((NCHUNK - LEAD + k) % RING)

    return k(x, idx_i32)


def kernel(input, indices, indices_inverse):
    idx = indices.astype(jnp.int32)
    return _permute(input, idx)

# --- scband reference (transcript-rebuilt; emitter-appended) ---
"""Pipeline reference for scband-permute2d-18872086299137 (READ-ONLY COPY).

The authoritative reference and input builder live on the scoring server;
editing this copy changes nothing except your own understanding.
"""

import jax, jax.numpy as jnp
import numpy as np

NUM_CHANNELS = 384

def setup_inputs(seed: int = 0) -> dict:
    key = jax.random.key(seed)
    k1, = jax.random.split(key, 1)
    x = jax.random.normal(k1, (32, NUM_CHANNELS, 56, 56), dtype=jnp.float32)
    # shuffle=False -> indices is reversed arange (buffer built in __init__)
    indices = jnp.arange(NUM_CHANNELS - 1, -1, -1, dtype=jnp.int64)
    indices_inverse = jnp.zeros((NUM_CHANNELS,), dtype=jnp.int64).at[indices].set(jnp.arange(NUM_CHANNELS, dtype=jnp.int64))
    return {"input": x, "indices": indices, "indices_inverse": indices_inverse}

def reference(input, indices, indices_inverse):
    # forward with reverse=False: channel permutation gather
    assert input.ndim == 4
    return jnp.take(input, indices, axis=1)

if __name__ == "__main__":
    import jax
    _d = setup_inputs()
    print(jax.jit(kernel)(*tuple(_d.values())))

</pallas_src>

<mosaic_0001>
#map = affine_map<(d0, d1) -> (0, 0, 0, 0)>
#map1 = affine_map<(d0, d1) -> (0)>
module attributes {stable_mosaic.version = 14 : i64} {
  func.func @k(%arg0: i32, %arg1: i32, %arg2: memref<32x384x56x56xf32, #tpu.memory_space<hbm>>, %arg3: memref<384xi32, #tpu.memory_space<hbm>>, %arg4: memref<32x384x56x56xf32, #tpu.memory_space<hbm>>, %arg5: memref<400xi32, #tpu.memory_space<vmem>>, %arg6: memref<16x4x4x56x56xf32, #tpu.memory_space<vmem_shared>>, %arg7: memref<4x!tpu.dma_semaphore, #tpu.memory_space<semaphore_mem>>, %arg8: memref<4x!tpu.dma_semaphore, #tpu.memory_space<semaphore_mem>>) attributes {dimension_semantics = [#tpu.dimension_semantics<core_parallel>, #tpu.dimension_semantics<subcore_parallel>], iteration_bounds = array<i64: 2, 16>, scalar_prefetch = 0 : i64, scratch_operands = 4 : i64, tpu.core_type = #tpu.core_type<sc_vector_subcore>, window_params = [{transform_indices = #map}, {transform_indices = #map1}, {transform_indices = #map}]} {
    %mul3A = arith.constant 2 : i32
    %mul3A_0 = arith.muli %arg1, %mul3A : i32
    %add3A = arith.addi %mul3A_0, %arg0 : i32
    "tpu.region"() ({
      %run_scoped3A = tpu.sem_alloc : memref<!tpu.dma_semaphore, #tpu.memory_space<semaphore_mem>>
      %dma_start3A_1024 = arith.constant 0 : i32
      %dma_start3A_1025 = tpu.memref_slice %arg5[%dma_start3A_1024] : memref<400xi32, #tpu.memory_space<vmem>> -> memref<384xi32, #tpu.memory_space<vmem>>
      %dma_start3A_1026 = arith.constant 0 : i32
      %dma_start3A_1027 = tpu.memref_slice %arg5[%dma_start3A_1026] : memref<400xi32, #tpu.memory_space<vmem>> -> memref<384xi32, #tpu.memory_space<vmem>>
      tpu.enqueue_dma source(%arg3 : memref<384xi32, #tpu.memory_space<hbm>>) target(%dma_start3A_1027 : memref<384xi32, #tpu.memory_space<vmem>>) target_semaphore(%run_scoped3A : memref<!tpu.dma_semaphore, #tpu.memory_space<semaphore_mem>>)
      %dma_wait3A_1028 = arith.constant 0 : i32
      %dma_wait3A_1029 = tpu.memref_slice %arg5[%dma_wait3A_1028] : memref<400xi32, #tpu.memory_space<vmem>> -> memref<384xi32, #tpu.memory_space<vmem>>
      %dma_wait3A_1030 = arith.constant 0 : i32
      %dma_wait3A_1031 = tpu.memref_slice %arg5[%dma_wait3A_1030] : memref<400xi32, #tpu.memory_space<vmem>> -> memref<384xi32, #tpu.memory_space<vmem>>
      tpu.wait_dma2 semaphore(%run_scoped3A : memref<!tpu.dma_semaphore, #tpu.memory_space<semaphore_mem>>) src(%arg3 : memref<384xi32, #tpu.memory_space<hbm>>) dst(%dma_wait3A_1031 : memref<384xi32, #tpu.memory_space<vmem>>)
      tpu.yield
    }) : () -> ()
    %get3A = arith.constant 0 : index
    %get3A_1 = tpu.vector_load %arg5[%get3A] {strides = array<i32>} : memref<400xi32, #tpu.memory_space<vmem>>, vector<16xi32>,
    %get3A_2 = vector.shape_cast %get3A_1 : vector<16xi32> to vector<16xi32>
    %slice3A = vector.extract_strided_slice %get3A_2 {offsets = [0], sizes = [1], strides = [1]} : vector<16xi32> to vector<1xi32>
    %squeeze3A = vector.extract %slice3A[0] : i32 from vector<1xi32>
    %dma_start3A = arith.constant 0 : i32
    %dma_start3A_3 = arith.constant 0 : i32
    %dma_start3A_4 = arith.constant 0 : i32
    %dma_start3A_5 = tpu.memref_slice %arg7[%dma_start3A_4] : memref<4x!tpu.dma_semaphore, #tpu.memory_space<semaphore_mem>> -> memref<1x!tpu.dma_semaphore, #tpu.memory_space<semaphore_mem>>
    %dma_start3A_6 = tpu.memref_squeeze %dma_start3A_5 : memref<1x!tpu.dma_semaphore, #tpu.memory_space<semaphore_mem>> -> memref<!tpu.dma_semaphore, #tpu.memory_space<semaphore_mem>>
    %dma_start3A_7 = arith.constant 0 : i32
    %dma_start3A_8 = arith.constant 0 : i32
    %dma_start3A_9 = arith.constant 0 : i32
    %dma_start3A_10 = arith.constant 0 : i32
    %dma_start3A_11 = tpu.memref_slice %arg6[%arg1, %dma_start3A_7, %dma_start3A_8, %dma_start3A_9, %dma_start3A_10] : memref<16x4x4x56x56xf32, #tpu.memory_space<vmem_shared>> -> memref<1x4x4x56x56xf32, #tpu.memory_space<vmem_shared>>
    %dma_start3A_12 = tpu.memref_squeeze %dma_start3A_11 : memref<1x4x4x56x56xf32, #tpu.memory_space<vmem_shared>> -> memref<4x4x56x56xf32, #tpu.memory_space<vmem_shared>>
    %dma_start3A_13 = arith.constant 0 : i32
    %dma_start3A_14 = arith.constant 0 : i32
    %dma_start3A_15 = tpu.memref_slice %dma_start3A_12[%dma_start3A, %dma_start3A_3, %dma_start3A_13, %dma_start3A_14] : memref<4x4x56x56xf32, #tpu.memory_space<vmem_shared>> -> memref<1x1x56x56xf32, #tpu.memory_space<vmem_shared>>
    %dma_start3A_16 = tpu.memref_squeeze %dma_start3A_15 : memref<1x1x56x56xf32, #tpu.memory_space<vmem_shared>> -> memref<56x56xf32, #tpu.memory_space<vmem_shared>>
    %dma_start3A_17 = arith.constant 0 : i32
    %dma_start3A_18 = arith.constant 0 : i32
    %dma_start3A_19 = tpu.memref_slice %arg2[%add3A, %squeeze3A, %dma_start3A_17, %dma_start3A_18] : memref<32x384x56x56xf32, #tpu.memory_space<hbm>> -> memref<1x1x56x56xf32, #tpu.memory_space<hbm>>
    %dma_start3A_20 = tpu.memref_squeeze %dma_start3A_19 : memref<1x1x56x56xf32, #tpu.memory_space<hbm>> -> memref<56x56xf32, #tpu.memory_space<hbm>>
    tpu.enqueue_dma source(%dma_start3A_20 : memref<56x56xf32, #tpu.memory_space<hbm>>) target(%dma_start3A_16 : memref<56x56xf32, #tpu.memory_space<vmem_shared>>) target_semaphore(%dma_start3A_6 : memref<!tpu.dma_semaphore, #tpu.memory_space<semaphore_mem>>)
    %slice3A_21 = vector.extract_strided_slice %get3A_2 {offsets = [1], sizes = [1], strides = [1]} : vector<16xi32> to vector<1xi32>
    %squeeze3A_22 = vector.extract %slice3A_21[0] : i32 from vector<1xi32>
    %dma_start3A_23 = arith.constant 0 : i32
    %dma_start3A_24 = arith.constant 1 : i32
    %dma_start3A_25 = arith.constant 0 : i32
    %dma_start3A_26 = tpu.memref_slice %arg7[%dma_start3A_25] : memref<4x!tpu.dma_semaphore, #tpu.memory_space<semaphore_mem>> -> memref<1x!tpu.dma_semaphore, #tpu.memory_space<semaphore_mem>>
    %dma_start3A_27 = tpu.memref_squeeze %dma_start3A_26 : memref<1x!tpu.dma_semaphore, #tpu.memory_space<semaphore_mem>> -> memref<!tpu.dma_semaphore, #tpu.memory_space<semaphore_mem>>
    %dma_start3A_28 = arith.constant 0 : i32
    %dma_start3A_29 = arith.constant 0 : i32
    %dma_start3A_30 = arith.constant 0 : i32
    %dma_start3A_31 = arith.constant 0 : i32
    %dma_start3A_32 = tpu.memref_slice %arg6[%arg1, %dma_start3A_28, %dma_start3A_29, %dma_start3A_30, %dma_start3A_31] : memref<16x4x4x56x56xf32, #tpu.memory_space<vmem_shared>> -> memref<1x4x4x56x56xf32, #tpu.memory_space<vmem_shared>>
    %dma_start3A_33 = tpu.memref_squeeze %dma_start3A_32 : memref<1x4x4x56x56xf32, #tpu.memory_space<vmem_shared>> -> memref<4x4x56x56xf32, #tpu.memory_space<vmem_shared>>
    %dma_start3A_34 = arith.constant 0 : i32
    %dma_start3A_35 = arith.constant 0 : i32
    %dma_start3A_36 = tpu.memref_slice %dma_start3A_33[%dma_start3A_23, %dma_start3A_24, %dma_start3A_34, %dma_start3A_35] : memref<4x4x56x56xf32, #tpu.memory_space<vmem_shared>> -> memref<1x1x56x56xf32, #tpu.memory_space<vmem_shared>>
    %dma_start3A_37 = tpu.memref_squeeze %dma_start3A_36 : memref<1x1x56x56xf32, #tpu.memory_space<vmem_shared>> -> memref<56x56xf32, #tpu.memory_space<vmem_shared>>
    %dma_start3A_38 = arith.constant 0 : i32
    %dma_start3A_39 = arith.constant 0 : i32
    %dma_start3A_40 = tpu.memref_slice %arg2[%add3A, %squeeze3A_22, %dma_start3A_38, %dma_start3A_39] : memref<32x384x56x56xf32, #tpu.memory_space<hbm>> -> memref<1x1x56x56xf32, #tpu.memory_space<hbm>>
    %dma_start3A_41 = tpu.memref_squeeze %dma_start3A_40 : memref<1x1x56x56xf32, #tpu.memory_space<hbm>> -> memref<56x56xf32, #tpu.memory_space<hbm>>
    tpu.enqueue_dma source(%dma_start3A_41 : memref<56x56xf32, #tpu.memory_space<hbm>>) target(%dma_start3A_37 : memref<56x56xf32, #tpu.memory_space<vmem_shared>>) target_semaphore(%dma_start3A_27 : memref<!tpu.dma_semaphore, #tpu.memory_space<semaphore_mem>>)
    %slice3A_42 = vector.extract_strided_slice %get3A_2 {offsets = [2], sizes = [1], strides = [1]} : vector<16xi32> to vector<1xi32>
    %squeeze3A_43 = vector.extract %slice3A_42[0] : i32 from vector<1xi32>
    %dma_start3A_44 = arith.constant 0 : i32
    %dma_start3A_45 = arith.constant 2 : i32
    %dma_start3A_46 = arith.constant 0 : i32
    %dma_start3A_47 = tpu.memref_slice %arg7[%dma_start3A_46] : memref<4x!tpu.dma_semaphore, #tpu.memory_space<semaphore_mem>> -> memref<1x!tpu.dma_semaphore, #tpu.memory_space<semaphore_mem>>
    %dma_start3A_48 = tpu.memref_squeeze %dma_start3A_47 : memref<1x!tpu.dma_semaphore, #tpu.memory_space<semaphore_mem>> -> memref<!tpu.dma_semaphore, #tpu.memory_space<semaphore_mem>>
    %dma_start3A_49 = arith.constant 0 : i32
    %dma_start3A_50 = arith.constant 0 : i32
    %dma_start3A_51 = arith.constant 0 : i32
    %dma_start3A_52 = arith.constant 0 : i32
    %dma_start3A_53 = tpu.memref_slice %arg6[%arg1, %dma_start3A_49, %dma_start3A_50, %dma_start3A_51, %dma_start3A_52] : memref<16x4x4x56x56xf32, #tpu.memory_space<vmem_shared>> -> memref<1x4x4x56x56xf32, #tpu.memory_space<vmem_shared>>
    %dma_start3A_54 = tpu.memref_squeeze %dma_start3A_53 : memref<1x4x4x56x56xf32, #tpu.memory_space<vmem_shared>> -> memref<4x4x56x56xf32, #tpu.memory_space<vmem_shared>>
    %dma_start3A_55 = arith.constant 0 : i32
    %dma_start3A_56 = arith.constant 0 : i32
    %dma_start3A_57 = tpu.memref_slice %dma_start3A_54[%dma_start3A_44, %dma_start3A_45, %dma_start3A_55, %dma_start3A_56] : memref<4x4x56x56xf32, #tpu.memory_space<vmem_shared>> -> memref<1x1x56x56xf32, #tpu.memory_space<vmem_shared>>
    %dma_start3A_58 = tpu.memref_squeeze %dma_start3A_57 : memref<1x1x56x56xf32, #tpu.memory_space<vmem_shared>> -> memref<56x56xf32, #tpu.memory_space<vmem_shared>>
    %dma_start3A_59 = arith.constant 0 : i32
    %dma_start3A_60 = arith.constant 0 : i32
    %dma_start3A_61 = tpu.memref_slice %arg2[%add3A, %squeeze3A_43, %dma_start3A_59, %dma_start3A_60] : memref<32x384x56x56xf32, #tpu.memory_space<hbm>> -> memref<1x1x56x56xf32, #tpu.memory_space<hbm>>
    %dma_start3A_62 = tpu.memref_squeeze %dma_start3A_61 : memref<1x1x56x56xf32, #tpu.memory_space<hbm>> -> memref<56x56xf32, #tpu.memory_space<hbm>>
    tpu.enqueue_dma source(%dma_start3A_62 : memref<56x56xf32, #tpu.memory_space<hbm>>) target(%dma_start3A_58 : memref<56x56xf32, #tpu.memory_space<vmem_shared>>) target_semaphore(%dma_start3A_48 : memref<!tpu.dma_semaphore, #tpu.memory_space<semaphore_mem>>)
    %slice3A_63 = vector.extract_strided_slice %get3A_2 {offsets = [3], sizes = [1], strides = [1]} : vector<16xi32> to vector<1xi32>
    %squeeze3A_64 = vector.extract %slice3A_63[0] : i32 from vector<1xi32>
    %dma_start3A_65 = arith.constant 0 : i32
    %dma_start3A_66 = arith.constant 3 : i32
    %dma_start3A_67 = arith.constant 0 : i32
    %dma_start3A_68 = tpu.memref_slice %arg7[%dma_start3A_67] : memref<4x!tpu.dma_semaphore, #tpu.memory_space<semaphore_mem>> -> memref<1x!tpu.dma_semaphore, #tpu.memory_space<semaphore_mem>>
    %dma_start3A_69 = tpu.memref_squeeze %dma_start3A_68 : memref<1x!tpu.dma_semaphore, #tpu.memory_space<semaphore_mem>> -> memref<!tpu.dma_semaphore, #tpu.memory_space<semaphore_mem>>
    %dma_start3A_70 = arith.constant 0 : i32
    %dma_start3A_71 = arith.constant 0 : i32
    %dma_start3A_72 = arith.constant 0 : i32
    %dma_start3A_73 = arith.constant 0 : i32
    %dma_start3A_74 = tpu.memref_slice %arg6[%arg1, %dma_start3A_70, %dma_start3A_71, %dma_start3A_72, %dma_start3A_73] : memref<16x4x4x56x56xf32, #tpu.memory_space<vmem_shared>> -> memref<1x4x4x56x56xf32, #tpu.memory_space<vmem_shared>>
    %dma_start3A_75 = tpu.memref_squeeze %dma_start3A_74 : memref<1x4x4x56x56xf32, #tpu.memory_space<vmem_shared>> -> memref<4x4x56x56xf32, #tpu.memory_space<vmem_shared>>
    %dma_start3A_76 = arith.constant 0 : i32
    %dma_start3A_77 = arith.constant 0 : i32
    %dma_start3A_78 = tpu.memref_slice %dma_start3A_75[%dma_start3A_65, %dma_start3A_66, %dma_start3A_76, %dma_start3A_77] : memref<4x4x56x56xf32, #tpu.memory_space<vmem_shared>> -> memref<1x1x56x56xf32, #tpu.memory_space<vmem_shared>>
    %dma_start3A_79 = tpu.memref_squeeze %dma_start3A_78 : memref<1x1x56x56xf32, #tpu.memory_space<vmem_shared>> -> memref<56x56xf32, #tpu.memory_space<vmem_shared>>
    %dma_start3A_80 = arith.constant 0 : i32
    %dma_start3A_81 = arith.constant 0 : i32
    %dma_start3A_82 = tpu.memref_slice %arg2[%add3A, %squeeze3A_64, %dma_start3A_80, %dma_start3A_81] : memref<32x384x56x56xf32, #tpu.memory_space<hbm>> -> memref<1x1x56x56xf32, #tpu.memory_space<hbm>>
    %dma_start3A_83 = tpu.memref_squeeze %dma_start3A_82 : memref<1x1x56x56xf32, #tpu.memory_space<hbm>> -> memref<56x56xf32, #tpu.memory_space<hbm>>
    tpu.enqueue_dma source(%dma_start3A_83 : memref<56x56xf32, #tpu.memory_space<hbm>>) target(%dma_start3A_79 : memref<56x56xf32, #tpu.memory_space<vmem_shared>>) target_semaphore(%dma_start3A_69 : memref<!tpu.dma_semaphore, #tpu.memory_space<semaphore_mem>>)
    %get3A_84 = arith.constant 4 : index
    %get3A_85 = tpu.vector_load %arg5[%get3A_84] {strides = array<i32>} : memref<400xi32, #tpu.memory_space<vmem>>, vector<16xi32>,
    %get3A_86 = vector.shape_cast %get3A_85 : vector<16xi32> to vector<16xi32>
    %slice3A_87 = vector.extract_strided_slice %get3A_86 {offsets = [0], sizes = [1], strides = [1]} : vector<16xi32> to vector<1xi32>
    %squeeze3A_88 = vector.extract %slice3A_87[0] : i32 from vector<1xi32>
    %dma_start3A_89 = arith.constant 1 : i32
    %dma_start3A_90 = arith.constant 0 : i32
    %dma_start3A_91 = arith.constant 1 : i32
    %dma_start3A_92 = tpu.memref_slice %arg7[%dma_start3A_91] : memref<4x!tpu.dma_semaphore, #tpu.memory_space<semaphore_mem>> -> memref<1x!tpu.dma_semaphore, #tpu.memory_space<semaphore_mem>>
    %dma_start3A_93 = tpu.memref_squeeze %dma_start3A_92 : memref<1x!tpu.dma_semaphore, #tpu.memory_space<semaphore_mem>> -> memref<!tpu.dma_semaphore, #tpu.memory_space<semaphore_mem>>
    %dma_start3A_94 = arith.constant 0 : i32
    %dma_start3A_95 = arith.constant 0 : i32
    %dma_start3A_96 = arith.constant 0 : i32
    %dma_start3A_97 = arith.constant 0 : i32
    %dma_start3A_98 = tpu.memref_slice %arg6[%arg1, %dma_start3A_94, %dma_start3A_95, %dma_start3A_96, %dma_start3A_97] : memref<16x4x4x56x56xf32, #tpu.memory_space<vmem_shared>> -> memref<1x4x4x56x56xf32, #tpu.memory_space<vmem_shared>>
    %dma_start3A_99 = tpu.memref_squeeze %dma_start3A_98 : memref<1x4x4x56x56xf32, #tpu.memory_space<vmem_shared>> -> memref<4x4x56x56xf32, #tpu.memory_space<vmem_shared>>
    %dma_start3A_100 = arith.constant 0 : i32
    %dma_start3A_101 = arith.constant 0 : i32
    %dma_start3A_102 = tpu.memref_slice %dma_start3A_99[%dma_start3A_89, %dma_start3A_90, %dma_start3A_100, %dma_start3A_101] : memref<4x4x56x56xf32, #tpu.memory_space<vmem_shared>> -> memref<1x1x56x56xf32, #tpu.memory_space<vmem_shared>>
    %dma_start3A_103 = tpu.memref_squeeze %dma_start3A_102 : memref<1x1x56x56xf32, #tpu.memory_space<vmem_shared>> -> memref<56x56xf32, #tpu.memory_space<vmem_shared>>
    %dma_start3A_104 = arith.constant 0 : i32
    %dma_start3A_105 = arith.constant 0 : i32
    %dma_start3A_106 = tpu.memref_slice %arg2[%add3A, %squeeze3A_88, %dma_start3A_104, %dma_start3A_105] : memref<32x384x56x56xf32, #tpu.memory_space<hbm>> -> memref<1x1x56x56xf32, #tpu.memory_space<hbm>>
    %dma_start3A_107 = tpu.memref_squeeze %dma_start3A_106 : memref<1x1x56x56xf32, #tpu.memory_space<hbm>> -> memref<56x56xf32, #tpu.memory_space<hbm>>
    tpu.enqueue_dma source(%dma_start3A_107 : memref<56x56xf32, #tpu.memory_space<hbm>>) target(%dma_start3A_103 : memref<56x56xf32, #tpu.memory_space<vmem_shared>>) target_semaphore(%dma_start3A_93 : memref<!tpu.dma_semaphore, #tpu.memory_space<semaphore_mem>>)
    %slice3A_108 = vector.extract_strided_slice %get3A_86 {offsets = [1], sizes = [1], strides = [1]} : vector<16xi32> to vector<1xi32>
    %squeeze3A_109 = vector.extract %slice3A_108[0] : i32 from vector<1xi32>
    %dma_start3A_110 = arith.constant 1 : i32
    %dma_start3A_111 = arith.constant 1 : i32
    %dma_start3A_112 = arith.constant 1 : i32
    %dma_start3A_113 = tpu.memref_slice %arg7[%dma_start3A_112] : memref<4x!tpu.dma_semaphore, #tpu.memory_space<semaphore_mem>> -> memref<1x!tpu.dma_semaphore, #tpu.memory_space<semaphore_mem>>
    %dma_start3A_114 = tpu.memref_squeeze %dma_start3A_113 : memref<1x!tpu.dma_semaphore, #tpu.memory_space<semaphore_mem>> -> memref<!tpu.dma_semaphore, #tpu.memory_space<semaphore_mem>>
    %dma_start3A_115 = arith.constant 0 : i32
    %dma_start3A_116 = arith.constant 0 : i32
    %dma_start3A_117 = arith.constant 0 : i32
    %dma_start3A_118 = arith.constant 0 : i32
    %dma_start3A_119 = tpu.memref_slice %arg6[%arg1, %dma_start3A_115, %dma_start3A_116, %dma_start3A_117, %dma_start3A_118] : memref<16x4x4x56x56xf32, #tpu.memory_space<vmem_shared>> -> memref<1x4x4x56x56xf32, #tpu.memory_space<vmem_shared>>
    %dma_start3A_120 = tpu.memref_squeeze %dma_start3A_119 : memref<1x4x4x56x56xf32, #tpu.memory_space<vmem_shared>> -> memref<4x4x56x56xf32, #tpu.memory_space<vmem_shared>>
    %dma_start3A_121 = arith.constant 0 : i32
    %dma_start3A_122 = arith.constant 0 : i32
    %dma_start3A_123 = tpu.memref_slice %dma_start3A_120[%dma_start3A_110, %dma_start3A_111, %dma_start3A_121, %dma_start3A_122] : memref<4x4x56x56xf32, #tpu.memory_space<vmem_shared>> -> memref<1x1x56x56xf32, #tpu.memory_space<vmem_shared>>
    %dma_start3A_124 = tpu.memref_squeeze %dma_start3A_123 : memref<1x1x56x56xf32, #tpu.memory_space<vmem_shared>> -> memref<56x56xf32, #tpu.memory_space<vmem_shared>>
    %dma_start3A_125 = arith.constant 0 : i32
    %dma_start3A_126 = arith.constant 0 : i32
    %dma_start3A_127 = tpu.memref_slice %arg2[%add3A, %squeeze3A_109, %dma_start3A_125, %dma_start3A_126] : memref<32x384x56x56xf32, #tpu.memory_space<hbm>> -> memref<1x1x56x56xf32, #tpu.memory_space<hbm>>
    %dma_start3A_128 = tpu.memref_squeeze %dma_start3A_127 : memref<1x1x56x56xf32, #tpu.memory_space<hbm>> -> memref<56x56xf32, #tpu.memory_space<hbm>>
    tpu.enqueue_dma source(%dma_start3A_128 : memref<56x56xf32, #tpu.memory_space<hbm>>) target(%dma_start3A_124 : memref<56x56xf32, #tpu.memory_space<vmem_shared>>) target_semaphore(%dma_start3A_114 : memref<!tpu.dma_semaphore, #tpu.memory_space<semaphore_mem>>)
    %slice3A_129 = vector.extract_strided_slice %get3A_86 {offsets = [2], sizes = [1], strides = [1]} : vector<16xi32> to vector<1xi32>
    %squeeze3A_130 = vector.extract %slice3A_129[0] : i32 from vector<1xi32>
    %dma_start3A_131 = arith.constant 1 : i32
    %dma_start3A_132 = arith.constant 2 : i32
    %dma_start3A_133 = arith.constant 1 : i32
    %dma_start3A_134 = tpu.memref_slice %arg7[%dma_start3A_133] : memref<4x!tpu.dma_semaphore, #tpu.memory_space<semaphore_mem>> -> memref<1x!tpu.dma_semaphore, #tpu.memory_space<semaphore_mem>>
    %dma_start3A_135 = tpu.memref_squeeze %dma_start3A_134 : memref<1x!tpu.dma_semaphore, #tpu.memory_space<semaphore_mem>> -> memref<!tpu.dma_semaphore, #tpu.memory_space<semaphore_mem>>
    %dma_start3A_136 = arith.constant 0 : i32
    %dma_start3A_137 = arith.constant 0 : i32
    %dma_start3A_138 = arith.constant 0 : i32
    %dma_start3A_139 = arith.constant 0 : i32
    %dma_start3A_140 = tpu.memref_slice %arg6[%arg1, %dma_start3A_136, %dma_start3A_137, %dma_start3A_138, %dma_start3A_139] : memref<16x4x4x56x56xf32, #tpu.memory_space<vmem_shared>> -> memref<1x4x4x56x56xf32, #tpu.memory_space<vmem_shared>>
    %dma_start3A_141 = tpu.memref_squeeze %dma_start3A_140 : memref<1x4x4x56x56xf32, #tpu.memory_space<vmem_shared>> -> memref<4x4x56x56xf32, #tpu.memory_space<vmem_shared>>
    %dma_start3A_142 = arith.constant 0 : i32
    %dma_start3A_143 = arith.constant 0 : i32
    %dma_start3A_144 = tpu.memref_slice %dma_start3A_141[%dma_start3A_131, %dma_start3A_132, %dma_start3A_142, %dma_start3A_143] : memref<4x4x56x56xf32, #tpu.memory_space<vmem_shared>> -> memref<1x1x56x56xf32, #tpu.memory_space<vmem_shared>>
    %dma_start3A_145 = tpu.memref_squeeze %dma_start3A_144 : memref<1x1x56x56xf32, #tpu.memory_space<vmem_shared>> -> memref<56x56xf32, #tpu.memory_space<vmem_shared>>
    %dma_start3A_146 = arith.constant 0 : i32
    %dma_start3A_147 = arith.constant 0 : i32
    %dma_start3A_148 = tpu.memref_slice %arg2[%add3A, %squeeze3A_130, %dma_start3A_146, %dma_start3A_147] : memref<32x384x56x56xf32, #tpu.memory_space<hbm>> -> memref<1x1x56x56xf32, #tpu.memory_space<hbm>>
    %dma_start3A_149 = tpu.memref_squeeze %dma_start3A_148 : memref<1x1x56x56xf32, #tpu.memory_space<hbm>> -> memref<56x56xf32, #tpu.memory_space<hbm>>
    tpu.enqueue_dma source(%dma_start3A_149 : memref<56x56xf32, #tpu.memory_space<hbm>>) target(%dma_start3A_145 : memref<56x56xf32, #tpu.memory_space<vmem_shared>>) target_semaphore(%dma_start3A_135 : memref<!tpu.dma_semaphore, #tpu.memory_space<semaphore_mem>>)
    %slice3A_150 = vector.extract_strided_slice %get3A_86 {offsets = [3], sizes = [1], strides = [1]} : vector<16xi32> to vector<1xi32>
    %squeeze3A_151 = vector.extract %slice3A_150[0] : i32 from vector<1xi32>
    %dma_start3A_152 = arith.constant 1 : i32
    %dma_start3A_153 = arith.constant 3 : i32
    %dma_start3A_154 = arith.constant 1 : i32
    %dma_start3A_155 = tpu.memref_slice %arg7[%dma_start3A_154] : memref<4x!tpu.dma_semaphore, #tpu.memory_space<semaphore_mem>> -> memref<1x!tpu.dma_semaphore, #tpu.memory_space<semaphore_mem>>
    %dma_start3A_156 = tpu.memref_squeeze %dma_start3A_155 : memref<1x!tpu.dma_semaphore, #tpu.memory_space<semaphore_mem>> -> memref<!tpu.dma_semaphore, #tpu.memory_space<semaphore_mem>>
    %dma_start3A_157 = arith.constant 0 : i32
    %dma_start3A_158 = arith.constant 0 : i32
    %dma_start3A_159 = arith.constant 0 : i32
    %dma_start3A_160 = arith.constant 0 : i32
    %dma_start3A_161 = tpu.memref_slice %arg6[%arg1, %dma_start3A_157, %dma_start3A_158, %dma_start3A_159, %dma_start3A_160] : memref<16x4x4x56x56xf32, #tpu.memory_space<vmem_shared>> -> memref<1x4x4x56x56xf32, #tpu.memory_space<vmem_shared>>
    %dma_start3A_162 = tpu.memref_squeeze %dma_start3A_161 : memref<1x4x4x56x56xf32, #tpu.memory_space<vmem_shared>> -> memref<4x4x56x56xf32, #tpu.memory_space<vmem_shared>>
    %dma_start3A_163 = arith.constant 0 : i32
    %dma_start3A_164 = arith.constant 0 : i32
    %dma_start3A_165 = tpu.memref_slice %dma_start3A_162[%dma_start3A_152, %dma_start3A_153, %dma_start3A_163, %dma_start3A_164] : memref<4x4x56x56xf32, #tpu.memory_space<vmem_shared>> -> memref<1x1x56x56xf32, #tpu.memory_space<vmem_shared>>
    %dma_start3A_166 = tpu.memref_squeeze %dma_start3A_165 : memref<1x1x56x56xf32, #tpu.memory_space<vmem_shared>> -> memref<56x56xf32, #tpu.memory_space<vmem_shared>>
    %dma_start3A_167 = arith.constant 0 : i32
    %dma_start3A_168 = arith.constant 0 : i32
    %dma_start3A_169 = tpu.memref_slice %arg2[%add3A, %squeeze3A_151, %dma_start3A_167, %dma_start3A_168] : memref<32x384x56x56xf32, #tpu.memory_space<hbm>> -> memref<1x1x56x56xf32, #tpu.memory_space<hbm>>
    %dma_start3A_170 = tpu.memref_squeeze %dma_start3A_169 : memref<1x1x56x56xf32, #tpu.memory_space<hbm>> -> memref<56x56xf32, #tpu.memory_space<hbm>>
    tpu.enqueue_dma source(%dma_start3A_170 : memref<56x56xf32, #tpu.memory_space<hbm>>) target(%dma_start3A_166 : memref<56x56xf32, #tpu.memory_space<vmem_shared>>) target_semaphore(%dma_start3A_156 : memref<!tpu.dma_semaphore, #tpu.memory_space<semaphore_mem>>)
    %get3A_171 = arith.constant 8 : index
    %get3A_172 = tpu.vector_load %arg5[%get3A_171] {strides = array<i32>} : memref<400xi32, #tpu.memory_space<vmem>>, vector<16xi32>,
    %get3A_173 = vector.shape_cast %get3A_172 : vector<16xi32> to vector<16xi32>
    %slice3A_174 = vector.extract_strided_slice %get3A_173 {offsets = [0], sizes = [1], strides = [1]} : vector<16xi32> to vector<1xi32>
    %squeeze3A_175 = vector.extract %slice3A_174[0] : i32 from vector<1xi32>
    %dma_start3A_176 = arith.constant 2 : i32
    %dma_start3A_177 = arith.constant 0 : i32
    %dma_start3A_178 = arith.constant 2 : i32
    %dma_start3A_179 = tpu.memref_slice %arg7[%dma_start3A_178] : memref<4x!tpu.dma_semaphore, #tpu.memory_space<semaphore_mem>> -> memref<1x!tpu.dma_semaphore, #tpu.memory_space<semaphore_mem>>
    %dma_start3A_180 = tpu.memref_squeeze %dma_start3A_179 : memref<1x!tpu.dma_semaphore, #tpu.memory_space<semaphore_mem>> -> memref<!tpu.dma_semaphore, #tpu.memory_space<semaphore_mem>>
    %dma_start3A_181 = arith.constant 0 : i32
    %dma_start3A_182 = arith.constant 0 : i32
    %dma_start3A_183 = arith.constant 0 : i32
    %dma_start3A_184 = arith.constant 0 : i32
    %dma_start3A_185 = tpu.memref_slice %arg6[%arg1, %dma_start3A_181, %dma_start3A_182, %dma_start3A_183, %dma_start3A_184] : memref<16x4x4x56x56xf32, #tpu.memory_space<vmem_shared>> -> memref<1x4x4x56x56xf32, #tpu.memory_space<vmem_shared>>
    %dma_start3A_186 = tpu.memref_squeeze %dma_start3A_185 : memref<1x4x4x56x56xf32, #tpu.memory_space<vmem_shared>> -> memref<4x4x56x56xf32, #tpu.memory_space<vmem_shared>>
    %dma_start3A_187 = arith.constant 0 : i32
    %dma_start3A_188 = arith.constant 0 : i32
    %dma_start3A_189 = tpu.memref_slice %dma_start3A_186[%dma_start3A_176, %dma_start3A_177, %dma_start3A_187, %dma_start3A_188] : memref<4x4x56x56xf32, #tpu.memory_space<vmem_shared>> -> memref<1x1x56x56xf32, #tpu.memory_space<vmem_shared>>
    %dma_start3A_190 = tpu.memref_squeeze %dma_start3A_189 : memref<1x1x56x56xf32, #tpu.memory_space<vmem_shared>> -> memref<56x56xf32, #tpu.memory_space<vmem_shared>>
    %dma_start3A_191 = arith.constant 0 : i32
    %dma_start3A_192 = arith.constant 0 : i32
    %dma_start3A_193 = tpu.memref_slice %arg2[%add3A, %squeeze3A_175, %dma_start3A_191, %dma_start3A_192] : memref<32x384x56x56xf32, #tpu.memory_space<hbm>> -> memref<1x1x56x56xf32, #tpu.memory_space<hbm>>
    %dma_start3A_194 = tpu.memref_squeeze %dma_start3A_193 : memref<1x1x56x56xf32, #tpu.memory_space<hbm>> -> memref<56x56xf32, #tpu.memory_space<hbm>>
    tpu.enqueue_dma source(%dma_start3A_194 : memref<56x56xf32, #tpu.memory_space<hbm>>) target(%dma_start3A_190 : memref<56x56xf32, #tpu.memory_space<vmem_shared>>) target_semaphore(%dma_start3A_180 : memref<!tpu.dma_semaphore, #tpu.memory_space<semaphore_mem>>)
    %slice3A_195 = vector.extract_strided_slice %get3A_173 {offsets = [1], sizes = [1], strides = [1]} : vector<16xi32> to vector<1xi32>
    %squeeze3A_196 = vector.extract %slice3A_195[0] : i32 from vector<1xi32>
    %dma_start3A_197 = arith.constant 2 : i32
    %dma_start3A_198 = arith.constant 1 : i32
    %dma_start3A_199 = arith.constant 2 : i32
    %dma_start3A_200 = tpu.memref_slice %arg7[%dma_start3A_199] : memref<4x!tpu.dma_semaphore, #tpu.memory_space<semaphore_mem>> -> memref<1x!tpu.dma_semaphore, #tpu.memory_space<semaphore_mem>>
    %dma_start3A_201 = tpu.memref_squeeze %dma_start3A_200 : memref<1x!tpu.dma_semaphore, #tpu.memory_space<semaphore_mem>> -> memref<!tpu.dma_semaphore, #tpu.memory_space<semaphore_mem>>
    %dma_start3A_202 = arith.constant 0 : i32
    %dma_start3A_203 = arith.constant 0 : i32
    %dma_start3A_204 = arith.constant 0 : i32
    %dma_start3A_205 = arith.constant 0 : i32
    %dma_start3A_206 = tpu.memref_slice %arg6[%arg1, %dma_start3A_202, %dma_start3A_203, %dma_start3A_204, %dma_start3A_205] : memref<16x4x4x56x56xf32, #tpu.memory_space<vmem_shared>> -> memref<1x4x4x56x56xf32, #tpu.memory_space<vmem_shared>>
    %dma_start3A_207 = tpu.memref_squeeze %dma_start3A_206 : memref<1x4x4x56x56xf32, #tpu.memory_space<vmem_shared>> -> memref<4x4x56x56xf32, #tpu.memory_space<vmem_shared>>
    %dma_start3A_208 = arith.constant 0 : i32
    %dma_start3A_209 = arith.constant 0 : i32
    %dma_start3A_210 = tpu.memref_slice %dma_start3A_207[%dma_start3A_197, %dma_start3A_198, %dma_start3A_208, %dma_start3A_209] : memref<4x4x56x56xf32, #tpu.memory_space<vmem_shared>> -> memref<1x1x56x56xf32, #tpu.memory_space<vmem_shared>>
    %dma_start3A_211 = tpu.memref_squeeze %dma_start3A_210 : memref<1x1x56x56xf32, #tpu.memory_space<vmem_shared>> -> memref<56x56xf32, #tpu.memory_space<vmem_shared>>
    %dma_start3A_212 = arith.constant 0 : i32
    %dma_start3A_213 = arith.constant 0 : i32
    %dma_start3A_214 = tpu.memref_slice %arg2[%add3A, %squeeze3A_196, %dma_start3A_212, %dma_start3A_213] : memref<32x384x56x56xf32, #tpu.memory_space<hbm>> -> memref<1x1x56x56xf32, #tpu.memory_space<hbm>>
    %dma_start3A_215 = tpu.memref_squeeze %dma_start3A_214 : memref<1x1x56x56xf32, #tpu.memory_space<hbm>> -> memref<56x56xf32, #tpu.memory_space<hbm>>
    tpu.enqueue_dma source(%dma_start3A_215 : memref<56x56xf32, #tpu.memory_space<hbm>>) target(%dma_start3A_211 : memref<56x56xf32, #tpu.memory_space<vmem_shared>>) target_semaphore(%dma_start3A_201 : memref<!tpu.dma_semaphore, #tpu.memory_space<semaphore_mem>>)
    %slice3A_216 = vector.extract_strided_slice %get3A_173 {offsets = [2], sizes = [1], strides = [1]} : vector<16xi32> to vector<1xi32>
    %squeeze3A_217 = vector.extract %slice3A_216[0] : i32 from vector<1xi32>
    %dma_start3A_218 = arith.constant 2 : i32
    %dma_start3A_219 = arith.constant 2 : i32
    %dma_start3A_220 = arith.constant 2 : i32
    %dma_start3A_221 = tpu.memref_slice %arg7[%dma_start3A_220] : memref<4x!tpu.dma_semaphore, #tpu.memory_space<semaphore_mem>> -> memref<1x!tpu.dma_semaphore, #tpu.memory_space<semaphore_mem>>
    %dma_start3A_222 = tpu.memref_squeeze %dma_start3A_221 : memref<1x!tpu.dma_semaphore, #tpu.memory_space<semaphore_mem>> -> memref<!tpu.dma_semaphore, #tpu.memory_space<semaphore_mem>>
    %dma_start3A_223 = arith.constant 0 : i32
    %dma_start3A_224 = arith.constant 0 : i32
    %dma_start3A_225 = arith.constant 0 : i32
    %dma_start3A_226 = arith.constant 0 : i32
    %dma_start3A_227 = tpu.memref_slice %arg6[%arg1, %dma_start3A_223, %dma_start3A_224, %dma_start3A_225, %dma_start3A_226] : memref<16x4x4x56x56xf32, #tpu.memory_space<vmem_shared>> -> memref<1x4x4x56x56xf32, #tpu.memory_space<vmem_shared>>
    %dma_start3A_228 = tpu.memref_squeeze %dma_start3A_227 : memref<1x4x4x56x56xf32, #tpu.memory_space<vmem_shared>> -> memref<4x4x56x56xf32, #tpu.memory_space<vmem_shared>>
    %dma_start3A_229 = arith.constant 0 : i32
    %dma_start3A_230 = arith.constant 0 : i32
    %dma_start3A_231 = tpu.memref_slice %dma_start3A_228[%dma_start3A_218, %dma_start3A_219, %dma_start3A_229, %dma_start3A_230] : memref<4x4x56x56xf32, #tpu.memory_space<vmem_shared>> -> memref<1x1x56x56xf32, #tpu.memory_space<vmem_shared>>
    %dma_start3A_232 = tpu.memref_squeeze %dma_start3A_231 : memref<1x1x56x56xf32, #tpu.memory_space<vmem_shared>> -> memref<56x56xf32, #tpu.memory_space<vmem_shared>>
    %dma_start3A_233 = arith.constant 0 : i32
    %dma_start3A_234 = arith.constant 0 : i32
    %dma_start3A_235 = tpu.memref_slice %arg2[%add3A, %squeeze3A_217, %dma_start3A_233, %dma_start3A_234] : memref<32x384x56x56xf32, #tpu.memory_space<hbm>> -> memref<1x1x56x56xf32, #tpu.memory_space<hbm>>
    %dma_start3A_236 = tpu.memref_squeeze %dma_start3A_235 : memref<1x1x56x56xf32, #tpu.memory_space<hbm>> -> memref<56x56xf32, #tpu.memory_space<hbm>>
    tpu.enqueue_dma source(%dma_start3A_236 : memref<56x56xf32, #tpu.memory_space<hbm>>) target(%dma_start3A_232 : memref<56x56xf32, #tpu.memory_space<vmem_shared>>) target_semaphore(%dma_start3A_222 : memref<!tpu.dma_semaphore, #tpu.memory_space<semaphore_mem>>)
    %slice3A_237 = vector.extract_strided_slice %get3A_173 {offsets = [3], sizes = [1], strides = [1]} : vector<16xi32> to vector<1xi32>
    %squeeze3A_238 = vector.extract %slice3A_237[0] : i32 from vector<1xi32>
    %dma_start3A_239 = arith.constant 2 : i32
    %dma_start3A_240 = arith.constant 3 : i32
    %dma_start3A_241 = arith.constant 2 : i32
    %dma_start3A_242 = tpu.memref_slice %arg7[%dma_start3A_241] : memref<4x!tpu.dma_semaphore, #tpu.memory_space<semaphore_mem>> -> memref<1x!tpu.dma_semaphore, #tpu.memory_space<semaphore_mem>>
    %dma_start3A_243 = tpu.memref_squeeze %dma_start3A_242 : memref<1x!tpu.dma_semaphore, #tpu.memory_space<semaphore_mem>> -> memref<!tpu.dma_semaphore, #tpu.memory_space<semaphore_mem>>
    %dma_start3A_244 = arith.constant 0 : i32
    %dma_start3A_245 = arith.constant 0 : i32
    %dma_start3A_246 = arith.constant 0 : i32
    %dma_start3A_247 = arith.constant 0 : i32
    %dma_start3A_248 = tpu.memref_slice %arg6[%arg1, %dma_start3A_244, %dma_start3A_245, %dma_start3A_246, %dma_start3A_247] : memref<16x4x4x56x56xf32, #tpu.memory_space<vmem_shared>> -> memref<1x4x4x56x56xf32, #tpu.memory_space<vmem_shared>>
    %dma_start3A_249 = tpu.memref_squeeze %dma_start3A_248 : memref<1x4x4x56x56xf32, #tpu.memory_space<vmem_shared>> -> memref<4x4x56x56xf32, #tpu.memory_space<vmem_shared>>
    %dma_start3A_250 = arith.constant 0 : i32
    %dma_start3A_251 = arith.constant 0 : i32
    %dma_start3A_252 = tpu.memref_slice %dma_start3A_249[%dma_start3A_239, %dma_start3A_240, %dma_start3A_250, %dma_start3A_251] : memref<4x4x56x56xf32, #tpu.memory_space<vmem_shared>> -> memref<1x1x56x56xf32, #tpu.memory_space<vmem_shared>>
    %dma_start3A_253 = tpu.memref_squeeze %dma_start3A_252 : memref<1x1x56x56xf32, #tpu.memory_space<vmem_shared>> -> memref<56x56xf32, #tpu.memory_space<vmem_shared>>
    %dma_start3A_254 = arith.constant 0 : i32
    %dma_start3A_255 = arith.constant 0 : i32
    %dma_start3A_256 = tpu.memref_slice %arg2[%add3A, %squeeze3A_238, %dma_start3A_254, %dma_start3A_255] : memref<32x384x56x56xf32, #tpu.memory_space<hbm>> -> memref<1x1x56x56xf32, #tpu.memory_space<hbm>>
    %dma_start3A_257 = tpu.memref_squeeze %dma_start3A_256 : memref<1x1x56x56xf32, #tpu.memory_space<hbm>> -> memref<56x56xf32, #tpu.memory_space<hbm>>
    tpu.enqueue_dma source(%dma_start3A_257 : memref<56x56xf32, #tpu.memory_space<hbm>>) target(%dma_start3A_253 : memref<56x56xf32, #tpu.memory_space<vmem_shared>>) target_semaphore(%dma_start3A_243 : memref<!tpu.dma_semaphore, #tpu.memory_space<semaphore_mem>>)
    %dma_wait3A = arith.constant 0 : i32
    %dma_wait3A_258 = arith.constant 0 : i32
    %dma_wait3A_259 = arith.constant 0 : i32
    %dma_wait3A_260 = arith.constant 0 : i32
    %dma_wait3A_261 = arith.constant 0 : i32
    %dma_wait3A_262 = tpu.memref_slice %arg7[%dma_wait3A_261] : memref<4x!tpu.dma_semaphore, #tpu.memory_space<semaphore_mem>> -> memref<1x!tpu.dma_semaphore, #tpu.memory_space<semaphore_mem>>
    %dma_wait3A_263 = tpu.memref_squeeze %dma_wait3A_262 : memref<1x!tpu.dma_semaphore, #tpu.memory_space<semaphore_mem>> -> memref<!tpu.dma_semaphore, #tpu.memory_space<semaphore_mem>>
    %dma_wait3A_264 = arith.constant 0 : i32
    %dma_wait3A_265 = arith.constant 0 : i32
    %dma_wait3A_266 = arith.constant 0 : i32
    %dma_wait3A_267 = arith.constant 0 : i32
    %dma_wait3A_268 = tpu.memref_slice %arg6[%arg1, %dma_wait3A_264, %dma_wait3A_265, %dma_wait3A_266, %dma_wait3A_267] : memref<16x4x4x56x56xf32, #tpu.memory_space<vmem_shared>> -> memref<1x4x4x56x56xf32, #tpu.memory_space<vmem_shared>>
    %dma_wait3A_269 = tpu.memref_squeeze %dma_wait3A_268 : memref<1x4x4x56x56xf32, #tpu.memory_space<vmem_shared>> -> memref<4x4x56x56xf32, #tpu.memory_space<vmem_shared>>
    %dma_wait3A_270 = arith.constant 0 : i32
    %dma_wait3A_271 = arith.constant 0 : i32
    %dma_wait3A_272 = tpu.memref_slice %dma_wait3A_269[%dma_wait3A_259, %dma_wait3A_260, %dma_wait3A_270, %dma_wait3A_271] : memref<4x4x56x56xf32, #tpu.memory_space<vmem_shared>> -> memref<1x1x56x56xf32, #tpu.memory_space<vmem_shared>>
    %dma_wait3A_273 = tpu.memref_squeeze %dma_wait3A_272 : memref<1x1x56x56xf32, #tpu.memory_space<vmem_shared>> -> memref<56x56xf32, #tpu.memory_space<vmem_shared>>
    %dma_wait3A_274 = arith.constant 0 : i32
    %dma_wait3A_275 = arith.constant 0 : i32
    %dma_wait3A_276 = tpu.memref_slice %arg2[%dma_wait3A, %dma_wait3A_258, %dma_wait3A_274, %dma_wait3A_275] : memref<32x384x56x56xf32, #tpu.memory_space<hbm>> -> memref<1x1x56x56xf32, #tpu.memory_space<hbm>>
    %dma_wait3A_277 = tpu.memref_squeeze %dma_wait3A_276 : memref<1x1x56x56xf32, #tpu.memory_space<hbm>> -> memref<56x56xf32, #tpu.memory_space<hbm>>
    tpu.wait_dma2 semaphore(%dma_wait3A_263 : memref<!tpu.dma_semaphore, #tpu.memory_space<semaphore_mem>>) src(%dma_wait3A_277 : memref<56x56xf32, #tpu.memory_space<hbm>>) dst(%dma_wait3A_273 : memref<56x56xf32, #tpu.memory_space<vmem_shared>>)
    %dma_wait3A_278 = arith.constant 0 : i32
    %dma_wait3A_279 = arith.constant 0 : i32
    %dma_wait3A_280 = arith.constant 0 : i32
    %dma_wait3A_281 = arith.constant 0 : i32
    %dma_wait3A_282 = arith.constant 0 : i32
    %dma_wait3A_283 = tpu.memref_slice %arg7[%dma_wait3A_282] : memref<4x!tpu.dma_semaphore, #tpu.memory_space<semaphore_mem>> -> memref<1x!tpu.dma_semaphore, #tpu.memory_space<semaphore_mem>>
    %dma_wait3A_284 = tpu.memref_squeeze %dma_wait3A_283 : memref<1x!tpu.dma_semaphore, #tpu.memory_space<semaphore_mem>> -> memref<!tpu.dma_semaphore, #tpu.memory_space<semaphore_mem>>
    %dma_wait3A_285 = arith.constant 0 : i32
    %dma_wait3A_286 = arith.constant 0 : i32
    %dma_wait3A_287 = arith.constant 0 : i32
    %dma_wait3A_288 = arith.constant 0 : i32
    %dma_wait3A_289 = tpu.memref_slice %arg6[%arg1, %dma_wait3A_285, %dma_wait3A_286, %dma_wait3A_287, %dma_wait3A_288] : memref<16x4x4x56x56xf32, #tpu.memory_space<vmem_shared>> -> memref<1x4x4x56x56xf32, #tpu.memory_space<vmem_shared>>
    %dma_wait3A_290 = tpu.memref_squeeze %dma_wait3A_289 : memref<1x4x4x56x56xf32, #tpu.memory_space<vmem_shared>> -> memref<4x4x56x56xf32, #tpu.memory_space<vmem_shared>>
    %dma_wait3A_291 = arith.constant 0 : i32
    %dma_wait3A_292 = arith.constant 0 : i32
    %dma_wait3A_293 = tpu.memref_slice %dma_wait3A_290[%dma_wait3A_280, %dma_wait3A_281, %dma_wait3A_291, %dma_wait3A_292] : memref<4x4x56x56xf32, #tpu.memory_space<vmem_shared>> -> memref<1x1x56x56xf32, #tpu.memory_space<vmem_shared>>
    %dma_wait3A_294 = tpu.memref_squeeze %dma_wait3A_293 : memref<1x1x56x56xf32, #tpu.memory_space<vmem_shared>> -> memref<56x56xf32, #tpu.memory_space<vmem_shared>>
    %dma_wait3A_295 = arith.constant 0 : i32
    %dma_wait3A_296 = arith.constant 0 : i32
    %dma_wait3A_297 = tpu.memref_slice %arg2[%dma_wait3A_278, %dma_wait3A_279, %dma_wait3A_295, %dma_wait3A_296] : memref<32x384x56x56xf32, #tpu.memory_space<hbm>> -> memref<1x1x56x56xf32, #tpu.memory_space<hbm>>
    %dma_wait3A_298 = tpu.memref_squeeze %dma_wait3A_297 : memref<1x1x56x56xf32, #tpu.memory_space<hbm>> -> memref<56x56xf32, #tpu.memory_space<hbm>>
    tpu.wait_dma2 semaphore(%dma_wait3A_284 : memref<!tpu.dma_semaphore, #tpu.memory_space<semaphore_mem>>) src(%dma_wait3A_298 : memref<56x56xf32, #tpu.memory_space<hbm>>) dst(%dma_wait3A_294 : memref<56x56xf32, #tpu.memory_space<vmem_shared>>)
    %dma_wait3A_299 = arith.constant 0 : i32
    %dma_wait3A_300 = arith.constant 0 : i32
    %dma_wait3A_301 = arith.constant 0 : i32
    %dma_wait3A_302 = arith.constant 0 : i32
    %dma_wait3A_303 = arith.constant 0 : i32
    %dma_wait3A_304 = tpu.memref_slice %arg7[%dma_wait3A_303] : memref<4x!tpu.dma_semaphore, #tpu.memory_space<semaphore_mem>> -> memref<1x!tpu.dma_semaphore, #tpu.memory_space<semaphore_mem>>
    %dma_wait3A_305 = tpu.memref_squeeze %dma_wait3A_304 : memref<1x!tpu.dma_semaphore, #tpu.memory_space<semaphore_mem>> -> memref<!tpu.dma_semaphore, #tpu.memory_space<semaphore_mem>>
    %dma_wait3A_306 = arith.constant 0 : i32
    %dma_wait3A_307 = arith.constant 0 : i32
    %dma_wait3A_308 = arith.constant 0 : i32
    %dma_wait3A_309 = arith.constant 0 : i32
    %dma_wait3A_310 = tpu.memref_slice %arg6[%arg1, %dma_wait3A_306, %dma_wait3A_307, %dma_wait3A_308, %dma_wait3A_309] : memref<16x4x4x56x56xf32, #tpu.memory_space<vmem_shared>> -> memref<1x4x4x56x56xf32, #tpu.memory_space<vmem_shared>>
    %dma_wait3A_311 = tpu.memref_squeeze %dma_wait3A_310 : memref<1x4x4x56x56xf32, #tpu.memory_space<vmem_shared>> -> memref<4x4x56x56xf32, #tpu.memory_space<vmem_shared>>
    %dma_wait3A_312 = arith.constant 0 : i32
    %dma_wait3A_313 = arith.constant 0 : i32
    %dma_wait3A_314 = tpu.memref_slice %dma_wait3A_311[%dma_wait3A_301, %dma_wait3A_302, %dma_wait3A_312, %dma_wait3A_313] : memref<4x4x56x56xf32, #tpu.memory_space<vmem_shared>> -> memref<1x1x56x56xf32, #tpu.memory_space<vmem_shared>>
    %dma_wait3A_315 = tpu.memref_squeeze %dma_wait3A_314 : memref<1x1x56x56xf32, #tpu.memory_space<vmem_shared>> -> memref<56x56xf32, #tpu.memory_space<vmem_shared>>
    %dma_wait3A_316 = arith.constant 0 : i32
    %dma_wait3A_317 = arith.constant 0 : i32
    %dma_wait3A_318 = tpu.memref_slice %arg2[%dma_wait3A_299, %dma_wait3A_300, %dma_wait3A_316, %dma_wait3A_317] : memref<32x384x56x56xf32, #tpu.memory_space<hbm>> -> memref<1x1x56x56xf32, #tpu.memory_space<hbm>>
    %dma_wait3A_319 = tpu.memref_squeeze %dma_wait3A_318 : memref<1x1x56x56xf32, #tpu.memory_space<hbm>> -> memref<56x56xf32, #tpu.memory_space<hbm>>
    tpu.wait_dma2 semaphore(%dma_wait3A_305 : memref<!tpu.dma_semaphore, #tpu.memory_space<semaphore_mem>>) src(%dma_wait3A_319 : memref<56x56xf32, #tpu.memory_space<hbm>>) dst(%dma_wait3A_315 : memref<56x56xf32, #tpu.memory_space<vmem_shared>>)
    %dma_wait3A_320 = arith.constant 0 : i32
    %dma_wait3A_321 = arith.constant 0 : i32
    %dma_wait3A_322 = arith.constant 0 : i32
    %dma_wait3A_323 = arith.constant 0 : i32
    %dma_wait3A_324 = arith.constant 0 : i32
    %dma_wait3A_325 = tpu.memref_slice %arg7[%dma_wait3A_324] : memref<4x!tpu.dma_semaphore, #tpu.memory_space<semaphore_mem>> -> memref<1x!tpu.dma_semaphore, #tpu.memory_space<semaphore_mem>>
    %dma_wait3A_326 = tpu.memref_squeeze %dma_wait3A_325 : memref<1x!tpu.dma_semaphore, #tpu.memory_space<semaphore_mem>> -> memref<!tpu.dma_semaphore, #tpu.memory_space<semaphore_mem>>
    %dma_wait3A_327 = arith.constant 0 : i32
    %dma_wait3A_328 = arith.constant 0 : i32
    %dma_wait3A_329 = arith.constant 0 : i32
    %dma_wait3A_330 = arith.constant 0 : i32
    %dma_wait3A_331 = tpu.memref_slice %arg6[%arg1, %dma_wait3A_327, %dma_wait3A_328, %dma_wait3A_329, %dma_wait3A_330] : memref<16x4x4x56x56xf32, #tpu.memory_space<vmem_shared>> -> memref<1x4x4x56x56xf32, #tpu.memory_space<vmem_shared>>
    %dma_wait3A_332 = tpu.memref_squeeze %dma_wait3A_331 : memref<1x4x4x56x56xf32, #tpu.memory_space<vmem_shared>> -> memref<4x4x56x56xf32, #tpu.memory_space<vmem_shared>>
    %dma_wait3A_333 = arith.constant 0 : i32
    %dma_wait3A_334 = arith.constant 0 : i32
    %dma_wait3A_335 = tpu.memref_slice %dma_wait3A_332[%dma_wait3A_322, %dma_wait3A_323, %dma_wait3A_333, %dma_wait3A_334] : memref<4x4x56x56xf32, #tpu.memory_space<vmem_shared>> -> memref<1x1x56x56xf32, #tpu.memory_space<vmem_shared>>
    %dma_wait3A_336 = tpu.memref_squeeze %dma_wait3A_335 : memref<1x1x56x56xf32, #tpu.memory_space<vmem_shared>> -> memref<56x56xf32, #tpu.memory_space<vmem_shared>>
    %dma_wait3A_337 = arith.constant 0 : i32
    %dma_wait3A_338 = arith.constant 0 : i32
    %dma_wait3A_339 = tpu.memref_slice %arg2[%dma_wait3A_320, %dma_wait3A_321, %dma_wait3A_337, %dma_wait3A_338] : memref<32x384x56x56xf32, #tpu.memory_space<hbm>> -> memref<1x1x56x56xf32, #tpu.memory_space<hbm>>
    %dma_wait3A_340 = tpu.memref_squeeze %dma_wait3A_339 : memref<1x1x56x56xf32, #tpu.memory_space<hbm>> -> memref<56x56xf32, #tpu.memory_space<hbm>>
    tpu.wait_dma2 semaphore(%dma_wait3A_326 : memref<!tpu.dma_semaphore, #tpu.memory_space<semaphore_mem>>) src(%dma_wait3A_340 : memref<56x56xf32, #tpu.memory_space<hbm>>) dst(%dma_wait3A_336 : memref<56x56xf32, #tpu.memory_space<vmem_shared>>)
    %dma_start3A_341 = arith.constant 0 : i32
    %dma_start3A_342 = arith.constant 0 : i32
    %dma_start3A_343 = tpu.memref_slice %arg8[%dma_start3A_342] : memref<4x!tpu.dma_semaphore, #tpu.memory_space<semaphore_mem>> -> memref<1x!tpu.dma_semaphore, #tpu.memory_space<semaphore_mem>>
    %dma_start3A_344 = tpu.memref_squeeze %dma_start3A_343 : memref<1x!tpu.dma_semaphore, #tpu.memory_space<semaphore_mem>> -> memref<!tpu.dma_semaphore, #tpu.memory_space<semaphore_mem>>
    %dma_start3A_345 = arith.constant 0 : i32
    %dma_start3A_346 = arith.constant 0 : i32
    %dma_start3A_347 = arith.constant 0 : i32
    %dma_start3A_348 = tpu.memref_slice %arg4[%add3A, %dma_start3A_345, %dma_start3A_346, %dma_start3A_347] : memref<32x384x56x56xf32, #tpu.memory_space<hbm>> -> memref<1x4x56x56xf32, #tpu.memory_space<hbm>>
    %dma_start3A_349 = tpu.memref_squeeze %dma_start3A_348 : memref<1x4x56x56xf32, #tpu.memory_space<hbm>> -> memref<4x56x56xf32, #tpu.memory_space<hbm>>
    %dma_start3A_350 = arith.constant 0 : i32
    %dma_start3A_351 = arith.constant 0 : i32
    %dma_start3A_352 = arith.constant 0 : i32
    %dma_start3A_353 = arith.constant 0 : i32
    %dma_start3A_354 = tpu.memref_slice %arg6[%arg1, %dma_start3A_350, %dma_start3A_351, %dma_start3A_352, %dma_start3A_353] : memref<16x4x4x56x56xf32, #tpu.memory_space<vmem_shared>> -> memref<1x4x4x56x56xf32, #tpu.memory_space<vmem_shared>>
    %dma_start3A_355 = tpu.memref_squeeze %dma_start3A_354 : memref<1x4x4x56x56xf32, #tpu.memory_space<vmem_shared>> -> memref<4x4x56x56xf32, #tpu.memory_space<vmem_shared>>
    %dma_start3A_356 = arith.constant 0 : i32
    %dma_start3A_357 = arith.constant 0 : i32
    %dma_start3A_358 = arith.constant 0 : i32
    %dma_start3A_359 = tpu.memref_slice %dma_start3A_355[%dma_start3A_341, %dma_start3A_356, %dma_start3A_357, %dma_start3A_358] : memref<4x4x56x56xf32, #tpu.memory_space<vmem_shared>> -> memref<1x4x56x56xf32, #tpu.memory_space<vmem_shared>>
    %dma_start3A_360 = tpu.memref_squeeze %dma_start3A_359 : memref<1x4x56x56xf32, #tpu.memory_space<vmem_shared>> -> memref<4x56x56xf32, #tpu.memory_space<vmem_shared>>
    tpu.enqueue_dma source(%dma_start3A_360 : memref<4x56x56xf32, #tpu.memory_space<vmem_shared>>) target(%dma_start3A_349 : memref<4x56x56xf32, #tpu.memory_space<hbm>>) target_semaphore(%dma_start3A_344 : memref<!tpu.dma_semaphore, #tpu.memory_space<semaphore_mem>>)
    %get3A_361 = arith.constant 12 : index
    %get3A_362 = tpu.vector_load %arg5[%get3A_361] {strides = array<i32>} : memref<400xi32, #tpu.memory_space<vmem>>, vector<16xi32>,
    %get3A_363 = vector.shape_cast %get3A_362 : vector<16xi32> to vector<16xi32>
    %slice3A_364 = vector.extract_strided_slice %get3A_363 {offsets = [0], sizes = [1], strides = [1]} : vector<16xi32> to vector<1xi32>
    %squeeze3A_365 = vector.extract %slice3A_364[0] : i32 from vector<1xi32>
    %dma_start3A_366 = arith.constant 3 : i32
    %dma_start3A_367 = arith.constant 0 : i32
    %dma_start3A_368 = arith.constant 3 : i32
    %dma_start3A_369 = tpu.memref_slice %arg7[%dma_start3A_368] : memref<4x!tpu.dma_semaphore, #tpu.memory_space<semaphore_mem>> -> memref<1x!tpu.dma_semaphore, #tpu.memory_space<semaphore_mem>>
    %dma_start3A_370 = tpu.memref_squeeze %dma_start3A_369 : memref<1x!tpu.dma_semaphore, #tpu.memory_space<semaphore_mem>> -> memref<!tpu.dma_semaphore, #tpu.memory_space<semaphore_mem>>
    %dma_start3A_371 = arith.constant 0 : i32
    %dma_start3A_372 = arith.constant 0 : i32
    %dma_start3A_373 = arith.constant 0 : i32
    %dma_start3A_374 = arith.constant 0 : i32
    %dma_start3A_375 = tpu.memref_slice %arg6[%arg1, %dma_start3A_371, %dma_start3A_372, %dma_start3A_373, %dma_start3A_374] : memref<16x4x4x56x56xf32, #tpu.memory_space<vmem_shared>> -> memref<1x4x4x56x56xf32, #tpu.memory_space<vmem_shared>>
    %dma_start3A_376 = tpu.memref_squeeze %dma_start3A_375 : memref<1x4x4x56x56xf32, #tpu.memory_space<vmem_shared>> -> memref<4x4x56x56xf32, #tpu.memory_space<vmem_shared>>
    %dma_start3A_377 = arith.constant 0 : i32
    %dma_start3A_378 = arith.constant 0 : i32
    %dma_start3A_379 = tpu.memref_slice %dma_start3A_376[%dma_start3A_366, %dma_start3A_367, %dma_start3A_377, %dma_start3A_378] : memref<4x4x56x56xf32, #tpu.memory_space<vmem_shared>> -> memref<1x1x56x56xf32, #tpu.memory_space<vmem_shared>>
    %dma_start3A_380 = tpu.memref_squeeze %dma_start3A_379 : memref<1x1x56x56xf32, #tpu.memory_space<vmem_shared>> -> memref<56x56xf32, #tpu.memory_space<vmem_shared>>
    %dma_start3A_381 = arith.constant 0 : i32
    %dma_start3A_382 = arith.constant 0 : i32
    %dma_start3A_383 = tpu.memref_slice %arg2[%add3A, %squeeze3A_365, %dma_start3A_381, %dma_start3A_382] : memref<32x384x56x56xf32, #tpu.memory_space<hbm>> -> memref<1x1x56x56xf32, #tpu.memory_space<hbm>>
    %dma_start3A_384 = tpu.memref_squeeze %dma_start3A_383 : memref<1x1x56x56xf32, #tpu.memory_space<hbm>> -> memref<56x56xf32, #tpu.memory_space<hbm>>
    tpu.enqueue_dma source(%dma_start3A_384 : memref<56x56xf32, #tpu.memory_space<hbm>>) target(%dma_start3A_380 : memref<56x56xf32, #tpu.memory_space<vmem_shared>>) target_semaphore(%dma_start3A_370 : memref<!tpu.dma_semaphore, #tpu.memory_space<semaphore_mem>>)
    %slice3A_385 = vector.extract_strided_slice %get3A_363 {offsets = [1], sizes = [1], strides = [1]} : vector<16xi32> to vector<1xi32>
    %squeeze3A_386 = vector.extract %slice3A_385[0] : i32 from vector<1xi32>
    %dma_start3A_387 = arith.constant 3 : i32
    %dma_start3A_388 = arith.constant 1 : i32
    %dma_start3A_389 = arith.constant 3 : i32
    %dma_start3A_390 = tpu.memref_slice %arg7[%dma_start3A_389] : memref<4x!tpu.dma_semaphore, #tpu.memory_space<semaphore_mem>> -> memref<1x!tpu.dma_semaphore, #tpu.memory_space<semaphore_mem>>
    %dma_start3A_391 = tpu.memref_squeeze %dma_start3A_390 : memref<1x!tpu.dma_semaphore, #tpu.memory_space<semaphore_mem>> -> memref<!tpu.dma_semaphore, #tpu.memory_space<semaphore_mem>>
    %dma_start3A_392 = arith.constant 0 : i32
    %dma_start3A_393 = arith.constant 0 : i32
    %dma_start3A_394 = arith.constant 0 : i32
    %dma_start3A_395 = arith.constant 0 : i32
    %dma_start3A_396 = tpu.memref_slice %arg6[%arg1, %dma_start3A_392, %dma_start3A_393, %dma_start3A_394, %dma_start3A_395] : memref<16x4x4x56x56xf32, #tpu.memory_space<vmem_shared>> -> memref<1x4x4x56x56xf32, #tpu.memory_space<vmem_shared>>
    %dma_start3A_397 = tpu.memref_squeeze %dma_start3A_396 : memref<1x4x4x56x56xf32, #tpu.memory_space<vmem_shared>> -> memref<4x4x56x56xf32, #tpu.memory_space<vmem_shared>>
    %dma_start3A_398 = arith.constant 0 : i32
    %dma_start3A_399 = arith.constant 0 : i32
    %dma_start3A_400 = tpu.memref_slice %dma_start3A_397[%dma_start3A_387, %dma_start3A_388, %dma_start3A_398, %dma_start3A_399] : memref<4x4x56x56xf32, #tpu.memory_space<vmem_shared>> -> memref<1x1x56x56xf32, #tpu.memory_space<vmem_shared>>
    %dma_start3A_401 = tpu.memref_squeeze %dma_start3A_400 : memref<1x1x56x56xf32, #tpu.memory_space<vmem_shared>> -> memref<56x56xf32, #tpu.memory_space<vmem_shared>>
    %dma_start3A_402 = arith.constant 0 : i32
    %dma_start3A_403 = arith.constant 0 : i32
    %dma_start3A_404 = tpu.memref_slice %arg2[%add3A, %squeeze3A_386, %dma_start3A_402, %dma_start3A_403] : memref<32x384x56x56xf32, #tpu.memory_space<hbm>> -> memref<1x1x56x56xf32, #tpu.memory_space<hbm>>
    %dma_start3A_405 = tpu.memref_squeeze %dma_start3A_404 : memref<1x1x56x56xf32, #tpu.memory_space<hbm>> -> memref<56x56xf32, #tpu.memory_space<hbm>>
    tpu.enqueue_dma source(%dma_start3A_405 : memref<56x56xf32, #tpu.memory_space<hbm>>) target(%dma_start3A_401 : memref<56x56xf32, #tpu.memory_space<vmem_shared>>) target_semaphore(%dma_start3A_391 : memref<!tpu.dma_semaphore, #tpu.memory_space<semaphore_mem>>)
    %slice3A_406 = vector.extract_strided_slice %get3A_363 {offsets = [2], sizes = [1], strides = [1]} : vector<16xi32> to vector<1xi32>
    %squeeze3A_407 = vector.extract %slice3A_406[0] : i32 from vector<1xi32>
    %dma_start3A_408 = arith.constant 3 : i32
    %dma_start3A_409 = arith.constant 2 : i32
    %dma_start3A_410 = arith.constant 3 : i32
    %dma_start3A_411 = tpu.memref_slice %arg7[%dma_start3A_410] : memref<4x!tpu.dma_semaphore, #tpu.memory_space<semaphore_mem>> -> memref<1x!tpu.dma_semaphore, #tpu.memory_space<semaphore_mem>>
    %dma_start3A_412 = tpu.memref_squeeze %dma_start3A_411 : memref<1x!tpu.dma_semaphore, #tpu.memory_space<semaphore_mem>> -> memref<!tpu.dma_semaphore, #tpu.memory_space<semaphore_mem>>
    %dma_start3A_413 = arith.constant 0 : i32
    %dma_start3A_414 = arith.constant 0 : i32
    %dma_start3A_415 = arith.constant 0 : i32
    %dma_start3A_416 = arith.constant 0 : i32
    %dma_start3A_417 = tpu.memref_slice %arg6[%arg1, %dma_start3A_413, %dma_start3A_414, %dma_start3A_415, %dma_start3A_416] : memref<16x4x4x56x56xf32, #tpu.memory_space<vmem_shared>> -> memref<1x4x4x56x56xf32, #tpu.memory_space<vmem_shared>>
    %dma_start3A_418 = tpu.memref_squeeze %dma_start3A_417 : memref<1x4x4x56x56xf32, #tpu.memory_space<vmem_shared>> -> memref<4x4x56x56xf32, #tpu.memory_space<vmem_shared>>
    %dma_start3A_419 = arith.constant 0 : i32
    %dma_start3A_420 = arith.constant 0 : i32
    %dma_start3A_421 = tpu.memref_slice %dma_start3A_418[%dma_start3A_408, %dma_start3A_409, %dma_start3A_419, %dma_start3A_420] : memref<4x4x56x56xf32, #tpu.memory_space<vmem_shared>> -> memref<1x1x56x56xf32, #tpu.memory_space<vmem_shared>>
    %dma_start3A_422 = tpu.memref_squeeze %dma_start3A_421 : memref<1x1x56x56xf32, #tpu.memory_space<vmem_shared>> -> memref<56x56xf32, #tpu.memory_space<vmem_shared>>
    %dma_start3A_423 = arith.constant 0 : i32
    %dma_start3A_424 = arith.constant 0 : i32
    %dma_start3A_425 = tpu.memref_slice %arg2[%add3A, %squeeze3A_407, %dma_start3A_423, %dma_start3A_424] : memref<32x384x56x56xf32, #tpu.memory_space<hbm>> -> memref<1x1x56x56xf32, #tpu.memory_space<hbm>>
    %dma_start3A_426 = tpu.memref_squeeze %dma_start3A_425 : memref<1x1x56x56xf32, #tpu.memory_space<hbm>> -> memref<56x56xf32, #tpu.memory_space<hbm>>
    tpu.enqueue_dma source(%dma_start3A_426 : memref<56x56xf32, #tpu.memory_space<hbm>>) target(%dma_start3A_422 : memref<56x56xf32, #tpu.memory_space<vmem_shared>>) target_semaphore(%dma_start3A_412 : memref<!tpu.dma_semaphore, #tpu.memory_space<semaphore_mem>>)
    %slice3A_427 = vector.extract_strided_slice %get3A_363 {offsets = [3], sizes = [1], strides = [1]} : vector<16xi32> to vector<1xi32>
    %squeeze3A_428 = vector.extract %slice3A_427[0] : i32 from vector<1xi32>
    %dma_start3A_429 = arith.constant 3 : i32
    %dma_start3A_430 = arith.constant 3 : i32
    %dma_start3A_431 = arith.constant 3 : i32
    %dma_start3A_432 = tpu.memref_slice %arg7[%dma_start3A_431] : memref<4x!tpu.dma_semaphore, #tpu.memory_space<semaphore_mem>> -> memref<1x!tpu.dma_semaphore, #tpu.memory_space<semaphore_mem>>
    %dma_start3A_433 = tpu.memref_squeeze %dma_start3A_432 : memref<1x!tpu.dma_semaphore, #tpu.memory_space<semaphore_mem>> -> memref<!tpu.dma_semaphore, #tpu.memory_space<semaphore_mem>>
    %dma_start3A_434 = arith.constant 0 : i32
    %dma_start3A_435 = arith.constant 0 : i32
    %dma_start3A_436 = arith.constant 0 : i32
    %dma_start3A_437 = arith.constant 0 : i32
    %dma_start3A_438 = tpu.memref_slice %arg6[%arg1, %dma_start3A_434, %dma_start3A_435, %dma_start3A_436, %dma_start3A_437] : memref<16x4x4x56x56xf32, #tpu.memory_space<vmem_shared>> -> memref<1x4x4x56x56xf32, #tpu.memory_space<vmem_shared>>
    %dma_start3A_439 = tpu.memref_squeeze %dma_start3A_438 : memref<1x4x4x56x56xf32, #tpu.memory_space<vmem_shared>> -> memref<4x4x56x56xf32, #tpu.memory_space<vmem_shared>>
    %dma_start3A_440 = arith.constant 0 : i32
    %dma_start3A_441 = arith.constant 0 : i32
    %dma_start3A_442 = tpu.memref_slice %dma_start3A_439[%dma_start3A_429, %dma_start3A_430, %dma_start3A_440, %dma_start3A_441] : memref<4x4x56x56xf32, #tpu.memory_space<vmem_shared>> -> memref<1x1x56x56xf32, #tpu.memory_space<vmem_shared>>
    %dma_start3A_443 = tpu.memref_squeeze %dma_start3A_442 : memref<1x1x56x56xf32, #tpu.memory_space<vmem_shared>> -> memref<56x56xf32, #tpu.memory_space<vmem_shared>>
    %dma_start3A_444 = arith.constant 0 : i32
    %dma_start3A_445 = arith.constant 0 : i32
    %dma_start3A_446 = tpu.memref_slice %arg2[%add3A, %squeeze3A_428, %dma_start3A_444, %dma_start3A_445] : memref<32x384x56x56xf32, #tpu.memory_space<hbm>> -> memref<1x1x56x56xf32, #tpu.memory_space<hbm>>
    %dma_start3A_447 = tpu.memref_squeeze %dma_start3A_446 : memref<1x1x56x56xf32, #tpu.memory_space<hbm>> -> memref<56x56xf32, #tpu.memory_space<hbm>>
    tpu.enqueue_dma source(%dma_start3A_447 : memref<56x56xf32, #tpu.memory_space<hbm>>) target(%dma_start3A_443 : memref<56x56xf32, #tpu.memory_space<vmem_shared>>) target_semaphore(%dma_start3A_433 : memref<!tpu.dma_semaphore, #tpu.memory_space<semaphore_mem>>)
    %dma_wait3A_448 = arith.constant 0 : i32
    %dma_wait3A_449 = arith.constant 0 : i32
    %dma_wait3A_450 = arith.constant 1 : i32
    %dma_wait3A_451 = arith.constant 0 : i32
    %dma_wait3A_452 = arith.constant 1 : i32
    %dma_wait3A_453 = tpu.memref_slice %arg7[%dma_wait3A_452] : memref<4x!tpu.dma_semaphore, #tpu.memory_space<semaphore_mem>> -> memref<1x!tpu.dma_semaphore, #tpu.memory_space<semaphore_mem>>
    %dma_wait3A_454 = tpu.memref_squeeze %dma_wait3A_453 : memref<1x!tpu.dma_semaphore, #tpu.memory_space<semaphore_mem>> -> memref<!tpu.dma_semaphore, #tpu.memory_space<semaphore_mem>>
    %dma_wait3A_455 = arith.constant 0 : i32
    %dma_wait3A_456 = arith.constant 0 : i32
    %dma_wait3A_457 = arith.constant 0 : i32
    %dma_wait3A_458 = arith.constant 0 : i32
    %dma_wait3A_459 = tpu.memref_slice %arg6[%arg1, %dma_wait3A_455, %dma_wait3A_456, %dma_wait3A_457, %dma_wait3A_458] : memref<16x4x4x56x56xf32, #tpu.memory_space<vmem_shared>> -> memref<1x4x4x56x56xf32, #tpu.memory_space<vmem_shared>>
    %dma_wait3A_460 = tpu.memref_squeeze %dma_wait3A_459 : memref<1x4x4x56x56xf32, #tpu.memory_space<vmem_shared>> -> memref<4x4x56x56xf32, #tpu.memory_space<vmem_shared>>
    %dma_wait3A_461 = arith.constant 0 : i32
    %dma_wait3A_462 = arith.constant 0 : i32
    %dma_wait3A_463 = tpu.memref_slice %dma_wait3A_460[%dma_wait3A_450, %dma_wait3A_451, %dma_wait3A_461, %dma_wait3A_462] : memref<4x4x56x56xf32, #tpu.memory_space<vmem_shared>> -> memref<1x1x56x56xf32, #tpu.memory_space<vmem_shared>>
    %dma_wait3A_464 = tpu.memref_squeeze %dma_wait3A_463 : memref<1x1x56x56xf32, #tpu.memory_space<vmem_shared>> -> memref<56x56xf32, #tpu.memory_space<vmem_shared>>
    %dma_wait3A_465 = arith.constant 0 : i32
    %dma_wait3A_466 = arith.constant 0 : i32
    %dma_wait3A_467 = tpu.memref_slice %arg2[%dma_wait3A_448, %dma_wait3A_449, %dma_wait3A_465, %dma_wait3A_466] : memref<32x384x56x56xf32, #tpu.memory_space<hbm>> -> memref<1x1x56x56xf32, #tpu.memory_space<hbm>>
    %dma_wait3A_468 = tpu.memref_squeeze %dma_wait3A_467 : memref<1x1x56x56xf32, #tpu.memory_space<hbm>> -> memref<56x56xf32, #tpu.memory_space<hbm>>
    tpu.wait_dma2 semaphore(%dma_wait3A_454 : memref<!tpu.dma_semaphore, #tpu.memory_space<semaphore_mem>>) src(%dma_wait3A_468 : memref<56x56xf32, #tpu.memory_space<hbm>>) dst(%dma_wait3A_464 : memref<56x56xf32, #tpu.memory_space<vmem_shared>>)
    %dma_wait3A_469 = arith.constant 0 : i32
    %dma_wait3A_470 = arith.constant 0 : i32
    %dma_wait3A_471 = arith.constant 1 : i32
    %dma_wait3A_472 = arith.constant 0 : i32
    %dma_wait3A_473 = arith.constant 1 : i32
    %dma_wait3A_474 = tpu.memref_slice %arg7[%dma_wait3A_473] : memref<4x!tpu.dma_semaphore, #tpu.memory_space<semaphore_mem>> -> memref<1x!tpu.dma_semaphore, #tpu.memory_space<semaphore_mem>>
    %dma_wait3A_475 = tpu.memref_squeeze %dma_wait3A_474 : memref<1x!tpu.dma_semaphore, #tpu.memory_space<semaphore_mem>> -> memref<!tpu.dma_semaphore, #tpu.memory_space<semaphore_mem>>
    %dma_wait3A_476 = arith.constant 0 : i32
    %dma_wait3A_477 = arith.constant 0 : i32
    %dma_wait3A_478 = arith.constant 0 : i32
    %dma_wait3A_479 = arith.constant 0 : i32
    %dma_wait3A_480 = tpu.memref_slice %arg6[%arg1, %dma_wait3A_476, %dma_wait3A_477, %dma_wait3A_478, %dma_wait3A_479] : memref<16x4x4x56x56xf32, #tpu.memory_space<vmem_shared>> -> memref<1x4x4x56x56xf32, #tpu.memory_space<vmem_shared>>
    %dma_wait3A_481 = tpu.memref_squeeze %dma_wait3A_480 : memref<1x4x4x56x56xf32, #tpu.memory_space<vmem_shared>> -> memref<4x4x56x56xf32, #tpu.memory_space<vmem_shared>>
    %dma_wait3A_482 = arith.constant 0 : i32
    %dma_wait3A_483 = arith.constant 0 : i32
    %dma_wait3A_484 = tpu.memref_slice %dma_wait3A_481[%dma_wait3A_471, %dma_wait3A_472, %dma_wait3A_482, %dma_wait3A_483] : memref<4x4x56x56xf32, #tpu.memory_space<vmem_shared>> -> memref<1x1x56x56xf32, #tpu.memory_space<vmem_shared>>
    %dma_wait3A_485 = tpu.memref_squeeze %dma_wait3A_484 : memref<1x1x56x56xf32, #tpu.memory_space<vmem_shared>> -> memref<56x56xf32, #tpu.memory_space<vmem_shared>>
    %dma_wait3A_486 = arith.constant 0 : i32
    %dma_wait3A_487 = arith.constant 0 : i32
    %dma_wait3A_488 = tpu.memref_slice %arg2[%dma_wait3A_469, %dma_wait3A_470, %dma_wait3A_486, %dma_wait3A_487] : memref<32x384x56x56xf32, #tpu.memory_space<hbm>> -> memref<1x1x56x56xf32, #tpu.memory_space<hbm>>
    %dma_wait3A_489 = tpu.memref_squeeze %dma_wait3A_488 : memref<1x1x56x56xf32, #tpu.memory_space<hbm>> -> memref<56x56xf32, #tpu.memory_space<hbm>>
    tpu.wait_dma2 semaphore(%dma_wait3A_475 : memref<!tpu.dma_semaphore, #tpu.memory_space<semaphore_mem>>) src(%dma_wait3A_489 : memref<56x56xf32, #tpu.memory_space<hbm>>) dst(%dma_wait3A_485 : memref<56x56xf32, #tpu.memory_space<vmem_shared>>)
    %dma_wait3A_490 = arith.constant 0 : i32
    %dma_wait3A_491 = arith.constant 0 : i32
    %dma_wait3A_492 = arith.constant 1 : i32
    %dma_wait3A_493 = arith.constant 0 : i32
    %dma_wait3A_494 = arith.constant 1 : i32
    %dma_wait3A_495 = tpu.memref_slice %arg7[%dma_wait3A_494] : memref<4x!tpu.dma_semaphore, #tpu.memory_space<semaphore_mem>> -> memref<1x!tpu.dma_semaphore, #tpu.memory_space<semaphore_mem>>
    %dma_wait3A_496 = tpu.memref_squeeze %dma_wait3A_495 : memref<1x!tpu.dma_semaphore, #tpu.memory_space<semaphore_mem>> -> memref<!tpu.dma_semaphore, #tpu.memory_space<semaphore_mem>>
    %dma_wait3A_497 = arith.constant 0 : i32
    %dma_wait3A_498 = arith.constant 0 : i32
    %dma_wait3A_499 = arith.constant 0 : i32
    %dma_wait3A_500 = arith.constant 0 : i32
    %dma_wait3A_501 = tpu.memref_slice %arg6[%arg1, %dma_wait3A_497, %dma_wait3A_498, %dma_wait3A_499, %dma_wait3A_500] : memref<16x4x4x56x56xf32, #tpu.memory_space<vmem_shared>> -> memref<1x4x4x56x56xf32, #tpu.memory_space<vmem_shared>>
    %dma_wait3A_502 = tpu.memref_squeeze %dma_wait3A_501 : memref<1x4x4x56x56xf32, #tpu.memory_space<vmem_shared>> -> memref<4x4x56x56xf32, #tpu.memory_space<vmem_shared>>
    %dma_wait3A_503 = arith.constant 0 : i32
    %dma_wait3A_504 = arith.constant 0 : i32
    %dma_wait3A_505 = tpu.memref_slice %dma_wait3A_502[%dma_wait3A_492, %dma_wait3A_493, %dma_wait3A_503, %dma_wait3A_504] : memref<4x4x56x56xf32, #tpu.memory_space<vmem_shared>> -> memref<1x1x56x56xf32, #tpu.memory_space<vmem_shared>>
    %dma_wait3A_506 = tpu.memref_squeeze %dma_wait3A_505 : memref<1x1x56x56xf32, #tpu.memory_space<vmem_shared>> -> memref<56x56xf32, #tpu.memory_space<vmem_shared>>
    %dma_wait3A_507 = arith.constant 0 : i32
    %dma_wait3A_508 = arith.constant 0 : i32
    %dma_wait3A_509 = tpu.memref_slice %arg2[%dma_wait3A_490, %dma_wait3A_491, %dma_wait3A_507, %dma_wait3A_508] : memref<32x384x56x56xf32, #tpu.memory_space<hbm>> -> memref<1x1x56x56xf32, #tpu.memory_space<hbm>>
    %dma_wait3A_510 = tpu.memref_squeeze %dma_wait3A_509 : memref<1x1x56x56xf32, #tpu.memory_space<hbm>> -> memref<56x56xf32, #tpu.memory_space<hbm>>
    tpu.wait_dma2 semaphore(%dma_wait3A_496 : memref<!tpu.dma_semaphore, #tpu.memory_space<semaphore_mem>>) src(%dma_wait3A_510 : memref<56x56xf32, #tpu.memory_space<hbm>>) dst(%dma_wait3A_506 : memref<56x56xf32, #tpu.memory_space<vmem_shared>>)
    %dma_wait3A_511 = arith.constant 0 : i32
    %dma_wait3A_512 = arith.constant 0 : i32
    %dma_wait3A_513 = arith.constant 1 : i32
    %dma_wait3A_514 = arith.constant 0 : i32
    %dma_wait3A_515 = arith.constant 1 : i32
    %dma_wait3A_516 = tpu.memref_slice %arg7[%dma_wait3A_515] : memref<4x!tpu.dma_semaphore, #tpu.memory_space<semaphore_mem>> -> memref<1x!tpu.dma_semaphore, #tpu.memory_space<semaphore_mem>>
    %dma_wait3A_517 = tpu.memref_squeeze %dma_wait3A_516 : memref<1x!tpu.dma_semaphore, #tpu.memory_space<semaphore_mem>> -> memref<!tpu.dma_semaphore, #tpu.memory_space<semaphore_mem>>
    %dma_wait3A_518 = arith.constant 0 : i32
    %dma_wait3A_519 = arith.constant 0 : i32
    %dma_wait3A_520 = arith.constant 0 : i32
    %dma_wait3A_521 = arith.constant 0 : i32
    %dma_wait3A_522 = tpu.memref_slice %arg6[%arg1, %dma_wait3A_518, %dma_wait3A_519, %dma_wait3A_520, %dma_wait3A_521] : memref<16x4x4x56x56xf32, #tpu.memory_space<vmem_shared>> -> memref<1x4x4x56x56xf32, #tpu.memory_space<vmem_shared>>
    %dma_wait3A_523 = tpu.memref_squeeze %dma_wait3A_522 : memref<1x4x4x56x56xf32, #tpu.memory_space<vmem_shared>> -> memref<4x4x56x56xf32, #tpu.memory_space<vmem_shared>>
    %dma_wait3A_524 = arith.constant 0 : i32
    %dma_wait3A_525 = arith.constant 0 : i32
    %dma_wait3A_526 = tpu.memref_slice %dma_wait3A_523[%dma_wait3A_513, %dma_wait3A_514, %dma_wait3A_524, %dma_wait3A_525] : memref<4x4x56x56xf32, #tpu.memory_space<vmem_shared>> -> memref<1x1x56x56xf32, #tpu.memory_space<vmem_shared>>
    %dma_wait3A_527 = tpu.memref_squeeze %dma_wait3A_526 : memref<1x1x56x56xf32, #tpu.memory_space<vmem_shared>> -> memref<56x56xf32, #tpu.memory_space<vmem_shared>>
    %dma_wait3A_528 = arith.constant 0 : i32
    %dma_wait3A_529 = arith.constant 0 : i32
    %dma_wait3A_530 = tpu.memref_slice %arg2[%dma_wait3A_511, %dma_wait3A_512, %dma_wait3A_528, %dma_wait3A_529] : memref<32x384x56x56xf32, #tpu.memory_space<hbm>> -> memref<1x1x56x56xf32, #tpu.memory_space<hbm>>
    %dma_wait3A_531 = tpu.memref_squeeze %dma_wait3A_530 : memref<1x1x56x56xf32, #tpu.memory_space<hbm>> -> memref<56x56xf32, #tpu.memory_space<hbm>>
    tpu.wait_dma2 semaphore(%dma_wait3A_517 : memref<!tpu.dma_semaphore, #tpu.memory_space<semaphore_mem>>) src(%dma_wait3A_531 : memref<56x56xf32, #tpu.memory_space<hbm>>) dst(%dma_wait3A_527 : memref<56x56xf32, #tpu.memory_space<vmem_shared>>)
    %dma_start3A_532 = arith.constant 1 : i32
    %dma_start3A_533 = arith.constant 1 : i32
    %dma_start3A_534 = tpu.memref_slice %arg8[%dma_start3A_533] : memref<4x!tpu.dma_semaphore, #tpu.memory_space<semaphore_mem>> -> memref<1x!tpu.dma_semaphore, #tpu.memory_space<semaphore_mem>>
    %dma_start3A_535 = tpu.memref_squeeze %dma_start3A_534 : memref<1x!tpu.dma_semaphore, #tpu.memory_space<semaphore_mem>> -> memref<!tpu.dma_semaphore, #tpu.memory_space<semaphore_mem>>
    %dma_start3A_536 = arith.constant 4 : i32
    %dma_start3A_537 = arith.constant 0 : i32
    %dma_start3A_538 = arith.constant 0 : i32
    %dma_start3A_539 = tpu.memref_slice %arg4[%add3A, %dma_start3A_536, %dma_start3A_537, %dma_start3A_538] : memref<32x384x56x56xf32, #tpu.memory_space<hbm>> -> memref<1x4x56x56xf32, #tpu.memory_space<hbm>>
    %dma_start3A_540 = tpu.memref_squeeze %dma_start3A_539 : memref<1x4x56x56xf32, #tpu.memory_space<hbm>> -> memref<4x56x56xf32, #tpu.memory_space<hbm>>
    %dma_start3A_541 = arith.constant 0 : i32
    %dma_start3A_542 = arith.constant 0 : i32
    %dma_start3A_543 = arith.constant 0 : i32
    %dma_start3A_544 = arith.constant 0 : i32
    %dma_start3A_545 = tpu.memref_slice %arg6[%arg1, %dma_start3A_541, %dma_start3A_542, %dma_start3A_543, %dma_start3A_544] : memref<16x4x4x56x56xf32, #tpu.memory_space<vmem_shared>> -> memref<1x4x4x56x56xf32, #tpu.memory_space<vmem_shared>>
    %dma_start3A_546 = tpu.memref_squeeze %dma_start3A_545 : memref<1x4x4x56x56xf32, #tpu.memory_space<vmem_shared>> -> memref<4x4x56x56xf32, #tpu.memory_space<vmem_shared>>
    %dma_start3A_547 = arith.constant 0 : i32
    %dma_start3A_548 = arith.constant 0 : i32
    %dma_start3A_549 = arith.constant 0 : i32
    %dma_start3A_550 = tpu.memref_slice %dma_start3A_546[%dma_start3A_532, %dma_start3A_547, %dma_start3A_548, %dma_start3A_549] : memref<4x4x56x56xf32, #tpu.memory_space<vmem_shared>> -> memref<1x4x56x56xf32, #tpu.memory_space<vmem_shared>>
    %dma_start3A_551 = tpu.memref_squeeze %dma_start3A_550 : memref<1x4x56x56xf32, #tpu.memory_space<vmem_shared>> -> memref<4x56x56xf32, #tpu.memory_space<vmem_shared>>
    tpu.enqueue_dma source(%dma_start3A_551 : memref<4x56x56xf32, #tpu.memory_space<vmem_shared>>) target(%dma_start3A_540 : memref<4x56x56xf32, #tpu.memory_space<hbm>>) target_semaphore(%dma_start3A_535 : memref<!tpu.dma_semaphore, #tpu.memory_space<semaphore_mem>>)
    %dma_wait3A_552 = arith.constant 0 : i32
    %dma_wait3A_553 = arith.constant 0 : i32
    %dma_wait3A_554 = arith.constant 0 : i32
    %dma_wait3A_555 = tpu.memref_slice %arg8[%dma_wait3A_554] : memref<4x!tpu.dma_semaphore, #tpu.memory_space<semaphore_mem>> -> memref<1x!tpu.dma_semaphore, #tpu.memory_space<semaphore_mem>>
    %dma_wait3A_556 = tpu.memref_squeeze %dma_wait3A_555 : memref<1x!tpu.dma_semaphore, #tpu.memory_space<semaphore_mem>> -> memref<!tpu.dma_semaphore, #tpu.memory_space<semaphore_mem>>
    %dma_wait3A_557 = arith.constant 0 : i32
    %dma_wait3A_558 = arith.constant 0 : i32
    %dma_wait3A_559 = arith.constant 0 : i32
    %dma_wait3A_560 = tpu.memref_slice %arg4[%dma_wait3A_553, %dma_wait3A_557, %dma_wait3A_558, %dma_wait3A_559] : memref<32x384x56x56xf32, #tpu.memory_space<hbm>> -> memref<1x4x56x56xf32, #tpu.memory_space<hbm>>
    %dma_wait3A_561 = tpu.memref_squeeze %dma_wait3A_560 : memref<1x4x56x56xf32, #tpu.memory_space<hbm>> -> memref<4x56x56xf32, #tpu.memory_space<hbm>>
    %dma_wait3A_562 = arith.constant 0 : i32
    %dma_wait3A_563 = arith.constant 0 : i32
    %dma_wait3A_564 = arith.constant 0 : i32
    %dma_wait3A_565 = arith.constant 0 : i32
    %dma_wait3A_566 = tpu.memref_slice %arg6[%arg1, %dma_wait3A_562, %dma_wait3A_563, %dma_wait3A_564, %dma_wait3A_565] : memref<16x4x4x56x56xf32, #tpu.memory_space<vmem_shared>> -> memref<1x4x4x56x56xf32, #tpu.memory_space<vmem_shared>>
    %dma_wait3A_567 = tpu.memref_squeeze %dma_wait3A_566 : memref<1x4x4x56x56xf32, #tpu.memory_space<vmem_shared>> -> memref<4x4x56x56xf32, #tpu.memory_space<vmem_shared>>
    %dma_wait3A_568 = arith.constant 0 : i32
    %dma_wait3A_569 = arith.constant 0 : i32
    %dma_wait3A_570 = arith.constant 0 : i32
    %dma_wait3A_571 = tpu.memref_slice %dma_wait3A_567[%dma_wait3A_552, %dma_wait3A_568, %dma_wait3A_569, %dma_wait3A_570] : memref<4x4x56x56xf32, #tpu.memory_space<vmem_shared>> -> memref<1x4x56x56xf32, #tpu.memory_space<vmem_shared>>
    %dma_wait3A_572 = tpu.memref_squeeze %dma_wait3A_571 : memref<1x4x56x56xf32, #tpu.memory_space<vmem_shared>> -> memref<4x56x56xf32, #tpu.memory_space<vmem_shared>>
    tpu.wait_dma2 semaphore(%dma_wait3A_556 : memref<!tpu.dma_semaphore, #tpu.memory_space<semaphore_mem>>) src(%dma_wait3A_572 : memref<4x56x56xf32, #tpu.memory_space<vmem_shared>>) dst(%dma_wait3A_561 : memref<4x56x56xf32, #tpu.memory_space<hbm>>)
    %get3A_573 = arith.constant 16 : index
    %get3A_574 = tpu.vector_load %arg5[%get3A_573] {strides = array<i32>} : memref<400xi32, #tpu.memory_space<vmem>>, vector<16xi32>,
    %get3A_575 = vector.shape_cast %get3A_574 : vector<16xi32> to vector<16xi32>
    %slice3A_576 = vector.extract_strided_slice %get3A_575 {offsets = [0], sizes = [1], strides = [1]} : vector<16xi32> to vector<1xi32>
    %squeeze3A_577 = vector.extract %slice3A_576[0] : i32 from vector<1xi32>
    %dma_start3A_578 = arith.constant 0 : i32
    %dma_start3A_579 = arith.constant 0 : i32
    %dma_start3A_580 = arith.constant 0 : i32
    %dma_start3A_581 = tpu.memref_slice %arg7[%dma_start3A_580] : memref<4x!tpu.dma_semaphore, #tpu.memory_space<semaphore_mem>> -> memref<1x!tpu.dma_semaphore, #tpu.memory_space<semaphore_mem>>
    %dma_start3A_582 = tpu.memref_squeeze %dma_start3A_581 : memref<1x!tpu.dma_semaphore, #tpu.memory_space<semaphore_mem>> -> memref<!tpu.dma_semaphore, #tpu.memory_space<semaphore_mem>>
    %dma_start3A_583 = arith.constant 0 : i32
    %dma_start3A_584 = arith.constant 0 : i32
    %dma_start3A_585 = arith.constant 0 : i32
    %dma_start3A_586 = arith.constant 0 : i32
    %dma_start3A_587 = tpu.memref_slice %arg6[%arg1, %dma_start3A_583, %dma_start3A_584, %dma_start3A_585, %dma_start3A_586] : memref<16x4x4x56x56xf32, #tpu.memory_space<vmem_shared>> -> memref<1x4x4x56x56xf32, #tpu.memory_space<vmem_shared>>
    %dma_start3A_588 = tpu.memref_squeeze %dma_start3A_587 : memref<1x4x4x56x56xf32, #tpu.memory_space<vmem_shared>> -> memref<4x4x56x56xf32, #tpu.memory_space<vmem_shared>>
    %dma_start3A_589 = arith.constant 0 : i32
    %dma_start3A_590 = arith.constant 0 : i32
    %dma_start3A_591 = tpu.memref_slice %dma_start3A_588[%dma_start3A_578, %dma_start3A_579, %dma_start3A_589, %dma_start3A_590] : memref<4x4x56x56xf32, #tpu.memory_space<vmem_shared>> -> memref<1x1x56x56xf32, #tpu.memory_space<vmem_shared>>
    %dma_start3A_592 = tpu.memref_squeeze %dma_start3A_591 : memref<1x1x56x56xf32, #tpu.memory_space<vmem_shared>> -> memref<56x56xf32, #tpu.memory_space<vmem_shared>>
    %dma_start3A_593 = arith.constant 0 : i32
    %dma_start3A_594 = arith.constant 0 : i32
    %dma_start3A_595 = tpu.memref_slice %arg2[%add3A, %squeeze3A_577, %dma_start3A_593, %dma_start3A_594] : memref<32x384x56x56xf32, #tpu.memory_space<hbm>> -> memref<1x1x56x56xf32, #tpu.memory_space<hbm>>
    %dma_start3A_596 = tpu.memref_squeeze %dma_start3A_595 : memref<1x1x56x56xf32, #tpu.memory_space<hbm>> -> memref<56x56xf32, #tpu.memory_space<hbm>>
    tpu.enqueue_dma source(%dma_start3A_596 : memref<56x56xf32, #tpu.memory_space<hbm>>) target(%dma_start3A_592 : memref<56x56xf32, #tpu.memory_space<vmem_shared>>) target_semaphore(%dma_start3A_582 : memref<!tpu.dma_semaphore, #tpu.memory_space<semaphore_mem>>)
    %slice3A_597 = vector.extract_strided_slice %get3A_575 {offsets = [1], sizes = [1], strides = [1]} : vector<16xi32> to vector<1xi32>
    %squeeze3A_598 = vector.extract %slice3A_597[0] : i32 from vector<1xi32>
    %dma_start3A_599 = arith.constant 0 : i32
    %dma_start3A_600 = arith.constant 1 : i32
    %dma_start3A_601 = arith.constant 0 : i32
    %dma_start3A_602 = tpu.memref_slice %arg7[%dma_start3A_601] : memref<4x!tpu.dma_semaphore, #tpu.memory_space<semaphore_mem>> -> memref<1x!tpu.dma_semaphore, #tpu.memory_space<semaphore_mem>>
    %dma_start3A_603 = tpu.memref_squeeze %dma_start3A_602 : memref<1x!tpu.dma_semaphore, #tpu.memory_space<semaphore_mem>> -> memref<!tpu.dma_semaphore, #tpu.memory_space<semaphore_mem>>
    %dma_start3A_604 = arith.constant 0 : i32
    %dma_start3A_605 = arith.constant 0 : i32
    %dma_start3A_606 = arith.constant 0 : i32
    %dma_start3A_607 = arith.constant 0 : i32
    %dma_start3A_608 = tpu.memref_slice %arg6[%arg1, %dma_start3A_604, %dma_start3A_605, %dma_start3A_606, %dma_start3A_607] : memref<16x4x4x56x56xf32, #tpu.memory_space<vmem_shared>> -> memref<1x4x4x56x56xf32, #tpu.memory_space<vmem_shared>>
    %dma_start3A_609 = tpu.memref_squeeze %dma_start3A_608 : memref<1x4x4x56x56xf32, #tpu.memory_space<vmem_shared>> -> memref<4x4x56x56xf32, #tpu.memory_space<vmem_shared>>
    %dma_start3A_610 = arith.constant 0 : i32
    %dma_start3A_611 = arith.constant 0 : i32
    %dma_start3A_612 = tpu.memref_slice %dma_start3A_609[%dma_start3A_599, %dma_start3A_600, %dma_start3A_610, %dma_start3A_611] : memref<4x4x56x56xf32, #tpu.memory_space<vmem_shared>> -> memref<1x1x56x56xf32, #tpu.memory_space<vmem_shared>>
    %dma_start3A_613 = tpu.memref_squeeze %dma_start3A_612 : memref<1x1x56x56xf32, #tpu.memory_space<vmem_shared>> -> memref<56x56xf32, #tpu.memory_space<vmem_shared>>
    %dma_start3A_614 = arith.constant 0 : i32
    %dma_start3A_615 = arith.constant 0 : i32
    %dma_start3A_616 = tpu.memref_slice %arg2[%add3A, %squeeze3A_598, %dma_start3A_614, %dma_start3A_615] : memref<32x384x56x56xf32, #tpu.memory_space<hbm>> -> memref<1x1x56x56xf32, #tpu.memory_space<hbm>>
    %dma_start3A_617 = tpu.memref_squeeze %dma_start3A_616 : memref<1x1x56x56xf32, #tpu.memory_space<hbm>> -> memref<56x56xf32, #tpu.memory_space<hbm>>
    tpu.enqueue_dma source(%dma_start3A_617 : memref<56x56xf32, #tpu.memory_space<hbm>>) target(%dma_start3A_613 : memref<56x56xf32, #tpu.memory_space<vmem_shared>>) target_semaphore(%dma_start3A_603 : memref<!tpu.dma_semaphore, #tpu.memory_space<semaphore_mem>>)
    %slice3A_618 = vector.extract_strided_slice %get3A_575 {offsets = [2], sizes = [1], strides = [1]} : vector<16xi32> to vector<1xi32>
    %squeeze3A_619 = vector.extract %slice3A_618[0] : i32 from vector<1xi32>
    %dma_start3A_620 = arith.constant 0 : i32
    %dma_start3A_621 = arith.constant 2 : i32
    %dma_start3A_622 = arith.constant 0 : i32
    %dma_start3A_623 = tpu.memref_slice %arg7[%dma_start3A_622] : memref<4x!tpu.dma_semaphore, #tpu.memory_space<semaphore_mem>> -> memref<1x!tpu.dma_semaphore, #tpu.memory_space<semaphore_mem>>
    %dma_start3A_624 = tpu.memref_squeeze %dma_start3A_623 : memref<1x!tpu.dma_semaphore, #tpu.memory_space<semaphore_mem>> -> memref<!tpu.dma_semaphore, #tpu.memory_space<semaphore_mem>>
    %dma_start3A_625 = arith.constant 0 : i32
    %dma_start3A_626 = arith.constant 0 : i32
    %dma_start3A_627 = arith.constant 0 : i32
    %dma_start3A_628 = arith.constant 0 : i32
    %dma_start3A_629 = tpu.memref_slice %arg6[%arg1, %dma_start3A_625, %dma_start3A_626, %dma_start3A_627, %dma_start3A_628] : memref<16x4x4x56x56xf32, #tpu.memory_space<vmem_shared>> -> memref<1x4x4x56x56xf32, #tpu.memory_space<vmem_shared>>
    %dma_start3A_630 = tpu.memref_squeeze %dma_start3A_629 : memref<1x4x4x56x56xf32, #tpu.memory_space<vmem_shared>> -> memref<4x4x56x56xf32, #tpu.memory_space<vmem_shared>>
    %dma_start3A_631 = arith.constant 0 : i32
    %dma_start3A_632 = arith.constant 0 : i32
    %dma_start3A_633 = tpu.memref_slice %dma_start3A_630[%dma_start3A_620, %dma_start3A_621, %dma_start3A_631, %dma_start3A_632] : memref<4x4x56x56xf32, #tpu.memory_space<vmem_shared>> -> memref<1x1x56x56xf32, #tpu.memory_space<vmem_shared>>
    %dma_start3A_634 = tpu.memref_squeeze %dma_start3A_633 : memref<1x1x56x56xf32, #tpu.memory_space<vmem_shared>> -> memref<56x56xf32, #tpu.memory_space<vmem_shared>>
    %dma_start3A_635 = arith.constant 0 : i32
    %dma_start3A_636 = arith.constant 0 : i32
    %dma_start3A_637 = tpu.memref_slice %arg2[%add3A, %squeeze3A_619, %dma_start3A_635, %dma_start3A_636] : memref<32x384x56x56xf32, #tpu.memory_space<hbm>> -> memref<1x1x56x56xf32, #tpu.memory_space<hbm>>
    %dma_start3A_638 = tpu.memref_squeeze %dma_start3A_637 : memref<1x1x56x56xf32, #tpu.memory_space<hbm>> -> memref<56x56xf32, #tpu.memory_space<hbm>>
    tpu.enqueue_dma source(%dma_start3A_638 : memref<56x56xf32, #tpu.memory_space<hbm>>) target(%dma_start3A_634 : memref<56x56xf32, #tpu.memory_space<vmem_shared>>) target_semaphore(%dma_start3A_624 : memref<!tpu.dma_semaphore, #tpu.memory_space<semaphore_mem>>)
    %slice3A_639 = vector.extract_strided_slice %get3A_575 {offsets = [3], sizes = [1], strides = [1]} : vector<16xi32> to vector<1xi32>
    %squeeze3A_640 = vector.extract %slice3A_639[0] : i32 from vector<1xi32>
    %dma_start3A_641 = arith.constant 0 : i32
    %dma_start3A_642 = arith.constant 3 : i32
    %dma_start3A_643 = arith.constant 0 : i32
    %dma_start3A_644 = tpu.memref_slice %arg7[%dma_start3A_643] : memref<4x!tpu.dma_semaphore, #tpu.memory_space<semaphore_mem>> -> memref<1x!tpu.dma_semaphore, #tpu.memory_space<semaphore_mem>>
    %dma_start3A_645 = tpu.memref_squeeze %dma_start3A_644 : memref<1x!tpu.dma_semaphore, #tpu.memory_space<semaphore_mem>> -> memref<!tpu.dma_semaphore, #tpu.memory_space<semaphore_mem>>
    %dma_start3A_646 = arith.constant 0 : i32
    %dma_start3A_647 = arith.constant 0 : i32
    %dma_start3A_648 = arith.constant 0 : i32
    %dma_start3A_649 = arith.constant 0 : i32
    %dma_start3A_650 = tpu.memref_slice %arg6[%arg1, %dma_start3A_646, %dma_start3A_647, %dma_start3A_648, %dma_start3A_649] : memref<16x4x4x56x56xf32, #tpu.memory_space<vmem_shared>> -> memref<1x4x4x56x56xf32, #tpu.memory_space<vmem_shared>>
    %dma_start3A_651 = tpu.memref_squeeze %dma_start3A_650 : memref<1x4x4x56x56xf32, #tpu.memory_space<vmem_shared>> -> memref<4x4x56x56xf32, #tpu.memory_space<vmem_shared>>
    %dma_start3A_652 = arith.constant 0 : i32
    %dma_start3A_653 = arith.constant 0 : i32
    %dma_start3A_654 = tpu.memref_slice %dma_start3A_651[%dma_start3A_641, %dma_start3A_642, %dma_start3A_652, %dma_start3A_653] : memref<4x4x56x56xf32, #tpu.memory_space<vmem_shared>> -> memref<1x1x56x56xf32, #tpu.memory_space<vmem_shared>>
    %dma_start3A_655 = tpu.memref_squeeze %dma_start3A_654 : memref<1x1x56x56xf32, #tpu.memory_space<vmem_shared>> -> memref<56x56xf32, #tpu.memory_space<vmem_shared>>
    %dma_start3A_656 = arith.constant 0 : i32
    %dma_start3A_657 = arith.constant 0 : i32
    %dma_start3A_658 = tpu.memref_slice %arg2[%add3A, %squeeze3A_640, %dma_start3A_656, %dma_start3A_657] : memref<32x384x56x56xf32, #tpu.memory_space<hbm>> -> memref<1x1x56x56xf32, #tpu.memory_space<hbm>>
    %dma_start3A_659 = tpu.memref_squeeze %dma_start3A_658 : memref<1x1x56x56xf32, #tpu.memory_space<hbm>> -> memref<56x56xf32, #tpu.memory_space<hbm>>
    tpu.enqueue_dma source(%dma_start3A_659 : memref<56x56xf32, #tpu.memory_space<hbm>>) target(%dma_start3A_655 : memref<56x56xf32, #tpu.memory_space<vmem_shared>>) target_semaphore(%dma_start3A_645 : memref<!tpu.dma_semaphore, #tpu.memory_space<semaphore_mem>>)
    %dma_wait3A_660 = arith.constant 0 : i32
    %dma_wait3A_661 = arith.constant 0 : i32
    %dma_wait3A_662 = arith.constant 2 : i32
    %dma_wait3A_663 = arith.constant 0 : i32
    %dma_wait3A_664 = arith.constant 2 : i32
    %dma_wait3A_665 = tpu.memref_slice %arg7[%dma_wait3A_664] : memref<4x!tpu.dma_semaphore, #tpu.memory_space<semaphore_mem>> -> memref<1x!tpu.dma_semaphore, #tpu.memory_space<semaphore_mem>>
    %dma_wait3A_666 = tpu.memref_squeeze %dma_wait3A_665 : memref<1x!tpu.dma_semaphore, #tpu.memory_space<semaphore_mem>> -> memref<!tpu.dma_semaphore, #tpu.memory_space<semaphore_mem>>
    %dma_wait3A_667 = arith.constant 0 : i32
    %dma_wait3A_668 = arith.constant 0 : i32
    %dma_wait3A_669 = arith.constant 0 : i32
    %dma_wait3A_670 = arith.constant 0 : i32
    %dma_wait3A_671 = tpu.memref_slice %arg6[%arg1, %dma_wait3A_667, %dma_wait3A_668, %dma_wait3A_669, %dma_wait3A_670] : memref<16x4x4x56x56xf32, #tpu.memory_space<vmem_shared>> -> memref<1x4x4x56x56xf32, #tpu.memory_space<vmem_shared>>
    %dma_wait3A_672 = tpu.memref_squeeze %dma_wait3A_671 : memref<1x4x4x56x56xf32, #tpu.memory_space<vmem_shared>> -> memref<4x4x56x56xf32, #tpu.memory_space<vmem_shared>>
    %dma_wait3A_673 = arith.constant 0 : i32
    %dma_wait3A_674 = arith.constant 0 : i32
    %dma_wait3A_675 = tpu.memref_slice %dma_wait3A_672[%dma_wait3A_662, %dma_wait3A_663, %dma_wait3A_673, %dma_wait3A_674] : memref<4x4x56x56xf32, #tpu.memory_space<vmem_shared>> -> memref<1x1x56x56xf32, #tpu.memory_space<vmem_shared>>
    %dma_wait3A_676 = tpu.memref_squeeze %dma_wait3A_675 : memref<1x1x56x56xf32, #tpu.memory_space<vmem_shared>> -> memref<56x56xf32, #tpu.memory_space<vmem_shared>>
    %dma_wait3A_677 = arith.constant 0 : i32
    %dma_wait3A_678 = arith.constant 0 : i32
    %dma_wait3A_679 = tpu.memref_slice %arg2[%dma_wait3A_660, %dma_wait3A_661, %dma_wait3A_677, %dma_wait3A_678] : memref<32x384x56x56xf32, #tpu.memory_space<hbm>> -> memref<1x1x56x56xf32, #tpu.memory_space<hbm>>
    %dma_wait3A_680 = tpu.memref_squeeze %dma_wait3A_679 : memref<1x1x56x56xf32, #tpu.memory_space<hbm>> -> memref<56x56xf32, #tpu.memory_space<hbm>>
    tpu.wait_dma2 semaphore(%dma_wait3A_666 : memref<!tpu.dma_semaphore, #tpu.memory_space<semaphore_mem>>) src(%dma_wait3A_680 : memref<56x56xf32, #tpu.memory_space<hbm>>) dst(%dma_wait3A_676 : memref<56x56xf32, #tpu.memory_space<vmem_shared>>)
    %dma_wait3A_681 = arith.constant 0 : i32
    %dma_wait3A_682 = arith.constant 0 : i32
    %dma_wait3A_683 = arith.constant 2 : i32
    %dma_wait3A_684 = arith.constant 0 : i32
    %dma_wait3A_685 = arith.constant 2 : i32
    %dma_wait3A_686 = tpu.memref_slice %arg7[%dma_wait3A_685] : memref<4x!tpu.dma_semaphore, #tpu.memory_space<semaphore_mem>> -> memref<1x!tpu.dma_semaphore, #tpu.memory_space<semaphore_mem>>
    %dma_wait3A_687 = tpu.memref_squeeze %dma_wait3A_686 : memref<1x!tpu.dma_semaphore, #tpu.memory_space<semaphore_mem>> -> memref<!tpu.dma_semaphore, #tpu.memory_space<semaphore_mem>>
    %dma_wait3A_688 = arith.constant 0 : i32
    %dma_wait3A_689 = arith.constant 0 : i32
    %dma_wait3A_690 = arith.constant 0 : i32
    %dma_wait3A_691 = arith.constant 0 : i32
    %dma_wait3A_692 = tpu.memref_slice %arg6[%arg1, %dma_wait3A_688, %dma_wait3A_689, %dma_wait3A_690, %dma_wait3A_691] : memref<16x4x4x56x56xf32, #tpu.memory_space<vmem_shared>> -> memref<1x4x4x56x56xf32, #tpu.memory_space<vmem_shared>>
    %dma_wait3A_693 = tpu.memref_squeeze %dma_wait3A_692 : memref<1x4x4x56x56xf32, #tpu.memory_space<vmem_shared>> -> memref<4x4x56x56xf32, #tpu.memory_space<vmem_shared>>
    %dma_wait3A_694 = arith.constant 0 : i32
    %dma_wait3A_695 = arith.constant 0 : i32
    %dma_wait3A_696 = tpu.memref_slice %dma_wait3A_693[%dma_wait3A_683, %dma_wait3A_684, %dma_wait3A_694, %dma_wait3A_695] : memref<4x4x56x56xf32, #tpu.memory_space<vmem_shared>> -> memref<1x1x56x56xf32, #tpu.memory_space<vmem_shared>>
    %dma_wait3A_697 = tpu.memref_squeeze %dma_wait3A_696 : memref<1x1x56x56xf32, #tpu.memory_space<vmem_shared>> -> memref<56x56xf32, #tpu.memory_space<vmem_shared>>
    %dma_wait3A_698 = arith.constant 0 : i32
    %dma_wait3A_699 = arith.constant 0 : i32
    %dma_wait3A_700 = tpu.memref_slice %arg2[%dma_wait3A_681, %dma_wait3A_682, %dma_wait3A_698, %dma_wait3A_699] : memref<32x384x56x56xf32, #tpu.memory_space<hbm>> -> memref<1x1x56x56xf32, #tpu.memory_space<hbm>>
    %dma_wait3A_701 = tpu.memref_squeeze %dma_wait3A_700 : memref<1x1x56x56xf32, #tpu.memory_space<hbm>> -> memref<56x56xf32, #tpu.memory_space<hbm>>
    tpu.wait_dma2 semaphore(%dma_wait3A_687 : memref<!tpu.dma_semaphore, #tpu.memory_space<semaphore_mem>>) src(%dma_wait3A_701 : memref<56x56xf32, #tpu.memory_space<hbm>>) dst(%dma_wait3A_697 : memref<56x56xf32, #tpu.memory_space<vmem_shared>>)
    %dma_wait3A_702 = arith.constant 0 : i32
    %dma_wait3A_703 = arith.constant 0 : i32
    %dma_wait3A_704 = arith.constant 2 : i32
    %dma_wait3A_705 = arith.constant 0 : i32
    %dma_wait3A_706 = arith.constant 2 : i32
    %dma_wait3A_707 = tpu.memref_slice %arg7[%dma_wait3A_706] : memref<4x!tpu.dma_semaphore, #tpu.memory_space<semaphore_mem>> -> memref<1x!tpu.dma_semaphore, #tpu.memory_space<semaphore_mem>>
    %dma_wait3A_708 = tpu.memref_squeeze %dma_wait3A_707 : memref<1x!tpu.dma_semaphore, #tpu.memory_space<semaphore_mem>> -> memref<!tpu.dma_semaphore, #tpu.memory_space<semaphore_mem>>
    %dma_wait3A_709 = arith.constant 0 : i32
    %dma_wait3A_710 = arith.constant 0 : i32
    %dma_wait3A_711 = arith.constant 0 : i32
    %dma_wait3A_712 = arith.constant 0 : i32
    %dma_wait3A_713 = tpu.memref_slice %arg6[%arg1, %dma_wait3A_709, %dma_wait3A_710, %dma_wait3A_711, %dma_wait3A_712] : memref<16x4x4x56x56xf32, #tpu.memory_space<vmem_shared>> -> memref<1x4x4x56x56xf32, #tpu.memory_space<vmem_shared>>
    %dma_wait3A_714 = tpu.memref_squeeze %dma_wait3A_713 : memref<1x4x4x56x56xf32, #tpu.memory_space<vmem_shared>> -> memref<4x4x56x56xf32, #tpu.memory_space<vmem_shared>>
    %dma_wait3A_715 = arith.constant 0 : i32
    %dma_wait3A_716 = arith.constant 0 : i32
    %dma_wait3A_717 = tpu.memref_slice %dma_wait3A_714[%dma_wait3A_704, %dma_wait3A_705, %dma_wait3A_715, %dma_wait3A_716] : memref<4x4x56x56xf32, #tpu.memory_space<vmem_shared>> -> memref<1x1x56x56xf32, #tpu.memory_space<vmem_shared>>
    %dma_wait3A_718 = tpu.memref_squeeze %dma_wait3A_717 : memref<1x1x56x56xf32, #tpu.memory_space<vmem_shared>> -> memref<56x56xf32, #tpu.memory_space<vmem_shared>>
    %dma_wait3A_719 = arith.constant 0 : i32
    %dma_wait3A_720 = arith.constant 0 : i32
    %dma_wait3A_721 = tpu.memref_slice %arg2[%dma_wait3A_702, %dma_wait3A_703, %dma_wait3A_719, %dma_wait3A_720] : memref<32x384x56x56xf32, #tpu.memory_space<hbm>> -> memref<1x1x56x56xf32, #tpu.memory_space<hbm>>
    %dma_wait3A_722 = tpu.memref_squeeze %dma_wait3A_721 : memref<1x1x56x56xf32, #tpu.memory_space<hbm>> -> memref<56x56xf32, #tpu.memory_space<hbm>>
    tpu.wait_dma2 semaphore(%dma_wait3A_708 : memref<!tpu.dma_semaphore, #tpu.memory_space<semaphore_mem>>) src(%dma_wait3A_722 : memref<56x56xf32, #tpu.memory_space<hbm>>) dst(%dma_wait3A_718 : memref<56x56xf32, #tpu.memory_space<vmem_shared>>)
    %dma_wait3A_723 = arith.constant 0 : i32
    %dma_wait3A_724 = arith.constant 0 : i32
    %dma_wait3A_725 = arith.constant 2 : i32
    %dma_wait3A_726 = arith.constant 0 : i32
    %dma_wait3A_727 = arith.constant 2 : i32
    %dma_wait3A_728 = tpu.memref_slice %arg7[%dma_wait3A_727] : memref<4x!tpu.dma_semaphore, #tpu.memory_space<semaphore_mem>> -> memref<1x!tpu.dma_semaphore, #tpu.memory_space<semaphore_mem>>
    %dma_wait3A_729 = tpu.memref_squeeze %dma_wait3A_728 : memref<1x!tpu.dma_semaphore, #tpu.memory_space<semaphore_mem>> -> memref<!tpu.dma_semaphore, #tpu.memory_space<semaphore_mem>>
    %dma_wait3A_730 = arith.constant 0 : i32
    %dma_wait3A_731 = arith.constant 0 : i32
    %dma_wait3A_732 = arith.constant 0 : i32
    %dma_wait3A_733 = arith.constant 0 : i32
    %dma_wait3A_734 = tpu.memref_slice %arg6[%arg1, %dma_wait3A_730, %dma_wait3A_731, %dma_wait3A_732, %dma_wait3A_733] : memref<16x4x4x56x56xf32, #tpu.memory_space<vmem_shared>> -> memref<1x4x4x56x56xf32, #tpu.memory_space<vmem_shared>>
    %dma_wait3A_735 = tpu.memref_squeeze %dma_wait3A_734 : memref<1x4x4x56x56xf32, #tpu.memory_space<vmem_shared>> -> memref<4x4x56x56xf32, #tpu.memory_space<vmem_shared>>
    %dma_wait3A_736 = arith.constant 0 : i32
    %dma_wait3A_737 = arith.constant 0 : i32
    %dma_wait3A_738 = tpu.memref_slice %dma_wait3A_735[%dma_wait3A_725, %dma_wait3A_726, %dma_wait3A_736, %dma_wait3A_737] : memref<4x4x56x56xf32, #tpu.memory_space<vmem_shared>> -> memref<1x1x56x56xf32, #tpu.memory_space<vmem_shared>>
    %dma_wait3A_739 = tpu.memref_squeeze %dma_wait3A_738 : memref<1x1x56x56xf32, #tpu.memory_space<vmem_shared>> -> memref<56x56xf32, #tpu.memory_space<vmem_shared>>
    %dma_wait3A_740 = arith.constant 0 : i32
    %dma_wait3A_741 = arith.constant 0 : i32
    %dma_wait3A_742 = tpu.memref_slice %arg2[%dma_wait3A_723, %dma_wait3A_724, %dma_wait3A_740, %dma_wait3A_741] : memref<32x384x56x56xf32, #tpu.memory_space<hbm>> -> memref<1x1x56x56xf32, #tpu.memory_space<hbm>>
    %dma_wait3A_743 = tpu.memref_squeeze %dma_wait3A_742 : memref<1x1x56x56xf32, #tpu.memory_space<hbm>> -> memref<56x56xf32, #tpu.memory_space<hbm>>
    tpu.wait_dma2 semaphore(%dma_wait3A_729 : memref<!tpu.dma_semaphore, #tpu.memory_space<semaphore_mem>>) src(%dma_wait3A_743 : memref<56x56xf32, #tpu.memory_space<hbm>>) dst(%dma_wait3A_739 : memref<56x56xf32, #tpu.memory_space<vmem_shared>>)
    %dma_start3A_744 = arith.constant 2 : i32
    %dma_start3A_745 = arith.constant 2 : i32
    %dma_start3A_746 = tpu.memref_slice %arg8[%dma_start3A_745] : memref<4x!tpu.dma_semaphore, #tpu.memory_space<semaphore_mem>> -> memref<1x!tpu.dma_semaphore, #tpu.memory_space<semaphore_mem>>
    %dma_start3A_747 = tpu.memref_squeeze %dma_start3A_746 : memref<1x!tpu.dma_semaphore, #tpu.memory_space<semaphore_mem>> -> memref<!tpu.dma_semaphore, #tpu.memory_space<semaphore_mem>>
    %dma_start3A_748 = arith.constant 8 : i32
    %dma_start3A_749 = arith.constant 0 : i32
    %dma_start3A_750 = arith.constant 0 : i32
    %dma_start3A_751 = tpu.memref_slice %arg4[%add3A, %dma_start3A_748, %dma_start3A_749, %dma_start3A_750] : memref<32x384x56x56xf32, #tpu.memory_space<hbm>> -> memref<1x4x56x56xf32, #tpu.memory_space<hbm>>
    %dma_start3A_752 = tpu.memref_squeeze %dma_start3A_751 : memref<1x4x56x56xf32, #tpu.memory_space<hbm>> -> memref<4x56x56xf32, #tpu.memory_space<hbm>>
    %dma_start3A_753 = arith.constant 0 : i32
    %dma_start3A_754 = arith.constant 0 : i32
    %dma_start3A_755 = arith.constant 0 : i32
    %dma_start3A_756 = arith.constant 0 : i32
    %dma_start3A_757 = tpu.memref_slice %arg6[%arg1, %dma_start3A_753, %dma_start3A_754, %dma_start3A_755, %dma_start3A_756] : memref<16x4x4x56x56xf32, #tpu.memory_space<vmem_shared>> -> memref<1x4x4x56x56xf32, #tpu.memory_space<vmem_shared>>
    %dma_start3A_758 = tpu.memref_squeeze %dma_start3A_757 : memref<1x4x4x56x56xf32, #tpu.memory_space<vmem_shared>> -> memref<4x4x56x56xf32, #tpu.memory_space<vmem_shared>>
    %dma_start3A_759 = arith.constant 0 : i32
    %dma_start3A_760 = arith.constant 0 : i32
    %dma_start3A_761 = arith.constant 0 : i32
    %dma_start3A_762 = tpu.memref_slice %dma_start3A_758[%dma_start3A_744, %dma_start3A_759, %dma_start3A_760, %dma_start3A_761] : memref<4x4x56x56xf32, #tpu.memory_space<vmem_shared>> -> memref<1x4x56x56xf32, #tpu.memory_space<vmem_shared>>
    %dma_start3A_763 = tpu.memref_squeeze %dma_start3A_762 : memref<1x4x56x56xf32, #tpu.memory_space<vmem_shared>> -> memref<4x56x56xf32, #tpu.memory_space<vmem_shared>>
    tpu.enqueue_dma source(%dma_start3A_763 : memref<4x56x56xf32, #tpu.memory_space<vmem_shared>>) target(%dma_start3A_752 : memref<4x56x56xf32, #tpu.memory_space<hbm>>) target_semaphore(%dma_start3A_747 : memref<!tpu.dma_semaphore, #tpu.memory_space<semaphore_mem>>)
    %dma_wait3A_764 = arith.constant 1 : i32
    %dma_wait3A_765 = arith.constant 0 : i32
    %dma_wait3A_766 = arith.constant 1 : i32
    %dma_wait3A_767 = tpu.memref_slice %arg8[%dma_wait3A_766] : memref<4x!tpu.dma_semaphore, #tpu.memory_space<semaphore_mem>> -> memref<1x!tpu.dma_semaphore, #tpu.memory_space<semaphore_mem>>
    %dma_wait3A_768 = tpu.memref_squeeze %dma_wait3A_767 : memref<1x!tpu.dma_semaphore, #tpu.memory_space<semaphore_mem>> -> memref<!tpu.dma_semaphore, #tpu.memory_space<semaphore_mem>>
    %dma_wait3A_769 = arith.constant 0 : i32
    %dma_wait3A_770 = arith.constant 0 : i32
    %dma_wait3A_771 = arith.constant 0 : i32
    %dma_wait3A_772 = tpu.memref_slice %arg4[%dma_wait3A_765, %dma_wait3A_769, %dma_wait3A_770, %dma_wait3A_771] : memref<32x384x56x56xf32, #tpu.memory_space<hbm>> -> memref<1x4x56x56xf32, #tpu.memory_space<hbm>>
    %dma_wait3A_773 = tpu.memref_squeeze %dma_wait3A_772 : memref<1x4x56x56xf32, #tpu.memory_space<hbm>> -> memref<4x56x56xf32, #tpu.memory_space<hbm>>
    %dma_wait3A_774 = arith.constant 0 : i32
    %dma_wait3A_775 = arith.constant 0 : i32
    %dma_wait3A_776 = arith.constant 0 : i32
    %dma_wait3A_777 = arith.constant 0 : i32
    %dma_wait3A_778 = tpu.memref_slice %arg6[%arg1, %dma_wait3A_774, %dma_wait3A_775, %dma_wait3A_776, %dma_wait3A_777] : memref<16x4x4x56x56xf32, #tpu.memory_space<vmem_shared>> -> memref<1x4x4x56x56xf32, #tpu.memory_space<vmem_shared>>
    %dma_wait3A_779 = tpu.memref_squeeze %dma_wait3A_778 : memref<1x4x4x56x56xf32, #tpu.memory_space<vmem_shared>> -> memref<4x4x56x56xf32, #tpu.memory_space<vmem_shared>>
    %dma_wait3A_780 = arith.constant 0 : i32
    %dma_wait3A_781 = arith.constant 0 : i32
    %dma_wait3A_782 = arith.constant 0 : i32
    %dma_wait3A_783 = tpu.memref_slice %dma_wait3A_779[%dma_wait3A_764, %dma_wait3A_780, %dma_wait3A_781, %dma_wait3A_782] : memref<4x4x56x56xf32, #tpu.memory_space<vmem_shared>> -> memref<1x4x56x56xf32, #tpu.memory_space<vmem_shared>>
    %dma_wait3A_784 = tpu.memref_squeeze %dma_wait3A_783 : memref<1x4x56x56xf32, #tpu.memory_space<vmem_shared>> -> memref<4x56x56xf32, #tpu.memory_space<vmem_shared>>
    tpu.wait_dma2 semaphore(%dma_wait3A_768 : memref<!tpu.dma_semaphore, #tpu.memory_space<semaphore_mem>>) src(%dma_wait3A_784 : memref<4x56x56xf32, #tpu.memory_space<vmem_shared>>) dst(%dma_wait3A_773 : memref<4x56x56xf32, #tpu.memory_space<hbm>>)
    %get3A_785 = arith.constant 20 : index
    %get3A_786 = tpu.vector_load %arg5[%get3A_785] {strides = array<i32>} : memref<400xi32, #tpu.memory_space<vmem>>, vector<16xi32>,
    %get3A_787 = vector.shape_cast %get3A_786 : vector<16xi32> to vector<16xi32>
    %slice3A_788 = vector.extract_strided_slice %get3A_787 {offsets = [0], sizes = [1], strides = [1]} : vector<16xi32> to vector<1xi32>
    %squeeze3A_789 = vector.extract %slice3A_788[0] : i32 from vector<1xi32>
    %dma_start3A_790 = arith.constant 1 : i32
    %dma_start3A_791 = arith.constant 0 : i32
    %dma_start3A_792 = arith.constant 1 : i32
    %dma_start3A_793 = tpu.memref_slice %arg7[%dma_start3A_792] : memref<4x!tpu.dma_semaphore, #tpu.memory_space<semaphore_mem>> -> memref<1x!tpu.dma_semaphore, #tpu.memory_space<semaphore_mem>>
    %dma_start3A_794 = tpu.memref_squeeze %dma_start3A_793 : memref<1x!tpu.dma_semaphore, #tpu.memory_space<semaphore_mem>> -> memref<!tpu.dma_semaphore, #tpu.memory_space<semaphore_mem>>
    %dma_start3A_795 = arith.constant 0 : i32
    %dma_start3A_796 = arith.constant 0 : i32
    %dma_start3A_797 = arith.constant 0 : i32
    %dma_start3A_798 = arith.constant 0 : i32
    %dma_start3A_799 = tpu.memref_slice %arg6[%arg1, %dma_start3A_795, %dma_start3A_796, %dma_start3A_797, %dma_start3A_798] : memref<16x4x4x56x56xf32, #tpu.memory_space<vmem_shared>> -> memref<1x4x4x56x56xf32, #tpu.memory_space<vmem_shared>>
    %dma_start3A_800 = tpu.memref_squeeze %dma_start3A_799 : memref<1x4x4x56x56xf32, #tpu.memory_space<vmem_shared>> -> memref<4x4x56x56xf32, #tpu.memory_space<vmem_shared>>
    %dma_start3A_801 = arith.constant 0 : i32
    %dma_start3A_802 = arith.constant 0 : i32
    %dma_start3A_803 = tpu.memref_slice %dma_start3A_800[%dma_start3A_790, %dma_start3A_791, %dma_start3A_801, %dma_start3A_802] : memref<4x4x56x56xf32, #tpu.memory_space<vmem_shared>> -> memref<1x1x56x56xf32, #tpu.memory_space<vmem_shared>>
    %dma_start3A_804 = tpu.memref_squeeze %dma_start3A_803 : memref<1x1x56x56xf32, #tpu.memory_space<vmem_shared>> -> memref<56x56xf32, #tpu.memory_space<vmem_shared>>
    %dma_start3A_805 = arith.constant 0 : i32
    %dma_start3A_806 = arith.constant 0 : i32
    %dma_start3A_807 = tpu.memref_slice %arg2[%add3A, %squeeze3A_789, %dma_start3A_805, %dma_start3A_806] : memref<32x384x56x56xf32, #tpu.memory_space<hbm>> -> memref<1x1x56x56xf32, #tpu.memory_space<hbm>>
    %dma_start3A_808 = tpu.memref_squeeze %dma_start3A_807 : memref<1x1x56x56xf32, #tpu.memory_space<hbm>> -> memref<56x56xf32, #tpu.memory_space<hbm>>
    tpu.enqueue_dma source(%dma_start3A_808 : memref<56x56xf32, #tpu.memory_space<hbm>>) target(%dma_start3A_804 : memref<56x56xf32, #tpu.memory_space<vmem_shared>>) target_semaphore(%dma_start3A_794 : memref<!tpu.dma_semaphore, #tpu.memory_space<semaphore_mem>>)
    %slice3A_809 = vector.extract_strided_slice %get3A_787 {offsets = [1], sizes = [1], strides = [1]} : vector<16xi32> to vector<1xi32>
    %squeeze3A_810 = vector.extract %slice3A_809[0] : i32 from vector<1xi32>
    %dma_start3A_811 = arith.constant 1 : i32
    %dma_start3A_812 = arith.constant 1 : i32
    %dma_start3A_813 = arith.constant 1 : i32
    %dma_start3A_814 = tpu.memref_slice %arg7[%dma_start3A_813] : memref<4x!tpu.dma_semaphore, #tpu.memory_space<semaphore_mem>> -> memref<1x!tpu.dma_semaphore, #tpu.memory_space<semaphore_mem>>
    %dma_start3A_815 = tpu.memref_squeeze %dma_start3A_814 : memref<1x!tpu.dma_semaphore, #tpu.memory_space<semaphore_mem>> -> memref<!tpu.dma_semaphore, #tpu.memory_space<semaphore_mem>>
    %dma_start3A_816 = arith.constant 0 : i32
    %dma_start3A_817 = arith.constant 0 : i32
    %dma_start3A_818 = arith.constant 0 : i32
    %dma_start3A_819 = arith.constant 0 : i32
    %dma_start3A_820 = tpu.memref_slice %arg6[%arg1, %dma_start3A_816, %dma_start3A_817, %dma_start3A_818, %dma_start3A_819] : memref<16x4x4x56x56xf32, #tpu.memory_space<vmem_shared>> -> memref<1x4x4x56x56xf32, #tpu.memory_space<vmem_shared>>
    %dma_start3A_821 = tpu.memref_squeeze %dma_start3A_820 : memref<1x4x4x56x56xf32, #tpu.memory_space<vmem_shared>> -> memref<4x4x56x56xf32, #tpu.memory_space<vmem_shared>>
    %dma_start3A_822 = arith.constant 0 : i32
    %dma_start3A_823 = arith.constant 0 : i32
    %dma_start3A_824 = tpu.memref_slice %dma_start3A_821[%dma_start3A_811, %dma_start3A_812, %dma_start3A_822, %dma_start3A_823] : memref<4x4x56x56xf32, #tpu.memory_space<vmem_shared>> -> memref<1x1x56x56xf32, #tpu.memory_space<vmem_shared>>
    %dma_start3A_825 = tpu.memref_squeeze %dma_start3A_824 : memref<1x1x56x56xf32, #tpu.memory_space<vmem_shared>> -> memref<56x56xf32, #tpu.memory_space<vmem_shared>>
    %dma_start3A_826 = arith.constant 0 : i32
    %dma_start3A_827 = arith.constant 0 : i32
    %dma_start3A_828 = tpu.memref_slice %arg2[%add3A, %squeeze3A_810, %dma_start3A_826, %dma_start3A_827] : memref<32x384x56x56xf32, #tpu.memory_space<hbm>> -> memref<1x1x56x56xf32, #tpu.memory_space<hbm>>
    %dma_start3A_829 = tpu.memref_squeeze %dma_start3A_828 : memref<1x1x56x56xf32, #tpu.memory_space<hbm>> -> memref<56x56xf32, #tpu.memory_space<hbm>>
    tpu.enqueue_dma source(%dma_start3A_829 : memref<56x56xf32, #tpu.memory_space<hbm>>) target(%dma_start3A_825 : memref<56x56xf32, #tpu.memory_space<vmem_shared>>) target_semaphore(%dma_start3A_815 : memref<!tpu.dma_semaphore, #tpu.memory_space<semaphore_mem>>)
    %slice3A_830 = vector.extract_strided_slice %get3A_787 {offsets = [2], sizes = [1], strides = [1]} : vector<16xi32> to vector<1xi32>
    %squeeze3A_831 = vector.extract %slice3A_830[0] : i32 from vector<1xi32>
    %dma_start3A_832 = arith.constant 1 : i32
    %dma_start3A_833 = arith.constant 2 : i32
    %dma_start3A_834 = arith.constant 1 : i32
    %dma_start3A_835 = tpu.memref_slice %arg7[%dma_start3A_834] : memref<4x!tpu.dma_semaphore, #tpu.memory_space<semaphore_mem>> -> memref<1x!tpu.dma_semaphore, #tpu.memory_space<semaphore_mem>>
    %dma_start3A_836 = tpu.memref_squeeze %dma_start3A_835 : memref<1x!tpu.dma_semaphore, #tpu.memory_space<semaphore_mem>> -> memref<!tpu.dma_semaphore, #tpu.memory_space<semaphore_mem>>
    %dma_start3A_837 = arith.constant 0 : i32
    %dma_start3A_838 = arith.constant 0 : i32
    %dma_start3A_839 = arith.constant 0 : i32
    %dma_start3A_840 = arith.constant 0 : i32
    %dma_start3A_841 = tpu.memref_slice %arg6[%arg1, %dma_start3A_837, %dma_start3A_838, %dma_start3A_839, %dma_start3A_840] : memref<16x4x4x56x56xf32, #tpu.memory_space<vmem_shared>> -> memref<1x4x4x56x56xf32, #tpu.memory_space<vmem_shared>>
    %dma_start3A_842 = tpu.memref_squeeze %dma_start3A_841 : memref<1x4x4x56x56xf32, #tpu.memory_space<vmem_shared>> -> memref<4x4x56x56xf32, #tpu.memory_space<vmem_shared>>
    %dma_start3A_843 = arith.constant 0 : i32
    %dma_start3A_844 = arith.constant 0 : i32
    %dma_start3A_845 = tpu.memref_slice %dma_start3A_842[%dma_start3A_832, %dma_start3A_833, %dma_start3A_843, %dma_start3A_844] : memref<4x4x56x56xf32, #tpu.memory_space<vmem_shared>> -> memref<1x1x56x56xf32, #tpu.memory_space<vmem_shared>>
    %dma_start3A_846 = tpu.memref_squeeze %dma_start3A_845 : memref<1x1x56x56xf32, #tpu.memory_space<vmem_shared>> -> memref<56x56xf32, #tpu.memory_space<vmem_shared>>
    %dma_start3A_847 = arith.constant 0 : i32
    %dma_start3A_848 = arith.constant 0 : i32
    %dma_start3A_849 = tpu.memref_slice %arg2[%add3A, %squeeze3A_831, %dma_start3A_847, %dma_start3A_848] : memref<32x384x56x56xf32, #tpu.memory_space<hbm>> -> memref<1x1x56x56xf32, #tpu.memory_space<hbm>>
    %dma_start3A_850 = tpu.memref_squeeze %dma_start3A_849 : memref<1x1x56x56xf32, #tpu.memory_space<hbm>> -> memref<56x56xf32, #tpu.memory_space<hbm>>
    tpu.enqueue_dma source(%dma_start3A_850 : memref<56x56xf32, #tpu.memory_space<hbm>>) target(%dma_start3A_846 : memref<56x56xf32, #tpu.memory_space<vmem_shared>>) target_semaphore(%dma_start3A_836 : memref<!tpu.dma_semaphore, #tpu.memory_space<semaphore_mem>>)
    %slice3A_851 = vector.extract_strided_slice %get3A_787 {offsets = [3], sizes = [1], strides = [1]} : vector<16xi32> to vector<1xi32>
    %squeeze3A_852 = vector.extract %slice3A_851[0] : i32 from vector<1xi32>
    %dma_start3A_853 = arith.constant 1 : i32
    %dma_start3A_854 = arith.constant 3 : i32
    %dma_start3A_855 = arith.constant 1 : i32
    %dma_start3A_856 = tpu.memref_slice %arg7[%dma_start3A_855] : memref<4x!tpu.dma_semaphore, #tpu.memory_space<semaphore_mem>> -> memref<1x!tpu.dma_semaphore, #tpu.memory_space<semaphore_mem>>
    %dma_start3A_857 = tpu.memref_squeeze %dma_start3A_856 : memref<1x!tpu.dma_semaphore, #tpu.memory_space<semaphore_mem>> -> memref<!tpu.dma_semaphore, #tpu.memory_space<semaphore_mem>>
    %dma_start3A_858 = arith.constant 0 : i32
    %dma_start3A_859 = arith.constant 0 : i32
    %dma_start3A_860 = arith.constant 0 : i32
    %dma_start3A_861 = arith.constant 0 : i32
    %dma_start3A_862 = tpu.memref_slice %arg6[%arg1, %dma_start3A_858, %dma_start3A_859, %dma_start3A_860, %dma_start3A_861] : memref<16x4x4x56x56xf32, #tpu.memory_space<vmem_shared>> -> memref<1x4x4x56x56xf32, #tpu.memory_space<vmem_shared>>
    %dma_start3A_863 = tpu.memref_squeeze %dma_start3A_862 : memref<1x4x4x56x56xf32, #tpu.memory_space<vmem_shared>> -> memref<4x4x56x56xf32, #tpu.memory_space<vmem_shared>>
    %dma_start3A_864 = arith.constant 0 : i32
    %dma_start3A_865 = arith.constant 0 : i32
    %dma_start3A_866 = tpu.memref_slice %dma_start3A_863[%dma_start3A_853, %dma_start3A_854, %dma_start3A_864, %dma_start3A_865] : memref<4x4x56x56xf32, #tpu.memory_space<vmem_shared>> -> memref<1x1x56x56xf32, #tpu.memory_space<vmem_shared>>
    %dma_start3A_867 = tpu.memref_squeeze %dma_start3A_866 : memref<1x1x56x56xf32, #tpu.memory_space<vmem_shared>> -> memref<56x56xf32, #tpu.memory_space<vmem_shared>>
    %dma_start3A_868 = arith.constant 0 : i32
    %dma_start3A_869 = arith.constant 0 : i32
    %dma_start3A_870 = tpu.memref_slice %arg2[%add3A, %squeeze3A_852, %dma_start3A_868, %dma_start3A_869] : memref<32x384x56x56xf32, #tpu.memory_space<hbm>> -> memref<1x1x56x56xf32, #tpu.memory_space<hbm>>
    %dma_start3A_871 = tpu.memref_squeeze %dma_start3A_870 : memref<1x1x56x56xf32, #tpu.memory_space<hbm>> -> memref<56x56xf32, #tpu.memory_space<hbm>>
    tpu.enqueue_dma source(%dma_start3A_871 : memref<56x56xf32, #tpu.memory_space<hbm>>) target(%dma_start3A_867 : memref<56x56xf32, #tpu.memory_space<vmem_shared>>) target_semaphore(%dma_start3A_857 : memref<!tpu.dma_semaphore, #tpu.memory_space<semaphore_mem>>)
    %dma_wait3A_872 = arith.constant 0 : i32
    %dma_wait3A_873 = arith.constant 0 : i32
    %dma_wait3A_874 = arith.constant 3 : i32
    %dma_wait3A_875 = arith.constant 0 : i32
    %dma_wait3A_876 = arith.constant 3 : i32
    %dma_wait3A_877 = tpu.memref_slice %arg7[%dma_wait3A_876] : memref<4x!tpu.dma_semaphore, #tpu.memory_space<semaphore_mem>> -> memref<1x!tpu.dma_semaphore, #tpu.memory_space<semaphore_mem>>
    %dma_wait3A_878 = tpu.memref_squeeze %dma_wait3A_877 : memref<1x!tpu.dma_semaphore, #tpu.memory_space<semaphore_mem>> -> memref<!tpu.dma_semaphore, #tpu.memory_space<semaphore_mem>>
    %dma_wait3A_879 = arith.constant 0 : i32
    %dma_wait3A_880 = arith.constant 0 : i32
    %dma_wait3A_881 = arith.constant 0 : i32
    %dma_wait3A_882 = arith.constant 0 : i32
    %dma_wait3A_883 = tpu.memref_slice %arg6[%arg1, %dma_wait3A_879, %dma_wait3A_880, %dma_wait3A_881, %dma_wait3A_882] : memref<16x4x4x56x56xf32, #tpu.memory_space<vmem_shared>> -> memref<1x4x4x56x56xf32, #tpu.memory_space<vmem_shared>>
    %dma_wait3A_884 = tpu.memref_squeeze %dma_wait3A_883 : memref<1x4x4x56x56xf32, #tpu.memory_space<vmem_shared>> -> memref<4x4x56x56xf32, #tpu.memory_space<vmem_shared>>
    %dma_wait3A_885 = arith.constant 0 : i32
    %dma_wait3A_886 = arith.constant 0 : i32
    %dma_wait3A_887 = tpu.memref_slice %dma_wait3A_884[%dma_wait3A_874, %dma_wait3A_875, %dma_wait3A_885, %dma_wait3A_886] : memref<4x4x56x56xf32, #tpu.memory_space<vmem_shared>> -> memref<1x1x56x56xf32, #tpu.memory_space<vmem_shared>>
    %dma_wait3A_888 = tpu.memref_squeeze %dma_wait3A_887 : memref<1x1x56x56xf32, #tpu.memory_space<vmem_shared>> -> memref<56x56xf32, #tpu.memory_space<vmem_shared>>
    %dma_wait3A_889 = arith.constant 0 : i32
    %dma_wait3A_890 = arith.constant 0 : i32
    %dma_wait3A_891 = tpu.memref_slice %arg2[%dma_wait3A_872, %dma_wait3A_873, %dma_wait3A_889, %dma_wait3A_890] : memref<32x384x56x56xf32, #tpu.memory_space<hbm>> -> memref<1x1x56x56xf32, #tpu.memory_space<hbm>>
    %dma_wait3A_892 = tpu.memref_squeeze %dma_wait3A_891 : memref<1x1x56x56xf32, #tpu.memory_space<hbm>> -> memref<56x56xf32, #tpu.memory_space<hbm>>
    tpu.wait_dma2 semaphore(%dma_wait3A_878 : memref<!tpu.dma_semaphore, #tpu.memory_space<semaphore_mem>>) src(%dma_wait3A_892 : memref<56x56xf32, #tpu.memory_space<hbm>>) dst(%dma_wait3A_888 : memref<56x56xf32, #tpu.memory_space<vmem_shared>>)
    %dma_wait3A_893 = arith.constant 0 : i32
    %dma_wait3A_894 = arith.constant 0 : i32
    %dma_wait3A_895 = arith.constant 3 : i32
    %dma_wait3A_896 = arith.constant 0 : i32
    %dma_wait3A_897 = arith.constant 3 : i32
    %dma_wait3A_898 = tpu.memref_slice %arg7[%dma_wait3A_897] : memref<4x!tpu.dma_semaphore, #tpu.memory_space<semaphore_mem>> -> memref<1x!tpu.dma_semaphore, #tpu.memory_space<semaphore_mem>>
    %dma_wait3A_899 = tpu.memref_squeeze %dma_wait3A_898 : memref<1x!tpu.dma_semaphore, #tpu.memory_space<semaphore_mem>> -> memref<!tpu.dma_semaphore, #tpu.memory_space<semaphore_mem>>
    %dma_wait3A_900 = arith.constant 0 : i32
    %dma_wait3A_901 = arith.constant 0 : i32
    %dma_wait3A_902 = arith.constant 0 : i32
    %dma_wait3A_903 = arith.constant 0 : i32
    %dma_wait3A_904 = tpu.memref_slice %arg6[%arg1, %dma_wait3A_900, %dma_wait3A_901, %dma_wait3A_902, %dma_wait3A_903] : memref<16x4x4x56x56xf32, #tpu.memory_space<vmem_shared>> -> memref<1x4x4x56x56xf32, #tpu.memory_space<vmem_shared>>
    %dma_wait3A_905 = tpu.memref_squeeze %dma_wait3A_904 : memref<1x4x4x56x56xf32, #tpu.memory_space<vmem_shared>> -> memref<4x4x56x56xf32, #tpu.memory_space<vmem_shared>>
    %dma_wait3A_906 = arith.constant 0 : i32
    %dma_wait3A_907 = arith.constant 0 : i32
    %dma_wait3A_908 = tpu.memref_slice %dma_wait3A_905[%dma_wait3A_895, %dma_wait3A_896, %dma_wait3A_906, %dma_wait3A_907] : memref<4x4x56x56xf32, #tpu.memory_space<vmem_shared>> -> memref<1x1x56x56xf32, #tpu.memory_space<vmem_shared>>
    %dma_wait3A_909 = tpu.memref_squeeze %dma_wait3A_908 : memref<1x1x56x56xf32, #tpu.memory_space<vmem_shared>> -> memref<56x56xf32, #tpu.memory_space<vmem_shared>>
    %dma_wait3A_910 = arith.constant 0 : i32
    %dma_wait3A_911 = arith.constant 0 : i32
    %dma_wait3A_912 = tpu.memref_slice %arg2[%dma_wait3A_893, %dma_wait3A_894, %dma_wait3A_910, %dma_wait3A_911] : memref<32x384x56x56xf32, #tpu.memory_space<hbm>> -> memref<1x1x56x56xf32, #tpu.memory_space<hbm>>
    %dma_wait3A_913 = tpu.memref_squeeze %dma_wait3A_912 : memref<1x1x56x56xf32, #tpu.memory_space<hbm>> -> memref<56x56xf32, #tpu.memory_space<hbm>>
    tpu.wait_dma2 semaphore(%dma_wait3A_899 : memref<!tpu.dma_semaphore, #tpu.memory_space<semaphore_mem>>) src(%dma_wait3A_913 : memref<56x56xf32, #tpu.memory_space<hbm>>) dst(%dma_wait3A_909 : memref<56x56xf32, #tpu.memory_space<vmem_shared>>)
    %dma_wait3A_914 = arith.constant 0 : i32
    %dma_wait3A_915 = arith.constant 0 : i32
    %dma_wait3A_916 = arith.constant 3 : i32
    %dma_wait3A_917 = arith.constant 0 : i32
    %dma_wait3A_918 = arith.constant 3 : i32
    %dma_wait3A_919 = tpu.memref_slice %arg7[%dma_wait3A_918] : memref<4x!tpu.dma_semaphore, #tpu.memory_space<semaphore_mem>> -> memref<1x!tpu.dma_semaphore, #tpu.memory_space<semaphore_mem>>
    %dma_wait3A_920 = tpu.memref_squeeze %dma_wait3A_919 : memref<1x!tpu.dma_semaphore, #tpu.memory_space<semaphore_mem>> -> memref<!tpu.dma_semaphore, #tpu.memory_space<semaphore_mem>>
    %dma_wait3A_921 = arith.constant 0 : i32
    %dma_wait3A_922 = arith.constant 0 : i32
    %dma_wait3A_923 = arith.constant 0 : i32
    %dma_wait3A_924 = arith.constant 0 : i32
    %dma_wait3A_925 = tpu.memref_slice %arg6[%arg1, %dma_wait3A_921, %dma_wait3A_922, %dma_wait3A_923, %dma_wait3A_924] : memref<16x4x4x56x56xf32, #tpu.memory_space<vmem_shared>> -> memref<1x4x4x56x56xf32, #tpu.memory_space<vmem_shared>>
    %dma_wait3A_926 = tpu.memref_squeeze %dma_wait3A_925 : memref<1x4x4x56x56xf32, #tpu.memory_space<vmem_shared>> -> memref<4x4x56x56xf32, #tpu.memory_space<vmem_shared>>
    %dma_wait3A_927 = arith.constant 0 : i32
    %dma_wait3A_928 = arith.constant 0 : i32
    %dma_wait3A_929 = tpu.memref_slice %dma_wait3A_926[%dma_wait3A_916, %dma_wait3A_917, %dma_wait3A_927, %dma_wait3A_928] : memref<4x4x56x56xf32, #tpu.memory_space<vmem_shared>> -> memref<1x1x56x56xf32, #tpu.memory_space<vmem_shared>>
    %dma_wait3A_930 = tpu.memref_squeeze %dma_wait3A_929 : memref<1x1x56x56xf32, #tpu.memory_space<vmem_shared>> -> memref<56x56xf32, #tpu.memory_space<vmem_shared>>
    %dma_wait3A_931 = arith.constant 0 : i32
    %dma_wait3A_932 = arith.constant 0 : i32
    %dma_wait3A_933 = tpu.memref_slice %arg2[%dma_wait3A_914, %dma_wait3A_915, %dma_wait3A_931, %dma_wait3A_932] : memref<32x384x56x56xf32, #tpu.memory_space<hbm>> -> memref<1x1x56x56xf32, #tpu.memory_space<hbm>>
    %dma_wait3A_934 = tpu.memref_squeeze %dma_wait3A_933 : memref<1x1x56x56xf32, #tpu.memory_space<hbm>> -> memref<56x56xf32, #tpu.memory_space<hbm>>
    tpu.wait_dma2 semaphore(%dma_wait3A_920 : memref<!tpu.dma_semaphore, #tpu.memory_space<semaphore_mem>>) src(%dma_wait3A_934 : memref<56x56xf32, #tpu.memory_space<hbm>>) dst(%dma_wait3A_930 : memref<56x56xf32, #tpu.memory_space<vmem_shared>>)
    %dma_wait3A_935 = arith.constant 0 : i32
    %dma_wait3A_936 = arith.constant 0 : i32
    %dma_wait3A_937 = arith.constant 3 : i32
    %dma_wait3A_938 = arith.constant 0 : i32
    %dma_wait3A_939 = arith.constant 3 : i32
    %dma_wait3A_940 = tpu.memref_slice %arg7[%dma_wait3A_939] : memref<4x!tpu.dma_semaphore, #tpu.memory_space<semaphore_mem>> -> memref<1x!tpu.dma_semaphore, #tpu.memory_space<semaphore_mem>>
    %dma_wait3A_941 = tpu.memref_squeeze %dma_wait3A_940 : memref<1x!tpu.dma_semaphore, #tpu.memory_space<semaphore_mem>> -> memref<!tpu.dma_semaphore, #tpu.memory_space<semaphore_mem>>
    %dma_wait3A_942 = arith.constant 0 : i32
    %dma_wait3A_943 = arith.constant 0 : i32
    %dma_wait3A_944 = arith.constant 0 : i32
    %dma_wait3A_945 = arith.constant 0 : i32
    %dma_wait3A_946 = tpu.memref_slice %arg6[%arg1, %dma_wait3A_942, %dma_wait3A_943, %dma_wait3A_944, %dma_wait3A_945] : memref<16x4x4x56x56xf32, #tpu.memory_space<vmem_shared>> -> memref<1x4x4x56x56xf32, #tpu.memory_space<vmem_shared>>
    %dma_wait3A_947 = tpu.memref_squeeze %dma_wait3A_946 : memref<1x4x4x56x56xf32, #tpu.memory_space<vmem_shared>> -> memref<4x4x56x56xf32, #tpu.memory_space<vmem_shared>>
    %dma_wait3A_948 = arith.constant 0 : i32
    %dma_wait3A_949 = arith.constant 0 : i32
    %dma_wait3A_950 = tpu.memref_slice %dma_wait3A_947[%dma_wait3A_937, %dma_wait3A_938, %dma_wait3A_948, %dma_wait3A_949] : memref<4x4x56x56xf32, #tpu.memory_space<vmem_shared>> -> memref<1x1x56x56xf32, #tpu.memory_space<vmem_shared>>
    %dma_wait3A_951 = tpu.memref_squeeze %dma_wait3A_950 : memref<1x1x56x56xf32, #tpu.memory_space<vmem_shared>> -> memref<56x56xf32, #tpu.memory_space<vmem_shared>>
    %dma_wait3A_952 = arith.constant 0 : i32
    %dma_wait3A_953 = arith.constant 0 : i32
    %dma_wait3A_954 = tpu.memref_slice %arg2[%dma_wait3A_935, %dma_wait3A_936, %dma_wait3A_952, %dma_wait3A_953] : memref<32x384x56x56xf32, #tpu.memory_space<hbm>> -> memref<1x1x56x56xf32, #tpu.memory_space<hbm>>
    %dma_wait3A_955 = tpu.memref_squeeze %dma_wait3A_954 : memref<1x1x56x56xf32, #tpu.memory_space<hbm>> -> memref<56x56xf32, #tpu.memory_space<hbm>>
    tpu.wait_dma2 semaphore(%dma_wait3A_941 : memref<!tpu.dma_semaphore, #tpu.memory_space<semaphore_mem>>) src(%dma_wait3A_955 : memref<56x56xf32, #tpu.memory_space<hbm>>) dst(%dma_wait3A_951 : memref<56x56xf32, #tpu.memory_space<vmem_shared>>)
    %dma_start3A_956 = arith.constant 3 : i32
    %dma_start3A_957 = arith.constant 3 : i32
    %dma_start3A_958 = tpu.memref_slice %arg8[%dma_start3A_957] : memref<4x!tpu.dma_semaphore, #tpu.memory_space<semaphore_mem>> -> memref<1x!tpu.dma_semaphore, #tpu.memory_space<semaphore_mem>>
    %dma_start3A_959 = tpu.memref_squeeze %dma_start3A_958 : memref<1x!tpu.dma_semaphore, #tpu.memory_space<semaphore_mem>> -> memref<!tpu.dma_semaphore, #tpu.memory_space<semaphore_mem>>
    %dma_start3A_960 = arith.constant 12 : i32
    %dma_start3A_961 = arith.constant 0 : i32
    %dma_start3A_962 = arith.constant 0 : i32
    %dma_start3A_963 = tpu.memref_slice %arg4[%add3A, %dma_start3A_960, %dma_start3A_961, %dma_start3A_962] : memref<32x384x56x56xf32, #tpu.memory_space<hbm>> -> memref<1x4x56x56xf32, #tpu.memory_space<hbm>>
    %dma_start3A_964 = tpu.memref_squeeze %dma_start3A_963 : memref<1x4x56x56xf32, #tpu.memory_space<hbm>> -> memref<4x56x56xf32, #tpu.memory_space<hbm>>
    %dma_start3A_965 = arith.constant 0 : i32
    %dma_start3A_966 = arith.constant 0 : i32
    %dma_start3A_967 = arith.constant 0 : i32
    %dma_start3A_968 = arith.constant 0 : i32
    %dma_start3A_969 = tpu.memref_slice %arg6[%arg1, %dma_start3A_965, %dma_start3A_966, %dma_start3A_967, %dma_start3A_968] : memref<16x4x4x56x56xf32, #tpu.memory_space<vmem_shared>> -> memref<1x4x4x56x56xf32, #tpu.memory_space<vmem_shared>>
    %dma_start3A_970 = tpu.memref_squeeze %dma_start3A_969 : memref<1x4x4x56x56xf32, #tpu.memory_space<vmem_shared>> -> memref<4x4x56x56xf32, #tpu.memory_space<vmem_shared>>
    %dma_start3A_971 = arith.constant 0 : i32
    %dma_start3A_972 = arith.constant 0 : i32
    %dma_start3A_973 = arith.constant 0 : i32
    %dma_start3A_974 = tpu.memref_slice %dma_start3A_970[%dma_start3A_956, %dma_start3A_971, %dma_start3A_972, %dma_start3A_973] : memref<4x4x56x56xf32, #tpu.memory_space<vmem_shared>> -> memref<1x4x56x56xf32, #tpu.memory_space<vmem_shared>>
    %dma_start3A_975 = tpu.memref_squeeze %dma_start3A_974 : memref<1x4x56x56xf32, #tpu.memory_space<vmem_shared>> -> memref<4x56x56xf32, #tpu.memory_space<vmem_shared>>
    tpu.enqueue_dma source(%dma_start3A_975 : memref<4x56x56xf32, #tpu.memory_space<vmem_shared>>) target(%dma_start3A_964 : memref<4x56x56xf32, #tpu.memory_space<hbm>>) target_semaphore(%dma_start3A_959 : memref<!tpu.dma_semaphore, #tpu.memory_space<semaphore_mem>>)
    %scan3A = arith.constant 0 : i32
    %scan3A_976 = arith.constant 1 : i32
    %scan3A_977 = arith.constant 23 : i32
    %scan3A_978 = arith.addi %scan3A_976, %scan3A_977 : i32
    %scan3A_979 = arith.constant 1 : i32
    %scan3A_980 = scf.for %scan3A_1024 = %scan3A_976 to %scan3A_978 step %scan3A_979 iter_args(%scan3A_1025 = %scan3A) -> (i32)  : i32 {
      %mul3A_1026 = arith.constant 4 : i32
      %mul3A_1027 = arith.muli %scan3A_1024, %mul3A_1026 : i32
      %add3A_1028 = arith.constant 0 : i32
      %add3A_1029 = arith.addi %mul3A_1027, %add3A_1028 : i32
      %jit3A = arith.constant 4 : i32
      %eq3A = arith.constant 0 : i32
      %eq3A_1030 = arith.cmpi eq, %jit3A, %eq3A : i32
      %jit3A_1031 = arith.constant 1 : i32
      %select_n3A = arith.select %eq3A_1030, %jit3A_1031, %jit3A : i32
      %rem3A = arith.remsi %add3A_1029, %select_n3A : i32
      %ne3A = arith.constant 0 : i32
      %ne3A_1032 = arith.cmpi ne, %rem3A, %ne3A : i32
      %lt3A = arith.constant 0 : i32
      %lt3A_1033 = arith.cmpi slt, %rem3A, %lt3A : i32
      %lt3A_1034 = arith.constant 0 : i32
      %lt3A_1035 = arith.cmpi slt, %select_n3A, %lt3A_1034 : i32
      %ne3A_1036 = arith.xori %lt3A_1033, %lt3A_1035 : i1
      %and3A = arith.andi %ne3A_1036, %ne3A_1032 : i1
      %add3A_1037 = arith.addi %rem3A, %select_n3A : i32
      %select_n3A_1038 = arith.select %and3A, %add3A_1037, %rem3A : i32
      %add3A_1039 = arith.constant 2 : i32
      %add3A_1040 = arith.addi %add3A_1029, %add3A_1039 : i32
      %jit3A_1041 = arith.constant 4 : i32
      %eq3A_1042 = arith.constant 0 : i32
      %eq3A_1043 = arith.cmpi eq, %jit3A_1041, %eq3A_1042 : i32
      %jit3A_1044 = arith.constant 1 : i32
      %select_n3A_1045 = arith.select %eq3A_1043, %jit3A_1044, %jit3A_1041 : i32
      %rem3A_1046 = arith.remsi %add3A_1040, %select_n3A_1045 : i32
      %ne3A_1047 = arith.constant 0 : i32
      %ne3A_1048 = arith.cmpi ne, %rem3A_1046, %ne3A_1047 : i32
      %lt3A_1049 = arith.constant 0 : i32
      %lt3A_1050 = arith.cmpi slt, %rem3A_1046, %lt3A_1049 : i32
      %lt3A_1051 = arith.constant 0 : i32
      %lt3A_1052 = arith.cmpi slt, %select_n3A_1045, %lt3A_1051 : i32
      %ne3A_1053 = arith.xori %lt3A_1050, %lt3A_1052 : i1
      %and3A_1054 = arith.andi %ne3A_1053, %ne3A_1048 : i1
      %add3A_1055 = arith.addi %rem3A_1046, %select_n3A_1045 : i32
      %select_n3A_1056 = arith.select %and3A_1054, %add3A_1055, %rem3A_1046 : i32
      %dma_wait3A_1057 = arith.constant 0 : i32
      %dma_wait3A_1058 = tpu.memref_slice %arg8[%select_n3A_1056] : memref<4x!tpu.dma_semaphore, #tpu.memory_space<semaphore_mem>> -> memref<1x!tpu.dma_semaphore, #tpu.memory_space<semaphore_mem>>
      %dma_wait3A_1059 = tpu.memref_squeeze %dma_wait3A_1058 : memref<1x!tpu.dma_semaphore, #tpu.memory_space<semaphore_mem>> -> memref<!tpu.dma_semaphore, #tpu.memory_space<semaphore_mem>>
      %dma_wait3A_1060 = arith.constant 0 : i32
      %dma_wait3A_1061 = arith.constant 0 : i32
      %dma_wait3A_1062 = arith.constant 0 : i32
      %dma_wait3A_1063 = tpu.memref_slice %arg4[%dma_wait3A_1057, %dma_wait3A_1060, %dma_wait3A_1061, %dma_wait3A_1062] : memref<32x384x56x56xf32, #tpu.memory_space<hbm>> -> memref<1x4x56x56xf32, #tpu.memory_space<hbm>>
      %dma_wait3A_1064 = tpu.memref_squeeze %dma_wait3A_1063 : memref<1x4x56x56xf32, #tpu.memory_space<hbm>> -> memref<4x56x56xf32, #tpu.memory_space<hbm>>
      %dma_wait3A_1065 = arith.constant 0 : i32
      %dma_wait3A_1066 = arith.constant 0 : i32
      %dma_wait3A_1067 = arith.constant 0 : i32
      %dma_wait3A_1068 = arith.constant 0 : i32
      %dma_wait3A_1069 = tpu.memref_slice %arg6[%arg1, %dma_wait3A_1065, %dma_wait3A_1066, %dma_wait3A_1067, %dma_wait3A_1068] : memref<16x4x4x56x56xf32, #tpu.memory_space<vmem_shared>> -> memref<1x4x4x56x56xf32, #tpu.memory_space<vmem_shared>>
      %dma_wait3A_1070 = tpu.memref_squeeze %dma_wait3A_1069 : memref<1x4x4x56x56xf32, #tpu.memory_space<vmem_shared>> -> memref<4x4x56x56xf32, #tpu.memory_space<vmem_shared>>
      %dma_wait3A_1071 = arith.constant 0 : i32
      %dma_wait3A_1072 = arith.constant 0 : i32
      %dma_wait3A_1073 = arith.constant 0 : i32
      %dma_wait3A_1074 = tpu.memref_slice %dma_wait3A_1070[%select_n3A_1056, %dma_wait3A_1071, %dma_wait3A_1072, %dma_wait3A_1073] : memref<4x4x56x56xf32, #tpu.memory_space<vmem_shared>> -> memref<1x4x56x56xf32, #tpu.memory_space<vmem_shared>>
      %dma_wait3A_1075 = tpu.memref_squeeze %dma_wait3A_1074 : memref<1x4x56x56xf32, #tpu.memory_space<vmem_shared>> -> memref<4x56x56xf32, #tpu.memory_space<vmem_shared>>
      tpu.wait_dma2 semaphore(%dma_wait3A_1059 : memref<!tpu.dma_semaphore, #tpu.memory_space<semaphore_mem>>) src(%dma_wait3A_1075 : memref<4x56x56xf32, #tpu.memory_space<vmem_shared>>) dst(%dma_wait3A_1064 : memref<4x56x56xf32, #tpu.memory_space<hbm>>)
      %add3A_1076 = arith.constant 2 : i32
      %add3A_1077 = arith.addi %add3A_1029, %add3A_1076 : i32
      %lt3A_1078 = arith.constant 96 : i32
      %lt3A_1079 = arith.cmpi slt, %add3A_1077, %lt3A_1078 : i32
      %convert_element_type3A = arith.extui %lt3A_1079 : i1 to i32
      %cond3A = arith.constant 0 : i32
      %cond3A_1080 = arith.cmpi ne, %convert_element_type3A, %cond3A : i32
      scf.if %cond3A_1080 {
        %add3A_1648 = arith.constant 2 : i32
        %add3A_1649 = arith.addi %add3A_1029, %add3A_1648 : i32
        %mul3A_1650 = arith.constant 4 : i32
        %mul3A_1651 = arith.muli %add3A_1649, %mul3A_1650 : i32
        %get3A_1652 = arith.index_cast %mul3A_1651 : i32 to index
        %get3A_1653 = tpu.vector_load %arg5[%get3A_1652] {strides = array<i32>} : memref<400xi32, #tpu.memory_space<vmem>>, vector<16xi32>,
        %get3A_1654 = vector.shape_cast %get3A_1653 : vector<16xi32> to vector<16xi32>
        %slice3A_1655 = vector.extract_strided_slice %get3A_1654 {offsets = [0], sizes = [1], strides = [1]} : vector<16xi32> to vector<1xi32>
        %squeeze3A_1656 = vector.extract %slice3A_1655[0] : i32 from vector<1xi32>
        %dma_start3A_1657 = arith.constant 0 : i32
        %dma_start3A_1658 = tpu.memref_slice %arg7[%select_n3A_1056] : memref<4x!tpu.dma_semaphore, #tpu.memory_space<semaphore_mem>> -> memref<1x!tpu.dma_semaphore, #tpu.memory_space<semaphore_mem>>
        %dma_start3A_1659 = tpu.memref_squeeze %dma_start3A_1658 : memref<1x!tpu.dma_semaphore, #tpu.memory_space<semaphore_mem>> -> memref<!tpu.dma_semaphore, #tpu.memory_space<semaphore_mem>>
        %dma_start3A_1660 = arith.constant 0 : i32
        %dma_start3A_1661 = arith.constant 0 : i32
        %dma_start3A_1662 = arith.constant 0 : i32
        %dma_start3A_1663 = arith.constant 0 : i32
        %dma_start3A_1664 = tpu.memref_slice %arg6[%arg1, %dma_start3A_1660, %dma_start3A_1661, %dma_start3A_1662, %dma_start3A_1663] : memref<16x4x4x56x56xf32, #tpu.memory_space<vmem_shared>> -> memref<1x4x4x56x56xf32, #tpu.memory_space<vmem_shared>>
        %dma_start3A_1665 = tpu.memref_squeeze %dma_start3A_1664 : memref<1x4x4x56x56xf32, #tpu.memory_space<vmem_shared>> -> memref<4x4x56x56xf32, #tpu.memory_space<vmem_shared>>
        %dma_start3A_1666 = arith.constant 0 : i32
        %dma_start3A_1667 = arith.constant 0 : i32
        %dma_start3A_1668 = tpu.memref_slice %dma_start3A_1665[%select_n3A_1056, %dma_start3A_1657, %dma_start3A_1666, %dma_start3A_1667] : memref<4x4x56x56xf32, #tpu.memory_space<vmem_shared>> -> memref<1x1x56x56xf32, #tpu.memory_space<vmem_shared>>
        %dma_start3A_1669 = tpu.memref_squeeze %dma_start3A_1668 : memref<1x1x56x56xf32, #tpu.memory_space<vmem_shared>> -> memref<56x56xf32, #tpu.memory_space<vmem_shared>>
        %dma_start3A_1670 = arith.constant 0 : i32
        %dma_start3A_1671 = arith.constant 0 : i32
        %dma_start3A_1672 = tpu.memref_slice %arg2[%add3A, %squeeze3A_1656, %dma_start3A_1670, %dma_start3A_1671] : memref<32x384x56x56xf32, #tpu.memory_space<hbm>> -> memref<1x1x56x56xf32, #tpu.memory_space<hbm>>
        %dma_start3A_1673 = tpu.memref_squeeze %dma_start3A_1672 : memref<1x1x56x56xf32, #tpu.memory_space<hbm>> -> memref<56x56xf32, #tpu.memory_space<hbm>>
        tpu.enqueue_dma source(%dma_start3A_1673 : memref<56x56xf32, #tpu.memory_space<hbm>>) target(%dma_start3A_1669 : memref<56x56xf32, #tpu.memory_space<vmem_shared>>) target_semaphore(%dma_start3A_1659 : memref<!tpu.dma_semaphore, #tpu.memory_space<semaphore_mem>>)
        %slice3A_1674 = vector.extract_strided_slice %get3A_1654 {offsets = [1], sizes = [1], strides = [1]} : vector<16xi32> to vector<1xi32>
        %squeeze3A_1675 = vector.extract %slice3A_1674[0] : i32 from vector<1xi32>
        %dma_start3A_1676 = arith.constant 1 : i32
        %dma_start3A_1677 = tpu.memref_slice %arg7[%select_n3A_1056] : memref<4x!tpu.dma_semaphore, #tpu.memory_space<semaphore_mem>> -> memref<1x!tpu.dma_semaphore, #tpu.memory_space<semaphore_mem>>
        %dma_start3A_1678 = tpu.memref_squeeze %dma_start3A_1677 : memref<1x!tpu.dma_semaphore, #tpu.memory_space<semaphore_mem>> -> memref<!tpu.dma_semaphore, #tpu.memory_space<semaphore_mem>>
        %dma_start3A_1679 = arith.constant 0 : i32
        %dma_start3A_1680 = arith.constant 0 : i32
        %dma_start3A_1681 = arith.constant 0 : i32
        %dma_start3A_1682 = arith.constant 0 : i32
        %dma_start3A_1683 = tpu.memref_slice %arg6[%arg1, %dma_start3A_1679, %dma_start3A_1680, %dma_start3A_1681, %dma_start3A_1682] : memref<16x4x4x56x56xf32, #tpu.memory_space<vmem_shared>> -> memref<1x4x4x56x56xf32, #tpu.memory_space<vmem_shared>>
        %dma_start3A_1684 = tpu.memref_squeeze %dma_start3A_1683 : memref<1x4x4x56x56xf32, #tpu.memory_space<vmem_shared>> -> memref<4x4x56x56xf32, #tpu.memory_space<vmem_shared>>
        %dma_start3A_1685 = arith.constant 0 : i32
        %dma_start3A_1686 = arith.constant 0 : i32
        %dma_start3A_1687 = tpu.memref_slice %dma_start3A_1684[%select_n3A_1056, %dma_start3A_1676, %dma_start3A_1685, %dma_start3A_1686] : memref<4x4x56x56xf32, #tpu.memory_space<vmem_shared>> -> memref<1x1x56x56xf32, #tpu.memory_space<vmem_shared>>
        %dma_start3A_1688 = tpu.memref_squeeze %dma_start3A_1687 : memref<1x1x56x56xf32, #tpu.memory_space<vmem_shared>> -> memref<56x56xf32, #tpu.memory_space<vmem_shared>>
        %dma_start3A_1689 = arith.constant 0 : i32
        %dma_start3A_1690 = arith.constant 0 : i32
        %dma_start3A_1691 = tpu.memref_slice %arg2[%add3A, %squeeze3A_1675, %dma_start3A_1689, %dma_start3A_1690] : memref<32x384x56x56xf32, #tpu.memory_space<hbm>> -> memref<1x1x56x56xf32, #tpu.memory_space<hbm>>
        %dma_start3A_1692 = tpu.memref_squeeze %dma_start3A_1691 : memref<1x1x56x56xf32, #tpu.memory_space<hbm>> -> memref<56x56xf32, #tpu.memory_space<hbm>>
        tpu.enqueue_dma source(%dma_start3A_1692 : memref<56x56xf32, #tpu.memory_space<hbm>>) target(%dma_start3A_1688 : memref<56x56xf32, #tpu.memory_space<vmem_shared>>) target_semaphore(%dma_start3A_1678 : memref<!tpu.dma_semaphore, #tpu.memory_space<semaphore_mem>>)
        %slice3A_1693 = vector.extract_strided_slice %get3A_1654 {offsets = [2], sizes = [1], strides = [1]} : vector<16xi32> to vector<1xi32>
        %squeeze3A_1694 = vector.extract %slice3A_1693[0] : i32 from vector<1xi32>
        %dma_start3A_1695 = arith.constant 2 : i32
        %dma_start3A_1696 = tpu.memref_slice %arg7[%select_n3A_1056] : memref<4x!tpu.dma_semaphore, #tpu.memory_space<semaphore_mem>> -> memref<1x!tpu.dma_semaphore, #tpu.memory_space<semaphore_mem>>
        %dma_start3A_1697 = tpu.memref_squeeze %dma_start3A_1696 : memref<1x!tpu.dma_semaphore, #tpu.memory_space<semaphore_mem>> -> memref<!tpu.dma_semaphore, #tpu.memory_space<semaphore_mem>>
        %dma_start3A_1698 = arith.constant 0 : i32
        %dma_start3A_1699 = arith.constant 0 : i32
        %dma_start3A_1700 = arith.constant 0 : i32
        %dma_start3A_1701 = arith.constant 0 : i32
        %dma_start3A_1702 = tpu.memref_slice %arg6[%arg1, %dma_start3A_1698, %dma_start3A_1699, %dma_start3A_1700, %dma_start3A_1701] : memref<16x4x4x56x56xf32, #tpu.memory_space<vmem_shared>> -> memref<1x4x4x56x56xf32, #tpu.memory_space<vmem_shared>>
        %dma_start3A_1703 = tpu.memref_squeeze %dma_start3A_1702 : memref<1x4x4x56x56xf32, #tpu.memory_space<vmem_shared>> -> memref<4x4x56x56xf32, #tpu.memory_space<vmem_shared>>
        %dma_start3A_1704 = arith.constant 0 : i32
        %dma_start3A_1705 = arith.constant 0 : i32
        %dma_start3A_1706 = tpu.memref_slice %dma_start3A_1703[%select_n3A_1056, %dma_start3A_1695, %dma_start3A_1704, %dma_start3A_1705] : memref<4x4x56x56xf32, #tpu.memory_space<vmem_shared>> -> memref<1x1x56x56xf32, #tpu.memory_space<vmem_shared>>
        %dma_start3A_1707 = tpu.memref_squeeze %dma_start3A_1706 : memref<1x1x56x56xf32, #tpu.memory_space<vmem_shared>> -> memref<56x56xf32, #tpu.memory_space<vmem_shared>>
        %dma_start3A_1708 = arith.constant 0 : i32
        %dma_start3A_1709 = arith.constant 0 : i32
        %dma_start3A_1710 = tpu.memref_slice %arg2[%add3A, %squeeze3A_1694, %dma_start3A_1708, %dma_start3A_1709] : memref<32x384x56x56xf32, #tpu.memory_space<hbm>> -> memref<1x1x56x56xf32, #tpu.memory_space<hbm>>
        %dma_start3A_1711 = tpu.memref_squeeze %dma_start3A_1710 : memref<1x1x56x56xf32, #tpu.memory_space<hbm>> -> memref<56x56xf32, #tpu.memory_space<hbm>>
        tpu.enqueue_dma source(%dma_start3A_1711 : memref<56x56xf32, #tpu.memory_space<hbm>>) target(%dma_start3A_1707 : memref<56x56xf32, #tpu.memory_space<vmem_shared>>) target_semaphore(%dma_start3A_1697 : memref<!tpu.dma_semaphore, #tpu.memory_space<semaphore_mem>>)
        %slice3A_1712 = vector.extract_strided_slice %get3A_1654 {offsets = [3], sizes = [1], strides = [1]} : vector<16xi32> to vector<1xi32>
        %squeeze3A_1713 = vector.extract %slice3A_1712[0] : i32 from vector<1xi32>
        %dma_start3A_1714 = arith.constant 3 : i32
        %dma_start3A_1715 = tpu.memref_slice %arg7[%select_n3A_1056] : memref<4x!tpu.dma_semaphore, #tpu.memory_space<semaphore_mem>> -> memref<1x!tpu.dma_semaphore, #tpu.memory_space<semaphore_mem>>
        %dma_start3A_1716 = tpu.memref_squeeze %dma_start3A_1715 : memref<1x!tpu.dma_semaphore, #tpu.memory_space<semaphore_mem>> -> memref<!tpu.dma_semaphore, #tpu.memory_space<semaphore_mem>>
        %dma_start3A_1717 = arith.constant 0 : i32
        %dma_start3A_1718 = arith.constant 0 : i32
        %dma_start3A_1719 = arith.constant 0 : i32
        %dma_start3A_1720 = arith.constant 0 : i32
        %dma_start3A_1721 = tpu.memref_slice %arg6[%arg1, %dma_start3A_1717, %dma_start3A_1718, %dma_start3A_1719, %dma_start3A_1720] : memref<16x4x4x56x56xf32, #tpu.memory_space<vmem_shared>> -> memref<1x4x4x56x56xf32, #tpu.memory_space<vmem_shared>>
        %dma_start3A_1722 = tpu.memref_squeeze %dma_start3A_1721 : memref<1x4x4x56x56xf32, #tpu.memory_space<vmem_shared>> -> memref<4x4x56x56xf32, #tpu.memory_space<vmem_shared>>
        %dma_start3A_1723 = arith.constant 0 : i32
        %dma_start3A_1724 = arith.constant 0 : i32
        %dma_start3A_1725 = tpu.memref_slice %dma_start3A_1722[%select_n3A_1056, %dma_start3A_1714, %dma_start3A_1723, %dma_start3A_1724] : memref<4x4x56x56xf32, #tpu.memory_space<vmem_shared>> -> memref<1x1x56x56xf32, #tpu.memory_space<vmem_shared>>
        %dma_start3A_1726 = tpu.memref_squeeze %dma_start3A_1725 : memref<1x1x56x56xf32, #tpu.memory_space<vmem_shared>> -> memref<56x56xf32, #tpu.memory_space<vmem_shared>>
        %dma_start3A_1727 = arith.constant 0 : i32
        %dma_start3A_1728 = arith.constant 0 : i32
        %dma_start3A_1729 = tpu.memref_slice %arg2[%add3A, %squeeze3A_1713, %dma_start3A_1727, %dma_start3A_1728] : memref<32x384x56x56xf32, #tpu.memory_space<hbm>> -> memref<1x1x56x56xf32, #tpu.memory_space<hbm>>
        %dma_start3A_1730 = tpu.memref_squeeze %dma_start3A_1729 : memref<1x1x56x56xf32, #tpu.memory_space<hbm>> -> memref<56x56xf32, #tpu.memory_space<hbm>>
        tpu.enqueue_dma source(%dma_start3A_1730 : memref<56x56xf32, #tpu.memory_space<hbm>>) target(%dma_start3A_1726 : memref<56x56xf32, #tpu.memory_space<vmem_shared>>) target_semaphore(%dma_start3A_1716 : memref<!tpu.dma_semaphore, #tpu.memory_space<semaphore_mem>>)
      } else {
      }
      %dma_wait3A_1081 = arith.constant 0 : i32
      %dma_wait3A_1082 = arith.constant 0 : i32
      %dma_wait3A_1083 = arith.constant 0 : i32
      %dma_wait3A_1084 = tpu.memref_slice %arg7[%select_n3A_1038] : memref<4x!tpu.dma_semaphore, #tpu.memory_space<semaphore_mem>> -> memref<1x!tpu.dma_semaphore, #tpu.memory_space<semaphore_mem>>
      %dma_wait3A_1085 = tpu.memref_squeeze %dma_wait3A_1084 : memref<1x!tpu.dma_semaphore, #tpu.memory_space<semaphore_mem>> -> memref<!tpu.dma_semaphore, #tpu.memory_space<semaphore_mem>>
      %dma_wait3A_1086 = arith.constant 0 : i32
      %dma_wait3A_1087 = arith.constant 0 : i32
      %dma_wait3A_1088 = arith.constant 0 : i32
      %dma_wait3A_1089 = arith.constant 0 : i32
      %dma_wait3A_1090 = tpu.memref_slice %arg6[%arg1, %dma_wait3A_1086, %dma_wait3A_1087, %dma_wait3A_1088, %dma_wait3A_1089] : memref<16x4x4x56x56xf32, #tpu.memory_space<vmem_shared>> -> memref<1x4x4x56x56xf32, #tpu.memory_space<vmem_shared>>
      %dma_wait3A_1091 = tpu.memref_squeeze %dma_wait3A_1090 : memref<1x4x4x56x56xf32, #tpu.memory_space<vmem_shared>> -> memref<4x4x56x56xf32, #tpu.memory_space<vmem_shared>>
      %dma_wait3A_1092 = arith.constant 0 : i32
      %dma_wait3A_1093 = arith.constant 0 : i32
      %dma_wait3A_1094 = tpu.memref_slice %dma_wait3A_1091[%select_n3A_1038, %dma_wait3A_1083, %dma_wait3A_1092, %dma_wait3A_1093] : memref<4x4x56x56xf32, #tpu.memory_space<vmem_shared>> -> memref<1x1x56x56xf32, #tpu.memory_space<vmem_shared>>
      %dma_wait3A_1095 = tpu.memref_squeeze %dma_wait3A_1094 : memref<1x1x56x56xf32, #tpu.memory_space<vmem_shared>> -> memref<56x56xf32, #tpu.memory_space<vmem_shared>>
      %dma_wait3A_1096 = arith.constant 0 : i32
      %dma_wait3A_1097 = arith.constant 0 : i32
      %dma_wait3A_1098 = tpu.memref_slice %arg2[%dma_wait3A_1081, %dma_wait3A_1082, %dma_wait3A_1096, %dma_wait3A_1097] : memref<32x384x56x56xf32, #tpu.memory_space<hbm>> -> memref<1x1x56x56xf32, #tpu.memory_space<hbm>>
      %dma_wait3A_1099 = tpu.memref_squeeze %dma_wait3A_1098 : memref<1x1x56x56xf32, #tpu.memory_space<hbm>> -> memref<56x56xf32, #tpu.memory_space<hbm>>
      tpu.wait_dma2 semaphore(%dma_wait3A_1085 : memref<!tpu.dma_semaphore, #tpu.memory_space<semaphore_mem>>) src(%dma_wait3A_1099 : memref<56x56xf32, #tpu.memory_space<hbm>>) dst(%dma_wait3A_1095 : memref<56x56xf32, #tpu.memory_space<vmem_shared>>)
      %dma_wait3A_1100 = arith.constant 0 : i32
      %dma_wait3A_1101 = arith.constant 0 : i32
      %dma_wait3A_1102 = arith.constant 0 : i32
      %dma_wait3A_1103 = tpu.memref_slice %arg7[%select_n3A_1038] : memref<4x!tpu.dma_semaphore, #tpu.memory_space<semaphore_mem>> -> memref<1x!tpu.dma_semaphore, #tpu.memory_space<semaphore_mem>>
      %dma_wait3A_1104 = tpu.memref_squeeze %dma_wait3A_1103 : memref<1x!tpu.dma_semaphore, #tpu.memory_space<semaphore_mem>> -> memref<!tpu.dma_semaphore, #tpu.memory_space<semaphore_mem>>
      %dma_wait3A_1105 = arith.constant 0 : i32
      %dma_wait3A_1106 = arith.constant 0 : i32
      %dma_wait3A_1107 = arith.constant 0 : i32
      %dma_wait3A_1108 = arith.constant 0 : i32
      %dma_wait3A_1109 = tpu.memref_slice %arg6[%arg1, %dma_wait3A_1105, %dma_wait3A_1106, %dma_wait3A_1107, %dma_wait3A_1108] : memref<16x4x4x56x56xf32, #tpu.memory_space<vmem_shared>> -> memref<1x4x4x56x56xf32, #tpu.memory_space<vmem_shared>>
      %dma_wait3A_1110 = tpu.memref_squeeze %dma_wait3A_1109 : memref<1x4x4x56x56xf32, #tpu.memory_space<vmem_shared>> -> memref<4x4x56x56xf32, #tpu.memory_space<vmem_shared>>
      %dma_wait3A_1111 = arith.constant 0 : i32
      %dma_wait3A_1112 = arith.constant 0 : i32
      %dma_wait3A_1113 = tpu.memref_slice %dma_wait3A_1110[%select_n3A_1038, %dma_wait3A_1102, %dma_wait3A_1111, %dma_wait3A_1112] : memref<4x4x56x56xf32, #tpu.memory_space<vmem_shared>> -> memref<1x1x56x56xf32, #tpu.memory_space<vmem_shared>>
      %dma_wait3A_1114 = tpu.memref_squeeze %dma_wait3A_1113 : memref<1x1x56x56xf32, #tpu.memory_space<vmem_shared>> -> memref<56x56xf32, #tpu.memory_space<vmem_shared>>
      %dma_wait3A_1115 = arith.constant 0 : i32
      %dma_wait3A_1116 = arith.constant 0 : i32
      %dma_wait3A_1117 = tpu.memref_slice %arg2[%dma_wait3A_1100, %dma_wait3A_1101, %dma_wait3A_1115, %dma_wait3A_1116] : memref<32x384x56x56xf32, #tpu.memory_space<hbm>> -> memref<1x1x56x56xf32, #tpu.memory_space<hbm>>
      %dma_wait3A_1118 = tpu.memref_squeeze %dma_wait3A_1117 : memref<1x1x56x56xf32, #tpu.memory_space<hbm>> -> memref<56x56xf32, #tpu.memory_space<hbm>>
      tpu.wait_dma2 semaphore(%dma_wait3A_1104 : memref<!tpu.dma_semaphore, #tpu.memory_space<semaphore_mem>>) src(%dma_wait3A_1118 : memref<56x56xf32, #tpu.memory_space<hbm>>) dst(%dma_wait3A_1114 : memref<56x56xf32, #tpu.memory_space<vmem_shared>>)
      %dma_wait3A_1119 = arith.constant 0 : i32
      %dma_wait3A_1120 = arith.constant 0 : i32
      %dma_wait3A_1121 = arith.constant 0 : i32
      %dma_wait3A_1122 = tpu.memref_slice %arg7[%select_n3A_1038] : memref<4x!tpu.dma_semaphore, #tpu.memory_space<semaphore_mem>> -> memref<1x!tpu.dma_semaphore, #tpu.memory_space<semaphore_mem>>
      %dma_wait3A_1123 = tpu.memref_squeeze %dma_wait3A_1122 : memref<1x!tpu.dma_semaphore, #tpu.memory_space<semaphore_mem>> -> memref<!tpu.dma_semaphore, #tpu.memory_space<semaphore_mem>>
      %dma_wait3A_1124 = arith.constant 0 : i32
      %dma_wait3A_1125 = arith.constant 0 : i32
      %dma_wait3A_1126 = arith.constant 0 : i32
      %dma_wait3A_1127 = arith.constant 0 : i32
      %dma_wait3A_1128 = tpu.memref_slice %arg6[%arg1, %dma_wait3A_1124, %dma_wait3A_1125, %dma_wait3A_1126, %dma_wait3A_1127] : memref<16x4x4x56x56xf32, #tpu.memory_space<vmem_shared>> -> memref<1x4x4x56x56xf32, #tpu.memory_space<vmem_shared>>
      %dma_wait3A_1129 = tpu.memref_squeeze %dma_wait3A_1128 : memref<1x4x4x56x56xf32, #tpu.memory_space<vmem_shared>> -> memref<4x4x56x56xf32, #tpu.memory_space<vmem_shared>>
      %dma_wait3A_1130 = arith.constant 0 : i32
      %dma_wait3A_1131 = arith.constant 0 : i32
      %dma_wait3A_1132 = tpu.memref_slice %dma_wait3A_1129[%select_n3A_1038, %dma_wait3A_1121, %dma_wait3A_1130, %dma_wait3A_1131] : memref<4x4x56x56xf32, #tpu.memory_space<vmem_shared>> -> memref<1x1x56x56xf32, #tpu.memory_space<vmem_shared>>
      %dma_wait3A_1133 = tpu.memref_squeeze %dma_wait3A_1132 : memref<1x1x56x56xf32, #tpu.memory_space<vmem_shared>> -> memref<56x56xf32, #tpu.memory_space<vmem_shared>>
      %dma_wait3A_1134 = arith.constant 0 : i32
      %dma_wait3A_1135 = arith.constant 0 : i32
      %dma_wait3A_1136 = tpu.memref_slice %arg2[%dma_wait3A_1119, %dma_wait3A_1120, %dma_wait3A_1134, %dma_wait3A_1135] : memref<32x384x56x56xf32, #tpu.memory_space<hbm>> -> memref<1x1x56x56xf32, #tpu.memory_space<hbm>>
      %dma_wait3A_1137 = tpu.memref_squeeze %dma_wait3A_1136 : memref<1x1x56x56xf32, #tpu.memory_space<hbm>> -> memref<56x56xf32, #tpu.memory_space<hbm>>
      tpu.wait_dma2 semaphore(%dma_wait3A_1123 : memref<!tpu.dma_semaphore, #tpu.memory_space<semaphore_mem>>) src(%dma_wait3A_1137 : memref<56x56xf32, #tpu.memory_space<hbm>>) dst(%dma_wait3A_1133 : memref<56x56xf32, #tpu.memory_space<vmem_shared>>)
      %dma_wait3A_1138 = arith.constant 0 : i32
      %dma_wait3A_1139 = arith.constant 0 : i32
      %dma_wait3A_1140 = arith.constant 0 : i32
      %dma_wait3A_1141 = tpu.memref_slice %arg7[%select_n3A_1038] : memref<4x!tpu.dma_semaphore, #tpu.memory_space<semaphore_mem>> -> memref<1x!tpu.dma_semaphore, #tpu.memory_space<semaphore_mem>>
      %dma_wait3A_1142 = tpu.memref_squeeze %dma_wait3A_1141 : memref<1x!tpu.dma_semaphore, #tpu.memory_space<semaphore_mem>> -> memref<!tpu.dma_semaphore, #tpu.memory_space<semaphore_mem>>
      %dma_wait3A_1143 = arith.constant 0 : i32
      %dma_wait3A_1144 = arith.constant 0 : i32
      %dma_wait3A_1145 = arith.constant 0 : i32
      %dma_wait3A_1146 = arith.constant 0 : i32
      %dma_wait3A_1147 = tpu.memref_slice %arg6[%arg1, %dma_wait3A_1143, %dma_wait3A_1144, %dma_wait3A_1145, %dma_wait3A_1146] : memref<16x4x4x56x56xf32, #tpu.memory_space<vmem_shared>> -> memref<1x4x4x56x56xf32, #tpu.memory_space<vmem_shared>>
      %dma_wait3A_1148 = tpu.memref_squeeze %dma_wait3A_1147 : memref<1x4x4x56x56xf32, #tpu.memory_space<vmem_shared>> -> memref<4x4x56x56xf32, #tpu.memory_space<vmem_shared>>
      %dma_wait3A_1149 = arith.constant 0 : i32
      %dma_wait3A_1150 = arith.constant 0 : i32
      %dma_wait3A_1151 = tpu.memref_slice %dma_wait3A_1148[%select_n3A_1038, %dma_wait3A_1140, %dma_wait3A_1149, %dma_wait3A_1150] : memref<4x4x56x56xf32, #tpu.memory_space<vmem_shared>> -> memref<1x1x56x56xf32, #tpu.memory_space<vmem_shared>>
      %dma_wait3A_1152 = tpu.memref_squeeze %dma_wait3A_1151 : memref<1x1x56x56xf32, #tpu.memory_space<vmem_shared>> -> memref<56x56xf32, #tpu.memory_space<vmem_shared>>
      %dma_wait3A_1153 = arith.constant 0 : i32
      %dma_wait3A_1154 = arith.constant 0 : i32
      %dma_wait3A_1155 = tpu.memref_slice %arg2[%dma_wait3A_1138, %dma_wait3A_1139, %dma_wait3A_1153, %dma_wait3A_1154] : memref<32x384x56x56xf32, #tpu.memory_space<hbm>> -> memref<1x1x56x56xf32, #tpu.memory_space<hbm>>
      %dma_wait3A_1156 = tpu.memref_squeeze %dma_wait3A_1155 : memref<1x1x56x56xf32, #tpu.memory_space<hbm>> -> memref<56x56xf32, #tpu.memory_space<hbm>>
      tpu.wait_dma2 semaphore(%dma_wait3A_1142 : memref<!tpu.dma_semaphore, #tpu.memory_space<semaphore_mem>>) src(%dma_wait3A_1156 : memref<56x56xf32, #tpu.memory_space<hbm>>) dst(%dma_wait3A_1152 : memref<56x56xf32, #tpu.memory_space<vmem_shared>>)
      %mul3A_1157 = arith.constant 4 : i32
      %mul3A_1158 = arith.muli %add3A_1029, %mul3A_1157 : i32
      %dma_start3A_1159 = tpu.memref_slice %arg8[%select_n3A_1038] : memref<4x!tpu.dma_semaphore, #tpu.memory_space<semaphore_mem>> -> memref<1x!tpu.dma_semaphore, #tpu.memory_space<semaphore_mem>>
      %dma_start3A_1160 = tpu.memref_squeeze %dma_start3A_1159 : memref<1x!tpu.dma_semaphore, #tpu.memory_space<semaphore_mem>> -> memref<!tpu.dma_semaphore, #tpu.memory_space<semaphore_mem>>
      %dma_start3A_1161 = arith.constant 0 : i32
      %dma_start3A_1162 = arith.constant 0 : i32
      %dma_start3A_1163 = tpu.memref_slice %arg4[%add3A, %mul3A_1158, %dma_start3A_1161, %dma_start3A_1162] : memref<32x384x56x56xf32, #tpu.memory_space<hbm>> -> memref<1x4x56x56xf32, #tpu.memory_space<hbm>>
      %dma_start3A_1164 = tpu.memref_squeeze %dma_start3A_1163 : memref<1x4x56x56xf32, #tpu.memory_space<hbm>> -> memref<4x56x56xf32, #tpu.memory_space<hbm>>
      %dma_start3A_1165 = arith.constant 0 : i32
      %dma_start3A_1166 = arith.constant 0 : i32
      %dma_start3A_1167 = arith.constant 0 : i32
      %dma_start3A_1168 = arith.constant 0 : i32
      %dma_start3A_1169 = tpu.memref_slice %arg6[%arg1, %dma_start3A_1165, %dma_start3A_1166, %dma_start3A_1167, %dma_start3A_1168] : memref<16x4x4x56x56xf32, #tpu.memory_space<vmem_shared>> -> memref<1x4x4x56x56xf32, #tpu.memory_space<vmem_shared>>
      %dma_start3A_1170 = tpu.memref_squeeze %dma_start3A_1169 : memref<1x4x4x56x56xf32, #tpu.memory_space<vmem_shared>> -> memref<4x4x56x56xf32, #tpu.memory_space<vmem_shared>>
      %dma_start3A_1171 = arith.constant 0 : i32
      %dma_start3A_1172 = arith.constant 0 : i32
      %dma_start3A_1173 = arith.constant 0 : i32
      %dma_start3A_1174 = tpu.memref_slice %dma_start3A_1170[%select_n3A_1038, %dma_start3A_1171, %dma_start3A_1172, %dma_start3A_1173] : memref<4x4x56x56xf32, #tpu.memory_space<vmem_shared>> -> memref<1x4x56x56xf32, #tpu.memory_space<vmem_shared>>
      %dma_start3A_1175 = tpu.memref_squeeze %dma_start3A_1174 : memref<1x4x56x56xf32, #tpu.memory_space<vmem_shared>> -> memref<4x56x56xf32, #tpu.memory_space<vmem_shared>>
      tpu.enqueue_dma source(%dma_start3A_1175 : memref<4x56x56xf32, #tpu.memory_space<vmem_shared>>) target(%dma_start3A_1164 : memref<4x56x56xf32, #tpu.memory_space<hbm>>) target_semaphore(%dma_start3A_1160 : memref<!tpu.dma_semaphore, #tpu.memory_space<semaphore_mem>>)
      %add3A_1176 = arith.constant 1 : i32
      %add3A_1177 = arith.addi %mul3A_1027, %add3A_1176 : i32
      %jit3A_1178 = arith.constant 4 : i32
      %eq3A_1179 = arith.constant 0 : i32
      %eq3A_1180 = arith.cmpi eq, %jit3A_1178, %eq3A_1179 : i32
      %jit3A_1181 = arith.constant 1 : i32
      %select_n3A_1182 = arith.select %eq3A_1180, %jit3A_1181, %jit3A_1178 : i32
      %rem3A_1183 = arith.remsi %add3A_1177, %select_n3A_1182 : i32
      %ne3A_1184 = arith.constant 0 : i32
      %ne3A_1185 = arith.cmpi ne, %rem3A_1183, %ne3A_1184 : i32
      %lt3A_1186 = arith.constant 0 : i32
      %lt3A_1187 = arith.cmpi slt, %rem3A_1183, %lt3A_1186 : i32
      %lt3A_1188 = arith.constant 0 : i32
      %lt3A_1189 = arith.cmpi slt, %select_n3A_1182, %lt3A_1188 : i32
      %ne3A_1190 = arith.xori %lt3A_1187, %lt3A_1189 : i1
      %and3A_1191 = arith.andi %ne3A_1190, %ne3A_1185 : i1
      %add3A_1192 = arith.addi %rem3A_1183, %select_n3A_1182 : i32
      %select_n3A_1193 = arith.select %and3A_1191, %add3A_1192, %rem3A_1183 : i32
      %add3A_1194 = arith.constant 2 : i32
      %add3A_1195 = arith.addi %add3A_1177, %add3A_1194 : i32
      %jit3A_1196 = arith.constant 4 : i32
      %eq3A_1197 = arith.constant 0 : i32
      %eq3A_1198 = arith.cmpi eq, %jit3A_1196, %eq3A_1197 : i32
      %jit3A_1199 = arith.constant 1 : i32
      %select_n3A_1200 = arith.select %eq3A_1198, %jit3A_1199, %jit3A_1196 : i32
      %rem3A_1201 = arith.remsi %add3A_1195, %select_n3A_1200 : i32
      %ne3A_1202 = arith.constant 0 : i32
      %ne3A_1203 = arith.cmpi ne, %rem3A_1201, %ne3A_1202 : i32
      %lt3A_1204 = arith.constant 0 : i32
      %lt3A_1205 = arith.cmpi slt, %rem3A_1201, %lt3A_1204 : i32
      %lt3A_1206 = arith.constant 0 : i32
      %lt3A_1207 = arith.cmpi slt, %select_n3A_1200, %lt3A_1206 : i32
      %ne3A_1208 = arith.xori %lt3A_1205, %lt3A_1207 : i1
      %and3A_1209 = arith.andi %ne3A_1208, %ne3A_1203 : i1
      %add3A_1210 = arith.addi %rem3A_1201, %select_n3A_1200 : i32
      %select_n3A_1211 = arith.select %and3A_1209, %add3A_1210, %rem3A_1201 : i32
      %dma_wait3A_1212 = arith.constant 0 : i32
      %dma_wait3A_1213 = tpu.memref_slice %arg8[%select_n3A_1211] : memref<4x!tpu.dma_semaphore, #tpu.memory_space<semaphore_mem>> -> memref<1x!tpu.dma_semaphore, #tpu.memory_space<semaphore_mem>>
      %dma_wait3A_1214 = tpu.memref_squeeze %dma_wait3A_1213 : memref<1x!tpu.dma_semaphore, #tpu.memory_space<semaphore_mem>> -> memref<!tpu.dma_semaphore, #tpu.memory_space<semaphore_mem>>
      %dma_wait3A_1215 = arith.constant 0 : i32
      %dma_wait3A_1216 = arith.constant 0 : i32
      %dma_wait3A_1217 = arith.constant 0 : i32
      %dma_wait3A_1218 = tpu.memref_slice %arg4[%dma_wait3A_1212, %dma_wait3A_1215, %dma_wait3A_1216, %dma_wait3A_1217] : memref<32x384x56x56xf32, #tpu.memory_space<hbm>> -> memref<1x4x56x56xf32, #tpu.memory_space<hbm>>
      %dma_wait3A_1219 = tpu.memref_squeeze %dma_wait3A_1218 : memref<1x4x56x56xf32, #tpu.memory_space<hbm>> -> memref<4x56x56xf32, #tpu.memory_space<hbm>>
      %dma_wait3A_1220 = arith.constant 0 : i32
      %dma_wait3A_1221 = arith.constant 0 : i32
      %dma_wait3A_1222 = arith.constant 0 : i32
      %dma_wait3A_1223 = arith.constant 0 : i32
      %dma_wait3A_1224 = tpu.memref_slice %arg6[%arg1, %dma_wait3A_1220, %dma_wait3A_1221, %dma_wait3A_1222, %dma_wait3A_1223] : memref<16x4x4x56x56xf32, #tpu.memory_space<vmem_shared>> -> memref<1x4x4x56x56xf32, #tpu.memory_space<vmem_shared>>
      %dma_wait3A_1225 = tpu.memref_squeeze %dma_wait3A_1224 : memref<1x4x4x56x56xf32, #tpu.memory_space<vmem_shared>> -> memref<4x4x56x56xf32, #tpu.memory_space<vmem_shared>>
      %dma_wait3A_1226 = arith.constant 0 : i32
      %dma_wait3A_1227 = arith.constant 0 : i32
      %dma_wait3A_1228 = arith.constant 0 : i32
      %dma_wait3A_1229 = tpu.memref_slice %dma_wait3A_1225[%select_n3A_1211, %dma_wait3A_1226, %dma_wait3A_1227, %dma_wait3A_1228] : memref<4x4x56x56xf32, #tpu.memory_space<vmem_shared>> -> memref<1x4x56x56xf32, #tpu.memory_space<vmem_shared>>
      %dma_wait3A_1230 = tpu.memref_squeeze %dma_wait3A_1229 : memref<1x4x56x56xf32, #tpu.memory_space<vmem_shared>> -> memref<4x56x56xf32, #tpu.memory_space<vmem_shared>>
      tpu.wait_dma2 semaphore(%dma_wait3A_1214 : memref<!tpu.dma_semaphore, #tpu.memory_space<semaphore_mem>>) src(%dma_wait3A_1230 : memref<4x56x56xf32, #tpu.memory_space<vmem_shared>>) dst(%dma_wait3A_1219 : memref<4x56x56xf32, #tpu.memory_space<hbm>>)
      %add3A_1231 = arith.constant 2 : i32
      %add3A_1232 = arith.addi %add3A_1177, %add3A_1231 : i32
      %lt3A_1233 = arith.constant 96 : i32
      %lt3A_1234 = arith.cmpi slt, %add3A_1232, %lt3A_1233 : i32
      %convert_element_type3A_1235 = arith.extui %lt3A_1234 : i1 to i32
      %cond3A_1236 = arith.constant 0 : i32
      %cond3A_1237 = arith.cmpi ne, %convert_element_type3A_1235, %cond3A_1236 : i32
      scf.if %cond3A_1237 {
        %add3A_1648 = arith.constant 2 : i32
        %add3A_1649 = arith.addi %add3A_1177, %add3A_1648 : i32
        %mul3A_1650 = arith.constant 4 : i32
        %mul3A_1651 = arith.muli %add3A_1649, %mul3A_1650 : i32
        %get3A_1652 = arith.index_cast %mul3A_1651 : i32 to index
        %get3A_1653 = tpu.vector_load %arg5[%get3A_1652] {strides = array<i32>} : memref<400xi32, #tpu.memory_space<vmem>>, vector<16xi32>,
        %get3A_1654 = vector.shape_cast %get3A_1653 : vector<16xi32> to vector<16xi32>
        %slice3A_1655 = vector.extract_strided_slice %get3A_1654 {offsets = [0], sizes = [1], strides = [1]} : vector<16xi32> to vector<1xi32>
        %squeeze3A_1656 = vector.extract %slice3A_1655[0] : i32 from vector<1xi32>
        %dma_start3A_1657 = arith.constant 0 : i32
        %dma_start3A_1658 = tpu.memref_slice %arg7[%select_n3A_1211] : memref<4x!tpu.dma_semaphore, #tpu.memory_space<semaphore_mem>> -> memref<1x!tpu.dma_semaphore, #tpu.memory_space<semaphore_mem>>
        %dma_start3A_1659 = tpu.memref_squeeze %dma_start3A_1658 : memref<1x!tpu.dma_semaphore, #tpu.memory_space<semaphore_mem>> -> memref<!tpu.dma_semaphore, #tpu.memory_space<semaphore_mem>>
        %dma_start3A_1660 = arith.constant 0 : i32
        %dma_start3A_1661 = arith.constant 0 : i32
        %dma_start3A_1662 = arith.constant 0 : i32
        %dma_start3A_1663 = arith.constant 0 : i32
        %dma_start3A_1664 = tpu.memref_slice %arg6[%arg1, %dma_start3A_1660, %dma_start3A_1661, %dma_start3A_1662, %dma_start3A_1663] : memref<16x4x4x56x56xf32, #tpu.memory_space<vmem_shared>> -> memref<1x4x4x56x56xf32, #tpu.memory_space<vmem_shared>>
        %dma_start3A_1665 = tpu.memref_squeeze %dma_start3A_1664 : memref<1x4x4x56x56xf32, #tpu.memory_space<vmem_shared>> -> memref<4x4x56x56xf32, #tpu.memory_space<vmem_shared>>
        %dma_start3A_1666 = arith.constant 0 : i32
        %dma_start3A_1667 = arith.constant 0 : i32
        %dma_start3A_1668 = tpu.memref_slice %dma_start3A_1665[%select_n3A_1211, %dma_start3A_1657, %dma_start3A_1666, %dma_start3A_1667] : memref<4x4x56x56xf32, #tpu.memory_space<vmem_shared>> -> memref<1x1x56x56xf32, #tpu.memory_space<vmem_shared>>
        %dma_start3A_1669 = tpu.memref_squeeze %dma_start3A_1668 : memref<1x1x56x56xf32, #tpu.memory_space<vmem_shared>> -> memref<56x56xf32, #tpu.memory_space<vmem_shared>>
        %dma_start3A_1670 = arith.constant 0 : i32
        %dma_start3A_1671 = arith.constant 0 : i32
        %dma_start3A_1672 = tpu.memref_slice %arg2[%add3A, %squeeze3A_1656, %dma_start3A_1670, %dma_start3A_1671] : memref<32x384x56x56xf32, #tpu.memory_space<hbm>> -> memref<1x1x56x56xf32, #tpu.memory_space<hbm>>
        %dma_start3A_1673 = tpu.memref_squeeze %dma_start3A_1672 : memref<1x1x56x56xf32, #tpu.memory_space<hbm>> -> memref<56x56xf32, #tpu.memory_space<hbm>>
        tpu.enqueue_dma source(%dma_start3A_1673 : memref<56x56xf32, #tpu.memory_space<hbm>>) target(%dma_start3A_1669 : memref<56x56xf32, #tpu.memory_space<vmem_shared>>) target_semaphore(%dma_start3A_1659 : memref<!tpu.dma_semaphore, #tpu.memory_space<semaphore_mem>>)
        %slice3A_1674 = vector.extract_strided_slice %get3A_1654 {offsets = [1], sizes = [1], strides = [1]} : vector<16xi32> to vector<1xi32>
        %squeeze3A_1675 = vector.extract %slice3A_1674[0] : i32 from vector<1xi32>
        %dma_start3A_1676 = arith.constant 1 : i32
        %dma_start3A_1677 = tpu.memref_slice %arg7[%select_n3A_1211] : memref<4x!tpu.dma_semaphore, #tpu.memory_space<semaphore_mem>> -> memref<1x!tpu.dma_semaphore, #tpu.memory_space<semaphore_mem>>
        %dma_start3A_1678 = tpu.memref_squeeze %dma_start3A_1677 : memref<1x!tpu.dma_semaphore, #tpu.memory_space<semaphore_mem>> -> memref<!tpu.dma_semaphore, #tpu.memory_space<semaphore_mem>>
        %dma_start3A_1679 = arith.constant 0 : i32
        %dma_start3A_1680 = arith.constant 0 : i32
        %dma_start3A_1681 = arith.constant 0 : i32
        %dma_start3A_1682 = arith.constant 0 : i32
        %dma_start3A_1683 = tpu.memref_slice %arg6[%arg1, %dma_start3A_1679, %dma_start3A_1680, %dma_start3A_1681, %dma_start3A_1682] : memref<16x4x4x56x56xf32, #tpu.memory_space<vmem_shared>> -> memref<1x4x4x56x56xf32, #tpu.memory_space<vmem_shared>>
        %dma_start3A_1684 = tpu.memref_squeeze %dma_start3A_1683 : memref<1x4x4x56x56xf32, #tpu.memory_space<vmem_shared>> -> memref<4x4x56x56xf32, #tpu.memory_space<vmem_shared>>
        %dma_start3A_1685 = arith.constant 0 : i32
        %dma_start3A_1686 = arith.constant 0 : i32
        %dma_start3A_1687 = tpu.memref_slice %dma_start3A_1684[%select_n3A_1211, %dma_start3A_1676, %dma_start3A_1685, %dma_start3A_1686] : memref<4x4x56x56xf32, #tpu.memory_space<vmem_shared>> -> memref<1x1x56x56xf32, #tpu.memory_space<vmem_shared>>
        %dma_start3A_1688 = tpu.memref_squeeze %dma_start3A_1687 : memref<1x1x56x56xf32, #tpu.memory_space<vmem_shared>> -> memref<56x56xf32, #tpu.memory_space<vmem_shared>>
        %dma_start3A_1689 = arith.constant 0 : i32
        %dma_start3A_1690 = arith.constant 0 : i32
        %dma_start3A_1691 = tpu.memref_slice %arg2[%add3A, %squeeze3A_1675, %dma_start3A_1689, %dma_start3A_1690] : memref<32x384x56x56xf32, #tpu.memory_space<hbm>> -> memref<1x1x56x56xf32, #tpu.memory_space<hbm>>
        %dma_start3A_1692 = tpu.memref_squeeze %dma_start3A_1691 : memref<1x1x56x56xf32, #tpu.memory_space<hbm>> -> memref<56x56xf32, #tpu.memory_space<hbm>>
        tpu.enqueue_dma source(%dma_start3A_1692 : memref<56x56xf32, #tpu.memory_space<hbm>>) target(%dma_start3A_1688 : memref<56x56xf32, #tpu.memory_space<vmem_shared>>) target_semaphore(%dma_start3A_1678 : memref<!tpu.dma_semaphore, #tpu.memory_space<semaphore_mem>>)
        %slice3A_1693 = vector.extract_strided_slice %get3A_1654 {offsets = [2], sizes = [1], strides = [1]} : vector<16xi32> to vector<1xi32>
        %squeeze3A_1694 = vector.extract %slice3A_1693[0] : i32 from vector<1xi32>
        %dma_start3A_1695 = arith.constant 2 : i32
        %dma_start3A_1696 = tpu.memref_slice %arg7[%select_n3A_1211] : memref<4x!tpu.dma_semaphore, #tpu.memory_space<semaphore_mem>> -> memref<1x!tpu.dma_semaphore, #tpu.memory_space<semaphore_mem>>
        %dma_start3A_1697 = tpu.memref_squeeze %dma_start3A_1696 : memref<1x!tpu.dma_semaphore, #tpu.memory_space<semaphore_mem>> -> memref<!tpu.dma_semaphore, #tpu.memory_space<semaphore_mem>>
        %dma_start3A_1698 = arith.constant 0 : i32
        %dma_start3A_1699 = arith.constant 0 : i32
        %dma_start3A_1700 = arith.constant 0 : i32
        %dma_start3A_1701 = arith.constant 0 : i32
        %dma_start3A_1702 = tpu.memref_slice %arg6[%arg1, %dma_start3A_1698, %dma_start3A_1699, %dma_start3A_1700, %dma_start3A_1701] : memref<16x4x4x56x56xf32, #tpu.memory_space<vmem_shared>> -> memref<1x4x4x56x56xf32, #tpu.memory_space<vmem_shared>>
        %dma_start3A_1703 = tpu.memref_squeeze %dma_start3A_1702 : memref<1x4x4x56x56xf32, #tpu.memory_space<vmem_shared>> -> memref<4x4x56x56xf32, #tpu.memory_space<vmem_shared>>
        %dma_start3A_1704 = arith.constant 0 : i32
        %dma_start3A_1705 = arith.constant 0 : i32
        %dma_start3A_1706 = tpu.memref_slice %dma_start3A_1703[%select_n3A_1211, %dma_start3A_1695, %dma_start3A_1704, %dma_start3A_1705] : memref<4x4x56x56xf32, #tpu.memory_space<vmem_shared>> -> memref<1x1x56x56xf32, #tpu.memory_space<vmem_shared>>
        %dma_start3A_1707 = tpu.memref_squeeze %dma_start3A_1706 : memref<1x1x56x56xf32, #tpu.memory_space<vmem_shared>> -> memref<56x56xf32, #tpu.memory_space<vmem_shared>>
        %dma_start3A_1708 = arith.constant 0 : i32
        %dma_start3A_1709 = arith.constant 0 : i32
        %dma_start3A_1710 = tpu.memref_slice %arg2[%add3A, %squeeze3A_1694, %dma_start3A_1708, %dma_start3A_1709] : memref<32x384x56x56xf32, #tpu.memory_space<hbm>> -> memref<1x1x56x56xf32, #tpu.memory_space<hbm>>
        %dma_start3A_1711 = tpu.memref_squeeze %dma_start3A_1710 : memref<1x1x56x56xf32, #tpu.memory_space<hbm>> -> memref<56x56xf32, #tpu.memory_space<hbm>>
        tpu.enqueue_dma source(%dma_start3A_1711 : memref<56x56xf32, #tpu.memory_space<hbm>>) target(%dma_start3A_1707 : memref<56x56xf32, #tpu.memory_space<vmem_shared>>) target_semaphore(%dma_start3A_1697 : memref<!tpu.dma_semaphore, #tpu.memory_space<semaphore_mem>>)
        %slice3A_1712 = vector.extract_strided_slice %get3A_1654 {offsets = [3], sizes = [1], strides = [1]} : vector<16xi32> to vector<1xi32>
        %squeeze3A_1713 = vector.extract %slice3A_1712[0] : i32 from vector<1xi32>
        %dma_start3A_1714 = arith.constant 3 : i32
        %dma_start3A_1715 = tpu.memref_slice %arg7[%select_n3A_1211] : memref<4x!tpu.dma_semaphore, #tpu.memory_space<semaphore_mem>> -> memref<1x!tpu.dma_semaphore, #tpu.memory_space<semaphore_mem>>
        %dma_start3A_1716 = tpu.memref_squeeze %dma_start3A_1715 : memref<1x!tpu.dma_semaphore, #tpu.memory_space<semaphore_mem>> -> memref<!tpu.dma_semaphore, #tpu.memory_space<semaphore_mem>>
        %dma_start3A_1717 = arith.constant 0 : i32
        %dma_start3A_1718 = arith.constant 0 : i32
        %dma_start3A_1719 = arith.constant 0 : i32
        %dma_start3A_1720 = arith.constant 0 : i32
        %dma_start3A_1721 = tpu.memref_slice %arg6[%arg1, %dma_start3A_1717, %dma_start3A_1718, %dma_start3A_1719, %dma_start3A_1720] : memref<16x4x4x56x56xf32, #tpu.memory_space<vmem_shared>> -> memref<1x4x4x56x56xf32, #tpu.memory_space<vmem_shared>>
        %dma_start3A_1722 = tpu.memref_squeeze %dma_start3A_1721 : memref<1x4x4x56x56xf32, #tpu.memory_space<vmem_shared>> -> memref<4x4x56x56xf32, #tpu.memory_space<vmem_shared>>
        %dma_start3A_1723 = arith.constant 0 : i32
        %dma_start3A_1724 = arith.constant 0 : i32
        %dma_start3A_1725 = tpu.memref_slice %dma_start3A_1722[%select_n3A_1211, %dma_start3A_1714, %dma_start3A_1723, %dma_start3A_1724] : memref<4x4x56x56xf32, #tpu.memory_space<vmem_shared>> -> memref<1x1x56x56xf32, #tpu.memory_space<vmem_shared>>
        %dma_start3A_1726 = tpu.memref_squeeze %dma_start3A_1725 : memref<1x1x56x56xf32, #tpu.memory_space<vmem_shared>> -> memref<56x56xf32, #tpu.memory_space<vmem_shared>>
        %dma_start3A_1727 = arith.constant 0 : i32
        %dma_start3A_1728 = arith.constant 0 : i32
        %dma_start3A_1729 = tpu.memref_slice %arg2[%add3A, %squeeze3A_1713, %dma_start3A_1727, %dma_start3A_1728] : memref<32x384x56x56xf32, #tpu.memory_space<hbm>> -> memref<1x1x56x56xf32, #tpu.memory_space<hbm>>
        %dma_start3A_1730 = tpu.memref_squeeze %dma_start3A_1729 : memref<1x1x56x56xf32, #tpu.memory_space<hbm>> -> memref<56x56xf32, #tpu.memory_space<hbm>>
        tpu.enqueue_dma source(%dma_start3A_1730 : memref<56x56xf32, #tpu.memory_space<hbm>>) target(%dma_start3A_1726 : memref<56x56xf32, #tpu.memory_space<vmem_shared>>) target_semaphore(%dma_start3A_1716 : memref<!tpu.dma_semaphore, #tpu.memory_space<semaphore_mem>>)
      } else {
      }
      %dma_wait3A_1238 = arith.constant 0 : i32
      %dma_wait3A_1239 = arith.constant 0 : i32
      %dma_wait3A_1240 = arith.constant 0 : i32
      %dma_wait3A_1241 = tpu.memref_slice %arg7[%select_n3A_1193] : memref<4x!tpu.dma_semaphore, #tpu.memory_space<semaphore_mem>> -> memref<1x!tpu.dma_semaphore, #tpu.memory_space<semaphore_mem>>
      %dma_wait3A_1242 = tpu.memref_squeeze %dma_wait3A_1241 : memref<1x!tpu.dma_semaphore, #tpu.memory_space<semaphore_mem>> -> memref<!tpu.dma_semaphore, #tpu.memory_space<semaphore_mem>>
      %dma_wait3A_1243 = arith.constant 0 : i32
      %dma_wait3A_1244 = arith.constant 0 : i32
      %dma_wait3A_1245 = arith.constant 0 : i32
      %dma_wait3A_1246 = arith.constant 0 : i32
      %dma_wait3A_1247 = tpu.memref_slice %arg6[%arg1, %dma_wait3A_1243, %dma_wait3A_1244, %dma_wait3A_1245, %dma_wait3A_1246] : memref<16x4x4x56x56xf32, #tpu.memory_space<vmem_shared>> -> memref<1x4x4x56x56xf32, #tpu.memory_space<vmem_shared>>
      %dma_wait3A_1248 = tpu.memref_squeeze %dma_wait3A_1247 : memref<1x4x4x56x56xf32, #tpu.memory_space<vmem_shared>> -> memref<4x4x56x56xf32, #tpu.memory_space<vmem_shared>>
      %dma_wait3A_1249 = arith.constant 0 : i32
      %dma_wait3A_1250 = arith.constant 0 : i32
      %dma_wait3A_1251 = tpu.memref_slice %dma_wait3A_1248[%select_n3A_1193, %dma_wait3A_1240, %dma_wait3A_1249, %dma_wait3A_1250] : memref<4x4x56x56xf32, #tpu.memory_space<vmem_shared>> -> memref<1x1x56x56xf32, #tpu.memory_space<vmem_shared>>
      %dma_wait3A_1252 = tpu.memref_squeeze %dma_wait3A_1251 : memref<1x1x56x56xf32, #tpu.memory_space<vmem_shared>> -> memref<56x56xf32, #tpu.memory_space<vmem_shared>>
      %dma_wait3A_1253 = arith.constant 0 : i32
      %dma_wait3A_1254 = arith.constant 0 : i32
      %dma_wait3A_1255 = tpu.memref_slice %arg2[%dma_wait3A_1238, %dma_wait3A_1239, %dma_wait3A_1253, %dma_wait3A_1254] : memref<32x384x56x56xf32, #tpu.memory_space<hbm>> -> memref<1x1x56x56xf32, #tpu.memory_space<hbm>>
      %dma_wait3A_1256 = tpu.memref_squeeze %dma_wait3A_1255 : memref<1x1x56x56xf32, #tpu.memory_space<hbm>> -> memref<56x56xf32, #tpu.memory_space<hbm>>
      tpu.wait_dma2 semaphore(%dma_wait3A_1242 : memref<!tpu.dma_semaphore, #tpu.memory_space<semaphore_mem>>) src(%dma_wait3A_1256 : memref<56x56xf32, #tpu.memory_space<hbm>>) dst(%dma_wait3A_1252 : memref<56x56xf32, #tpu.memory_space<vmem_shared>>)
      %dma_wait3A_1257 = arith.constant 0 : i32
      %dma_wait3A_1258 = arith.constant 0 : i32
      %dma_wait3A_1259 = arith.constant 0 : i32
      %dma_wait3A_1260 = tpu.memref_slice %arg7[%select_n3A_1193] : memref<4x!tpu.dma_semaphore, #tpu.memory_space<semaphore_mem>> -> memref<1x!tpu.dma_semaphore, #tpu.memory_space<semaphore_mem>>
      %dma_wait3A_1261 = tpu.memref_squeeze %dma_wait3A_1260 : memref<1x!tpu.dma_semaphore, #tpu.memory_space<semaphore_mem>> -> memref<!tpu.dma_semaphore, #tpu.memory_space<semaphore_mem>>
      %dma_wait3A_1262 = arith.constant 0 : i32
      %dma_wait3A_1263 = arith.constant 0 : i32
      %dma_wait3A_1264 = arith.constant 0 : i32
      %dma_wait3A_1265 = arith.constant 0 : i32
      %dma_wait3A_1266 = tpu.memref_slice %arg6[%arg1, %dma_wait3A_1262, %dma_wait3A_1263, %dma_wait3A_1264, %dma_wait3A_1265] : memref<16x4x4x56x56xf32, #tpu.memory_space<vmem_shared>> -> memref<1x4x4x56x56xf32, #tpu.memory_space<vmem_shared>>
      %dma_wait3A_1267 = tpu.memref_squeeze %dma_wait3A_1266 : memref<1x4x4x56x56xf32, #tpu.memory_space<vmem_shared>> -> memref<4x4x56x56xf32, #tpu.memory_space<vmem_shared>>
      %dma_wait3A_1268 = arith.constant 0 : i32
      %dma_wait3A_1269 = arith.constant 0 : i32
      %dma_wait3A_1270 = tpu.memref_slice %dma_wait3A_1267[%select_n3A_1193, %dma_wait3A_1259, %dma_wait3A_1268, %dma_wait3A_1269] : memref<4x4x56x56xf32, #tpu.memory_space<vmem_shared>> -> memref<1x1x56x56xf32, #tpu.memory_space<vmem_shared>>
      %dma_wait3A_1271 = tpu.memref_squeeze %dma_wait3A_1270 : memref<1x1x56x56xf32, #tpu.memory_space<vmem_shared>> -> memref<56x56xf32, #tpu.memory_space<vmem_shared>>
      %dma_wait3A_1272 = arith.constant 0 : i32
      %dma_wait3A_1273 = arith.constant 0 : i32
      %dma_wait3A_1274 = tpu.memref_slice %arg2[%dma_wait3A_1257, %dma_wait3A_1258, %dma_wait3A_1272, %dma_wait3A_1273] : memref<32x384x56x56xf32, #tpu.memory_space<hbm>> -> memref<1x1x56x56xf32, #tpu.memory_space<hbm>>
      %dma_wait3A_1275 = tpu.memref_squeeze %dma_wait3A_1274 : memref<1x1x56x56xf32, #tpu.memory_space<hbm>> -> memref<56x56xf32, #tpu.memory_space<hbm>>
      tpu.wait_dma2 semaphore(%dma_wait3A_1261 : memref<!tpu.dma_semaphore, #tpu.memory_space<semaphore_mem>>) src(%dma_wait3A_1275 : memref<56x56xf32, #tpu.memory_space<hbm>>) dst(%dma_wait3A_1271 : memref<56x56xf32, #tpu.memory_space<vmem_shared>>)
      %dma_wait3A_1276 = arith.constant 0 : i32
      %dma_wait3A_1277 = arith.constant 0 : i32
      %dma_wait3A_1278 = arith.constant 0 : i32
      %dma_wait3A_1279 = tpu.memref_slice %arg7[%select_n3A_1193] : memref<4x!tpu.dma_semaphore, #tpu.memory_space<semaphore_mem>> -> memref<1x!tpu.dma_semaphore, #tpu.memory_space<semaphore_mem>>
      %dma_wait3A_1280 = tpu.memref_squeeze %dma_wait3A_1279 : memref<1x!tpu.dma_semaphore, #tpu.memory_space<semaphore_mem>> -> memref<!tpu.dma_semaphore, #tpu.memory_space<semaphore_mem>>
      %dma_wait3A_1281 = arith.constant 0 : i32
      %dma_wait3A_1282 = arith.constant 0 : i32
      %dma_wait3A_1283 = arith.constant 0 : i32
      %dma_wait3A_1284 = arith.constant 0 : i32
      %dma_wait3A_1285 = tpu.memref_slice %arg6[%arg1, %dma_wait3A_1281, %dma_wait3A_1282, %dma_wait3A_1283, %dma_wait3A_1284] : memref<16x4x4x56x56xf32, #tpu.memory_space<vmem_shared>> -> memref<1x4x4x56x56xf32, #tpu.memory_space<vmem_shared>>
      %dma_wait3A_1286 = tpu.memref_squeeze %dma_wait3A_1285 : memref<1x4x4x56x56xf32, #tpu.memory_space<vmem_shared>> -> memref<4x4x56x56xf32, #tpu.memory_space<vmem_shared>>
      %dma_wait3A_1287 = arith.constant 0 : i32
      %dma_wait3A_1288 = arith.constant 0 : i32
      %dma_wait3A_1289 = tpu.memref_slice %dma_wait3A_1286[%select_n3A_1193, %dma_wait3A_1278, %dma_wait3A_1287, %dma_wait3A_1288] : memref<4x4x56x56xf32, #tpu.memory_space<vmem_shared>> -> memref<1x1x56x56xf32, #tpu.memory_space<vmem_shared>>
      %dma_wait3A_1290 = tpu.memref_squeeze %dma_wait3A_1289 : memref<1x1x56x56xf32, #tpu.memory_space<vmem_shared>> -> memref<56x56xf32, #tpu.memory_space<vmem_shared>>
      %dma_wait3A_1291 = arith.constant 0 : i32
      %dma_wait3A_1292 = arith.constant 0 : i32
      %dma_wait3A_1293 = tpu.memref_slice %arg2[%dma_wait3A_1276, %dma_wait3A_1277, %dma_wait3A_1291, %dma_wait3A_1292] : memref<32x384x56x56xf32, #tpu.memory_space<hbm>> -> memref<1x1x56x56xf32, #tpu.memory_space<hbm>>
      %dma_wait3A_1294 = tpu.memref_squeeze %dma_wait3A_1293 : memref<1x1x56x56xf32, #tpu.memory_space<hbm>> -> memref<56x56xf32, #tpu.memory_space<hbm>>
      tpu.wait_dma2 semaphore(%dma_wait3A_1280 : memref<!tpu.dma_semaphore, #tpu.memory_space<semaphore_mem>>) src(%dma_wait3A_1294 : memref<56x56xf32, #tpu.memory_space<hbm>>) dst(%dma_wait3A_1290 : memref<56x56xf32, #tpu.memory_space<vmem_shared>>)
      %dma_wait3A_1295 = arith.constant 0 : i32
      %dma_wait3A_1296 = arith.constant 0 : i32
      %dma_wait3A_1297 = arith.constant 0 : i32
      %dma_wait3A_1298 = tpu.memref_slice %arg7[%select_n3A_1193] : memref<4x!tpu.dma_semaphore, #tpu.memory_space<semaphore_mem>> -> memref<1x!tpu.dma_semaphore, #tpu.memory_space<semaphore_mem>>
      %dma_wait3A_1299 = tpu.memref_squeeze %dma_wait3A_1298 : memref<1x!tpu.dma_semaphore, #tpu.memory_space<semaphore_mem>> -> memref<!tpu.dma_semaphore, #tpu.memory_space<semaphore_mem>>
      %dma_wait3A_1300 = arith.constant 0 : i32
      %dma_wait3A_1301 = arith.constant 0 : i32
      %dma_wait3A_1302 = arith.constant 0 : i32
      %dma_wait3A_1303 = arith.constant 0 : i32
      %dma_wait3A_1304 = tpu.memref_slice %arg6[%arg1, %dma_wait3A_1300, %dma_wait3A_1301, %dma_wait3A_1302, %dma_wait3A_1303] : memref<16x4x4x56x56xf32, #tpu.memory_space<vmem_shared>> -> memref<1x4x4x56x56xf32, #tpu.memory_space<vmem_shared>>
      %dma_wait3A_1305 = tpu.memref_squeeze %dma_wait3A_1304 : memref<1x4x4x56x56xf32, #tpu.memory_space<vmem_shared>> -> memref<4x4x56x56xf32, #tpu.memory_space<vmem_shared>>
      %dma_wait3A_1306 = arith.constant 0 : i32
      %dma_wait3A_1307 = arith.constant 0 : i32
      %dma_wait3A_1308 = tpu.memref_slice %dma_wait3A_1305[%select_n3A_1193, %dma_wait3A_1297, %dma_wait3A_1306, %dma_wait3A_1307] : memref<4x4x56x56xf32, #tpu.memory_space<vmem_shared>> -> memref<1x1x56x56xf32, #tpu.memory_space<vmem_shared>>
      %dma_wait3A_1309 = tpu.memref_squeeze %dma_wait3A_1308 : memref<1x1x56x56xf32, #tpu.memory_space<vmem_shared>> -> memref<56x56xf32, #tpu.memory_space<vmem_shared>>
      %dma_wait3A_1310 = arith.constant 0 : i32
      %dma_wait3A_1311 = arith.constant 0 : i32
      %dma_wait3A_1312 = tpu.memref_slice %arg2[%dma_wait3A_1295, %dma_wait3A_1296, %dma_wait3A_1310, %dma_wait3A_1311] : memref<32x384x56x56xf32, #tpu.memory_space<hbm>> -> memref<1x1x56x56xf32, #tpu.memory_space<hbm>>
      %dma_wait3A_1313 = tpu.memref_squeeze %dma_wait3A_1312 : memref<1x1x56x56xf32, #tpu.memory_space<hbm>> -> memref<56x56xf32, #tpu.memory_space<hbm>>
      tpu.wait_dma2 semaphore(%dma_wait3A_1299 : memref<!tpu.dma_semaphore, #tpu.memory_space<semaphore_mem>>) src(%dma_wait3A_1313 : memref<56x56xf32, #tpu.memory_space<hbm>>) dst(%dma_wait3A_1309 : memref<56x56xf32, #tpu.memory_space<vmem_shared>>)
      %mul3A_1314 = arith.constant 4 : i32
      %mul3A_1315 = arith.muli %add3A_1177, %mul3A_1314 : i32
      %dma_start3A_1316 = tpu.memref_slice %arg8[%select_n3A_1193] : memref<4x!tpu.dma_semaphore, #tpu.memory_space<semaphore_mem>> -> memref<1x!tpu.dma_semaphore, #tpu.memory_space<semaphore_mem>>
      %dma_start3A_1317 = tpu.memref_squeeze %dma_start3A_1316 : memref<1x!tpu.dma_semaphore, #tpu.memory_space<semaphore_mem>> -> memref<!tpu.dma_semaphore, #tpu.memory_space<semaphore_mem>>
      %dma_start3A_1318 = arith.constant 0 : i32
      %dma_start3A_1319 = arith.constant 0 : i32
      %dma_start3A_1320 = tpu.memref_slice %arg4[%add3A, %mul3A_1315, %dma_start3A_1318, %dma_start3A_1319] : memref<32x384x56x56xf32, #tpu.memory_space<hbm>> -> memref<1x4x56x56xf32, #tpu.memory_space<hbm>>
      %dma_start3A_1321 = tpu.memref_squeeze %dma_start3A_1320 : memref<1x4x56x56xf32, #tpu.memory_space<hbm>> -> memref<4x56x56xf32, #tpu.memory_space<hbm>>
      %dma_start3A_1322 = arith.constant 0 : i32
      %dma_start3A_1323 = arith.constant 0 : i32
      %dma_start3A_1324 = arith.constant 0 : i32
      %dma_start3A_1325 = arith.constant 0 : i32
      %dma_start3A_1326 = tpu.memref_slice %arg6[%arg1, %dma_start3A_1322, %dma_start3A_1323, %dma_start3A_1324, %dma_start3A_1325] : memref<16x4x4x56x56xf32, #tpu.memory_space<vmem_shared>> -> memref<1x4x4x56x56xf32, #tpu.memory_space<vmem_shared>>
      %dma_start3A_1327 = tpu.memref_squeeze %dma_start3A_1326 : memref<1x4x4x56x56xf32, #tpu.memory_space<vmem_shared>> -> memref<4x4x56x56xf32, #tpu.memory_space<vmem_shared>>
      %dma_start3A_1328 = arith.constant 0 : i32
      %dma_start3A_1329 = arith.constant 0 : i32
      %dma_start3A_1330 = arith.constant 0 : i32
      %dma_start3A_1331 = tpu.memref_slice %dma_start3A_1327[%select_n3A_1193, %dma_start3A_1328, %dma_start3A_1329, %dma_start3A_1330] : memref<4x4x56x56xf32, #tpu.memory_space<vmem_shared>> -> memref<1x4x56x56xf32, #tpu.memory_space<vmem_shared>>
      %dma_start3A_1332 = tpu.memref_squeeze %dma_start3A_1331 : memref<1x4x56x56xf32, #tpu.memory_space<vmem_shared>> -> memref<4x56x56xf32, #tpu.memory_space<vmem_shared>>
      tpu.enqueue_dma source(%dma_start3A_1332 : memref<4x56x56xf32, #tpu.memory_space<vmem_shared>>) target(%dma_start3A_1321 : memref<4x56x56xf32, #tpu.memory_space<hbm>>) target_semaphore(%dma_start3A_1317 : memref<!tpu.dma_semaphore, #tpu.memory_space<semaphore_mem>>)
      %add3A_1333 = arith.constant 2 : i32
      %add3A_1334 = arith.addi %mul3A_1027, %add3A_1333 : i32
      %jit3A_1335 = arith.constant 4 : i32
      %eq3A_1336 = arith.constant 0 : i32
      %eq3A_1337 = arith.cmpi eq, %jit3A_1335, %eq3A_1336 : i32
      %jit3A_1338 = arith.constant 1 : i32
      %select_n3A_1339 = arith.select %eq3A_1337, %jit3A_1338, %jit3A_1335 : i32
      %rem3A_1340 = arith.remsi %add3A_1334, %select_n3A_1339 : i32
      %ne3A_1341 = arith.constant 0 : i32
      %ne3A_1342 = arith.cmpi ne, %rem3A_1340, %ne3A_1341 : i32
      %lt3A_1343 = arith.constant 0 : i32
      %lt3A_1344 = arith.cmpi slt, %rem3A_1340, %lt3A_1343 : i32
      %lt3A_1345 = arith.constant 0 : i32
      %lt3A_1346 = arith.cmpi slt, %select_n3A_1339, %lt3A_1345 : i32
      %ne3A_1347 = arith.xori %lt3A_1344, %lt3A_1346 : i1
      %and3A_1348 = arith.andi %ne3A_1347, %ne3A_1342 : i1
      %add3A_1349 = arith.addi %rem3A_1340, %select_n3A_1339 : i32
      %select_n3A_1350 = arith.select %and3A_1348, %add3A_1349, %rem3A_1340 : i32
      %add3A_1351 = arith.constant 2 : i32
      %add3A_1352 = arith.addi %add3A_1334, %add3A_1351 : i32
      %jit3A_1353 = arith.constant 4 : i32
      %eq3A_1354 = arith.constant 0 : i32
      %eq3A_1355 = arith.cmpi eq, %jit3A_1353, %eq3A_1354 : i32
      %jit3A_1356 = arith.constant 1 : i32
      %select_n3A_1357 = arith.select %eq3A_1355, %jit3A_1356, %jit3A_1353 : i32
      %rem3A_1358 = arith.remsi %add3A_1352, %select_n3A_1357 : i32
      %ne3A_1359 = arith.constant 0 : i32
      %ne3A_1360 = arith.cmpi ne, %rem3A_1358, %ne3A_1359 : i32
      %lt3A_1361 = arith.constant 0 : i32
      %lt3A_1362 = arith.cmpi slt, %rem3A_1358, %lt3A_1361 : i32
      %lt3A_1363 = arith.constant 0 : i32
      %lt3A_1364 = arith.cmpi slt, %select_n3A_1357, %lt3A_1363 : i32
      %ne3A_1365 = arith.xori %lt3A_1362, %lt3A_1364 : i1
      %and3A_1366 = arith.andi %ne3A_1365, %ne3A_1360 : i1
      %add3A_1367 = arith.addi %rem3A_1358, %select_n3A_1357 : i32
      %select_n3A_1368 = arith.select %and3A_1366, %add3A_1367, %rem3A_1358 : i32
      %dma_wait3A_1369 = arith.constant 0 : i32
      %dma_wait3A_1370 = tpu.memref_slice %arg8[%select_n3A_1368] : memref<4x!tpu.dma_semaphore, #tpu.memory_space<semaphore_mem>> -> memref<1x!tpu.dma_semaphore, #tpu.memory_space<semaphore_mem>>
      %dma_wait3A_1371 = tpu.memref_squeeze %dma_wait3A_1370 : memref<1x!tpu.dma_semaphore, #tpu.memory_space<semaphore_mem>> -> memref<!tpu.dma_semaphore, #tpu.memory_space<semaphore_mem>>
      %dma_wait3A_1372 = arith.constant 0 : i32
      %dma_wait3A_1373 = arith.constant 0 : i32
      %dma_wait3A_1374 = arith.constant 0 : i32
      %dma_wait3A_1375 = tpu.memref_slice %arg4[%dma_wait3A_1369, %dma_wait3A_1372, %dma_wait3A_1373, %dma_wait3A_1374] : memref<32x384x56x56xf32, #tpu.memory_space<hbm>> -> memref<1x4x56x56xf32, #tpu.memory_space<hbm>>
      %dma_wait3A_1376 = tpu.memref_squeeze %dma_wait3A_1375 : memref<1x4x56x56xf32, #tpu.memory_space<hbm>> -> memref<4x56x56xf32, #tpu.memory_space<hbm>>
      %dma_wait3A_1377 = arith.constant 0 : i32
      %dma_wait3A_1378 = arith.constant 0 : i32
      %dma_wait3A_1379 = arith.constant 0 : i32
      %dma_wait3A_1380 = arith.constant 0 : i32
      %dma_wait3A_1381 = tpu.memref_slice %arg6[%arg1, %dma_wait3A_1377, %dma_wait3A_1378, %dma_wait3A_1379, %dma_wait3A_1380] : memref<16x4x4x56x56xf32, #tpu.memory_space<vmem_shared>> -> memref<1x4x4x56x56xf32, #tpu.memory_space<vmem_shared>>
      %dma_wait3A_1382 = tpu.memref_squeeze %dma_wait3A_1381 : memref<1x4x4x56x56xf32, #tpu.memory_space<vmem_shared>> -> memref<4x4x56x56xf32, #tpu.memory_space<vmem_shared>>
      %dma_wait3A_1383 = arith.constant 0 : i32
      %dma_wait3A_1384 = arith.constant 0 : i32
      %dma_wait3A_1385 = arith.constant 0 : i32
      %dma_wait3A_1386 = tpu.memref_slice %dma_wait3A_1382[%select_n3A_1368, %dma_wait3A_1383, %dma_wait3A_1384, %dma_wait3A_1385] : memref<4x4x56x56xf32, #tpu.memory_space<vmem_shared>> -> memref<1x4x56x56xf32, #tpu.memory_space<vmem_shared>>
      %dma_wait3A_1387 = tpu.memref_squeeze %dma_wait3A_1386 : memref<1x4x56x56xf32, #tpu.memory_space<vmem_shared>> -> memref<4x56x56xf32, #tpu.memory_space<vmem_shared>>
      tpu.wait_dma2 semaphore(%dma_wait3A_1371 : memref<!tpu.dma_semaphore, #tpu.memory_space<semaphore_mem>>) src(%dma_wait3A_1387 : memref<4x56x56xf32, #tpu.memory_space<vmem_shared>>) dst(%dma_wait3A_1376 : memref<4x56x56xf32, #tpu.memory_space<hbm>>)
      %add3A_1388 = arith.constant 2 : i32
      %add3A_1389 = arith.addi %add3A_1334, %add3A_1388 : i32
      %lt3A_1390 = arith.constant 96 : i32
      %lt3A_1391 = arith.cmpi slt, %add3A_1389, %lt3A_1390 : i32
      %convert_element_type3A_1392 = arith.extui %lt3A_1391 : i1 to i32
      %cond3A_1393 = arith.constant 0 : i32
      %cond3A_1394 = arith.cmpi ne, %convert_element_type3A_1392, %cond3A_1393 : i32
      scf.if %cond3A_1394 {
        %add3A_1648 = arith.constant 2 : i32
        %add3A_1649 = arith.addi %add3A_1334, %add3A_1648 : i32
        %mul3A_1650 = arith.constant 4 : i32
        %mul3A_1651 = arith.muli %add3A_1649, %mul3A_1650 : i32
        %get3A_1652 = arith.index_cast %mul3A_1651 : i32 to index
        %get3A_1653 = tpu.vector_load %arg5[%get3A_1652] {strides = array<i32>} : memref<400xi32, #tpu.memory_space<vmem>>, vector<16xi32>,
        %get3A_1654 = vector.shape_cast %get3A_1653 : vector<16xi32> to vector<16xi32>
        %slice3A_1655 = vector.extract_strided_slice %get3A_1654 {offsets = [0], sizes = [1], strides = [1]} : vector<16xi32> to vector<1xi32>
        %squeeze3A_1656 = vector.extract %slice3A_1655[0] : i32 from vector<1xi32>
        %dma_start3A_1657 = arith.constant 0 : i32
        %dma_start3A_1658 = tpu.memref_slice %arg7[%select_n3A_1368] : memref<4x!tpu.dma_semaphore, #tpu.memory_space<semaphore_mem>> -> memref<1x!tpu.dma_semaphore, #tpu.memory_space<semaphore_mem>>
        %dma_start3A_1659 = tpu.memref_squeeze %dma_start3A_1658 : memref<1x!tpu.dma_semaphore, #tpu.memory_space<semaphore_mem>> -> memref<!tpu.dma_semaphore, #tpu.memory_space<semaphore_mem>>
        %dma_start3A_1660 = arith.constant 0 : i32
        %dma_start3A_1661 = arith.constant 0 : i32
        %dma_start3A_1662 = arith.constant 0 : i32
        %dma_start3A_1663 = arith.constant 0 : i32
        %dma_start3A_1664 = tpu.memref_slice %arg6[%arg1, %dma_start3A_1660, %dma_start3A_1661, %dma_start3A_1662, %dma_start3A_1663] : memref<16x4x4x56x56xf32, #tpu.memory_space<vmem_shared>> -> memref<1x4x4x56x56xf32, #tpu.memory_space<vmem_shared>>
        %dma_start3A_1665 = tpu.memref_squeeze %dma_start3A_1664 : memref<1x4x4x56x56xf32, #tpu.memory_space<vmem_shared>> -> memref<4x4x56x56xf32, #tpu.memory_space<vmem_shared>>
        %dma_start3A_1666 = arith.constant 0 : i32
        %dma_start3A_1667 = arith.constant 0 : i32
        %dma_start3A_1668 = tpu.memref_slice %dma_start3A_1665[%select_n3A_1368, %dma_start3A_1657, %dma_start3A_1666, %dma_start3A_1667] : memref<4x4x56x56xf32, #tpu.memory_space<vmem_shared>> -> memref<1x1x56x56xf32, #tpu.memory_space<vmem_shared>>
        %dma_start3A_1669 = tpu.memref_squeeze %dma_start3A_1668 : memref<1x1x56x56xf32, #tpu.memory_space<vmem_shared>> -> memref<56x56xf32, #tpu.memory_space<vmem_shared>>
        %dma_start3A_1670 = arith.constant 0 : i32
        %dma_start3A_1671 = arith.constant 0 : i32
        %dma_start3A_1672 = tpu.memref_slice %arg2[%add3A, %squeeze3A_1656, %dma_start3A_1670, %dma_start3A_1671] : memref<32x384x56x56xf32, #tpu.memory_space<hbm>> -> memref<1x1x56x56xf32, #tpu.memory_space<hbm>>
        %dma_start3A_1673 = tpu.memref_squeeze %dma_start3A_1672 : memref<1x1x56x56xf32, #tpu.memory_space<hbm>> -> memref<56x56xf32, #tpu.memory_space<hbm>>
        tpu.enqueue_dma source(%dma_start3A_1673 : memref<56x56xf32, #tpu.memory_space<hbm>>) target(%dma_start3A_1669 : memref<56x56xf32, #tpu.memory_space<vmem_shared>>) target_semaphore(%dma_start3A_1659 : memref<!tpu.dma_semaphore, #tpu.memory_space<semaphore_mem>>)
        %slice3A_1674 = vector.extract_strided_slice %get3A_1654 {offsets = [1], sizes = [1], strides = [1]} : vector<16xi32> to vector<1xi32>
        %squeeze3A_1675 = vector.extract %slice3A_1674[0] : i32 from vector<1xi32>
        %dma_start3A_1676 = arith.constant 1 : i32
        %dma_start3A_1677 = tpu.memref_slice %arg7[%select_n3A_1368] : memref<4x!tpu.dma_semaphore, #tpu.memory_space<semaphore_mem>> -> memref<1x!tpu.dma_semaphore, #tpu.memory_space<semaphore_mem>>
        %dma_start3A_1678 = tpu.memref_squeeze %dma_start3A_1677 : memref<1x!tpu.dma_semaphore, #tpu.memory_space<semaphore_mem>> -> memref<!tpu.dma_semaphore, #tpu.memory_space<semaphore_mem>>
        %dma_start3A_1679 = arith.constant 0 : i32
        %dma_start3A_1680 = arith.constant 0 : i32
        %dma_start3A_1681 = arith.constant 0 : i32
        %dma_start3A_1682 = arith.constant 0 : i32
        %dma_start3A_1683 = tpu.memref_slice %arg6[%arg1, %dma_start3A_1679, %dma_start3A_1680, %dma_start3A_1681, %dma_start3A_1682] : memref<16x4x4x56x56xf32, #tpu.memory_space<vmem_shared>> -> memref<1x4x4x56x56xf32, #tpu.memory_space<vmem_shared>>
        %dma_start3A_1684 = tpu.memref_squeeze %dma_start3A_1683 : memref<1x4x4x56x56xf32, #tpu.memory_space<vmem_shared>> -> memref<4x4x56x56xf32, #tpu.memory_space<vmem_shared>>
        %dma_start3A_1685 = arith.constant 0 : i32
        %dma_start3A_1686 = arith.constant 0 : i32
        %dma_start3A_1687 = tpu.memref_slice %dma_start3A_1684[%select_n3A_1368, %dma_start3A_1676, %dma_start3A_1685, %dma_start3A_1686] : memref<4x4x56x56xf32, #tpu.memory_space<vmem_shared>> -> memref<1x1x56x56xf32, #tpu.memory_space<vmem_shared>>
        %dma_start3A_1688 = tpu.memref_squeeze %dma_start3A_1687 : memref<1x1x56x56xf32, #tpu.memory_space<vmem_shared>> -> memref<56x56xf32, #tpu.memory_space<vmem_shared>>
        %dma_start3A_1689 = arith.constant 0 : i32
        %dma_start3A_1690 = arith.constant 0 : i32
        %dma_start3A_1691 = tpu.memref_slice %arg2[%add3A, %squeeze3A_1675, %dma_start3A_1689, %dma_start3A_1690] : memref<32x384x56x56xf32, #tpu.memory_space<hbm>> -> memref<1x1x56x56xf32, #tpu.memory_space<hbm>>
        %dma_start3A_1692 = tpu.memref_squeeze %dma_start3A_1691 : memref<1x1x56x56xf32, #tpu.memory_space<hbm>> -> memref<56x56xf32, #tpu.memory_space<hbm>>
        tpu.enqueue_dma source(%dma_start3A_1692 : memref<56x56xf32, #tpu.memory_space<hbm>>) target(%dma_start3A_1688 : memref<56x56xf32, #tpu.memory_space<vmem_shared>>) target_semaphore(%dma_start3A_1678 : memref<!tpu.dma_semaphore, #tpu.memory_space<semaphore_mem>>)
        %slice3A_1693 = vector.extract_strided_slice %get3A_1654 {offsets = [2], sizes = [1], strides = [1]} : vector<16xi32> to vector<1xi32>
        %squeeze3A_1694 = vector.extract %slice3A_1693[0] : i32 from vector<1xi32>
        %dma_start3A_1695 = arith.constant 2 : i32
        %dma_start3A_1696 = tpu.memref_slice %arg7[%select_n3A_1368] : memref<4x!tpu.dma_semaphore, #tpu.memory_space<semaphore_mem>> -> memref<1x!tpu.dma_semaphore, #tpu.memory_space<semaphore_mem>>
        %dma_start3A_1697 = tpu.memref_squeeze %dma_start3A_1696 : memref<1x!tpu.dma_semaphore, #tpu.memory_space<semaphore_mem>> -> memref<!tpu.dma_semaphore, #tpu.memory_space<semaphore_mem>>
        %dma_start3A_1698 = arith.constant 0 : i32
        %dma_start3A_1699 = arith.constant 0 : i32
        %dma_start3A_1700 = arith.constant 0 : i32
        %dma_start3A_1701 = arith.constant 0 : i32
        %dma_start3A_1702 = tpu.memref_slice %arg6[%arg1, %dma_start3A_1698, %dma_start3A_1699, %dma_start3A_1700, %dma_start3A_1701] : memref<16x4x4x56x56xf32, #tpu.memory_space<vmem_shared>> -> memref<1x4x4x56x56xf32, #tpu.memory_space<vmem_shared>>
        %dma_start3A_1703 = tpu.memref_squeeze %dma_start3A_1702 : memref<1x4x4x56x56xf32, #tpu.memory_space<vmem_shared>> -> memref<4x4x56x56xf32, #tpu.memory_space<vmem_shared>>
        %dma_start3A_1704 = arith.constant 0 : i32
        %dma_start3A_1705 = arith.constant 0 : i32
        %dma_start3A_1706 = tpu.memref_slice %dma_start3A_1703[%select_n3A_1368, %dma_start3A_1695, %dma_start3A_1704, %dma_start3A_1705] : memref<4x4x56x56xf32, #tpu.memory_space<vmem_shared>> -> memref<1x1x56x56xf32, #tpu.memory_space<vmem_shared>>
        %dma_start3A_1707 = tpu.memref_squeeze %dma_start3A_1706 : memref<1x1x56x56xf32, #tpu.memory_space<vmem_shared>> -> memref<56x56xf32, #tpu.memory_space<vmem_shared>>
        %dma_start3A_1708 = arith.constant 0 : i32
        %dma_start3A_1709 = arith.constant 0 : i32
        %dma_start3A_1710 = tpu.memref_slice %arg2[%add3A, %squeeze3A_1694, %dma_start3A_1708, %dma_start3A_1709] : memref<32x384x56x56xf32, #tpu.memory_space<hbm>> -> memref<1x1x56x56xf32, #tpu.memory_space<hbm>>
        %dma_start3A_1711 = tpu.memref_squeeze %dma_start3A_1710 : memref<1x1x56x56xf32, #tpu.memory_space<hbm>> -> memref<56x56xf32, #tpu.memory_space<hbm>>
        tpu.enqueue_dma source(%dma_start3A_1711 : memref<56x56xf32, #tpu.memory_space<hbm>>) target(%dma_start3A_1707 : memref<56x56xf32, #tpu.memory_space<vmem_shared>>) target_semaphore(%dma_start3A_1697 : memref<!tpu.dma_semaphore, #tpu.memory_space<semaphore_mem>>)
        %slice3A_1712 = vector.extract_strided_slice %get3A_1654 {offsets = [3], sizes = [1], strides = [1]} : vector<16xi32> to vector<1xi32>
        %squeeze3A_1713 = vector.extract %slice3A_1712[0] : i32 from vector<1xi32>
        %dma_start3A_1714 = arith.constant 3 : i32
        %dma_start3A_1715 = tpu.memref_slice %arg7[%select_n3A_1368] : memref<4x!tpu.dma_semaphore, #tpu.memory_space<semaphore_mem>> -> memref<1x!tpu.dma_semaphore, #tpu.memory_space<semaphore_mem>>
        %dma_start3A_1716 = tpu.memref_squeeze %dma_start3A_1715 : memref<1x!tpu.dma_semaphore, #tpu.memory_space<semaphore_mem>> -> memref<!tpu.dma_semaphore, #tpu.memory_space<semaphore_mem>>
        %dma_start3A_1717 = arith.constant 0 : i32
        %dma_start3A_1718 = arith.constant 0 : i32
        %dma_start3A_1719 = arith.constant 0 : i32
        %dma_start3A_1720 = arith.constant 0 : i32
        %dma_start3A_1721 = tpu.memref_slice %arg6[%arg1, %dma_start3A_1717, %dma_start3A_1718, %dma_start3A_1719, %dma_start3A_1720] : memref<16x4x4x56x56xf32, #tpu.memory_space<vmem_shared>> -> memref<1x4x4x56x56xf32, #tpu.memory_space<vmem_shared>>
        %dma_start3A_1722 = tpu.memref_squeeze %dma_start3A_1721 : memref<1x4x4x56x56xf32, #tpu.memory_space<vmem_shared>> -> memref<4x4x56x56xf32, #tpu.memory_space<vmem_shared>>
        %dma_start3A_1723 = arith.constant 0 : i32
        %dma_start3A_1724 = arith.constant 0 : i32
        %dma_start3A_1725 = tpu.memref_slice %dma_start3A_1722[%select_n3A_1368, %dma_start3A_1714, %dma_start3A_1723, %dma_start3A_1724] : memref<4x4x56x56xf32, #tpu.memory_space<vmem_shared>> -> memref<1x1x56x56xf32, #tpu.memory_space<vmem_shared>>
        %dma_start3A_1726 = tpu.memref_squeeze %dma_start3A_1725 : memref<1x1x56x56xf32, #tpu.memory_space<vmem_shared>> -> memref<56x56xf32, #tpu.memory_space<vmem_shared>>
        %dma_start3A_1727 = arith.constant 0 : i32
        %dma_start3A_1728 = arith.constant 0 : i32
        %dma_start3A_1729 = tpu.memref_slice %arg2[%add3A, %squeeze3A_1713, %dma_start3A_1727, %dma_start3A_1728] : memref<32x384x56x56xf32, #tpu.memory_space<hbm>> -> memref<1x1x56x56xf32, #tpu.memory_space<hbm>>
        %dma_start3A_1730 = tpu.memref_squeeze %dma_start3A_1729 : memref<1x1x56x56xf32, #tpu.memory_space<hbm>> -> memref<56x56xf32, #tpu.memory_space<hbm>>
        tpu.enqueue_dma source(%dma_start3A_1730 : memref<56x56xf32, #tpu.memory_space<hbm>>) target(%dma_start3A_1726 : memref<56x56xf32, #tpu.memory_space<vmem_shared>>) target_semaphore(%dma_start3A_1716 : memref<!tpu.dma_semaphore, #tpu.memory_space<semaphore_mem>>)
      } else {
      }
      %dma_wait3A_1395 = arith.constant 0 : i32
      %dma_wait3A_1396 = arith.constant 0 : i32
      %dma_wait3A_1397 = arith.constant 0 : i32
      %dma_wait3A_1398 = tpu.memref_slice %arg7[%select_n3A_1350] : memref<4x!tpu.dma_semaphore, #tpu.memory_space<semaphore_mem>> -> memref<1x!tpu.dma_semaphore, #tpu.memory_space<semaphore_mem>>
      %dma_wait3A_1399 = tpu.memref_squeeze %dma_wait3A_1398 : memref<1x!tpu.dma_semaphore, #tpu.memory_space<semaphore_mem>> -> memref<!tpu.dma_semaphore, #tpu.memory_space<semaphore_mem>>
      %dma_wait3A_1400 = arith.constant 0 : i32
      %dma_wait3A_1401 = arith.constant 0 : i32
      %dma_wait3A_1402 = arith.constant 0 : i32
      %dma_wait3A_1403 = arith.constant 0 : i32
      %dma_wait3A_1404 = tpu.memref_slice %arg6[%arg1, %dma_wait3A_1400, %dma_wait3A_1401, %dma_wait3A_1402, %dma_wait3A_1403] : memref<16x4x4x56x56xf32, #tpu.memory_space<vmem_shared>> -> memref<1x4x4x56x56xf32, #tpu.memory_space<vmem_shared>>
      %dma_wait3A_1405 = tpu.memref_squeeze %dma_wait3A_1404 : memref<1x4x4x56x56xf32, #tpu.memory_space<vmem_shared>> -> memref<4x4x56x56xf32, #tpu.memory_space<vmem_shared>>
      %dma_wait3A_1406 = arith.constant 0 : i32
      %dma_wait3A_1407 = arith.constant 0 : i32
      %dma_wait3A_1408 = tpu.memref_slice %dma_wait3A_1405[%select_n3A_1350, %dma_wait3A_1397, %dma_wait3A_1406, %dma_wait3A_1407] : memref<4x4x56x56xf32, #tpu.memory_space<vmem_shared>> -> memref<1x1x56x56xf32, #tpu.memory_space<vmem_shared>>
      %dma_wait3A_1409 = tpu.memref_squeeze %dma_wait3A_1408 : memref<1x1x56x56xf32, #tpu.memory_space<vmem_shared>> -> memref<56x56xf32, #tpu.memory_space<vmem_shared>>
      %dma_wait3A_1410 = arith.constant 0 : i32
      %dma_wait3A_1411 = arith.constant 0 : i32
      %dma_wait3A_1412 = tpu.memref_slice %arg2[%dma_wait3A_1395, %dma_wait3A_1396, %dma_wait3A_1410, %dma_wait3A_1411] : memref<32x384x56x56xf32, #tpu.memory_space<hbm>> -> memref<1x1x56x56xf32, #tpu.memory_space<hbm>>
      %dma_wait3A_1413 = tpu.memref_squeeze %dma_wait3A_1412 : memref<1x1x56x56xf32, #tpu.memory_space<hbm>> -> memref<56x56xf32, #tpu.memory_space<hbm>>
      tpu.wait_dma2 semaphore(%dma_wait3A_1399 : memref<!tpu.dma_semaphore, #tpu.memory_space<semaphore_mem>>) src(%dma_wait3A_1413 : memref<56x56xf32, #tpu.memory_space<hbm>>) dst(%dma_wait3A_1409 : memref<56x56xf32, #tpu.memory_space<vmem_shared>>)
      %dma_wait3A_1414 = arith.constant 0 : i32
      %dma_wait3A_1415 = arith.constant 0 : i32
      %dma_wait3A_1416 = arith.constant 0 : i32
      %dma_wait3A_1417 = tpu.memref_slice %arg7[%select_n3A_1350] : memref<4x!tpu.dma_semaphore, #tpu.memory_space<semaphore_mem>> -> memref<1x!tpu.dma_semaphore, #tpu.memory_space<semaphore_mem>>
      %dma_wait3A_1418 = tpu.memref_squeeze %dma_wait3A_1417 : memref<1x!tpu.dma_semaphore, #tpu.memory_space<semaphore_mem>> -> memref<!tpu.dma_semaphore, #tpu.memory_space<semaphore_mem>>
      %dma_wait3A_1419 = arith.constant 0 : i32
      %dma_wait3A_1420 = arith.constant 0 : i32
      %dma_wait3A_1421 = arith.constant 0 : i32
      %dma_wait3A_1422 = arith.constant 0 : i32
      %dma_wait3A_1423 = tpu.memref_slice %arg6[%arg1, %dma_wait3A_1419, %dma_wait3A_1420, %dma_wait3A_1421, %dma_wait3A_1422] : memref<16x4x4x56x56xf32, #tpu.memory_space<vmem_shared>> -> memref<1x4x4x56x56xf32, #tpu.memory_space<vmem_shared>>
      %dma_wait3A_1424 = tpu.memref_squeeze %dma_wait3A_1423 : memref<1x4x4x56x56xf32, #tpu.memory_space<vmem_shared>> -> memref<4x4x56x56xf32, #tpu.memory_space<vmem_shared>>
      %dma_wait3A_1425 = arith.constant 0 : i32
      %dma_wait3A_1426 = arith.constant 0 : i32
      %dma_wait3A_1427 = tpu.memref_slice %dma_wait3A_1424[%select_n3A_1350, %dma_wait3A_1416, %dma_wait3A_1425, %dma_wait3A_1426] : memref<4x4x56x56xf32, #tpu.memory_space<vmem_shared>> -> memref<1x1x56x56xf32, #tpu.memory_space<vmem_shared>>
      %dma_wait3A_1428 = tpu.memref_squeeze %dma_wait3A_1427 : memref<1x1x56x56xf32, #tpu.memory_space<vmem_shared>> -> memref<56x56xf32, #tpu.memory_space<vmem_shared>>
      %dma_wait3A_1429 = arith.constant 0 : i32
      %dma_wait3A_1430 = arith.constant 0 : i32
      %dma_wait3A_1431 = tpu.memref_slice %arg2[%dma_wait3A_1414, %dma_wait3A_1415, %dma_wait3A_1429, %dma_wait3A_1430] : memref<32x384x56x56xf32, #tpu.memory_space<hbm>> -> memref<1x1x56x56xf32, #tpu.memory_space<hbm>>
      %dma_wait3A_1432 = tpu.memref_squeeze %dma_wait3A_1431 : memref<1x1x56x56xf32, #tpu.memory_space<hbm>> -> memref<56x56xf32, #tpu.memory_space<hbm>>
      tpu.wait_dma2 semaphore(%dma_wait3A_1418 : memref<!tpu.dma_semaphore, #tpu.memory_space<semaphore_mem>>) src(%dma_wait3A_1432 : memref<56x56xf32, #tpu.memory_space<hbm>>) dst(%dma_wait3A_1428 : memref<56x56xf32, #tpu.memory_space<vmem_shared>>)
      %dma_wait3A_1433 = arith.constant 0 : i32
      %dma_wait3A_1434 = arith.constant 0 : i32
      %dma_wait3A_1435 = arith.constant 0 : i32
      %dma_wait3A_1436 = tpu.memref_slice %arg7[%select_n3A_1350] : memref<4x!tpu.dma_semaphore, #tpu.memory_space<semaphore_mem>> -> memref<1x!tpu.dma_semaphore, #tpu.memory_space<semaphore_mem>>
      %dma_wait3A_1437 = tpu.memref_squeeze %dma_wait3A_1436 : memref<1x!tpu.dma_semaphore, #tpu.memory_space<semaphore_mem>> -> memref<!tpu.dma_semaphore, #tpu.memory_space<semaphore_mem>>
      %dma_wait3A_1438 = arith.constant 0 : i32
      %dma_wait3A_1439 = arith.constant 0 : i32
      %dma_wait3A_1440 = arith.constant 0 : i32
      %dma_wait3A_1441 = arith.constant 0 : i32
      %dma_wait3A_1442 = tpu.memref_slice %arg6[%arg1, %dma_wait3A_1438, %dma_wait3A_1439, %dma_wait3A_1440, %dma_wait3A_1441] : memref<16x4x4x56x56xf32, #tpu.memory_space<vmem_shared>> -> memref<1x4x4x56x56xf32, #tpu.memory_space<vmem_shared>>
      %dma_wait3A_1443 = tpu.memref_squeeze %dma_wait3A_1442 : memref<1x4x4x56x56xf32, #tpu.memory_space<vmem_shared>> -> memref<4x4x56x56xf32, #tpu.memory_space<vmem_shared>>
      %dma_wait3A_1444 = arith.constant 0 : i32
      %dma_wait3A_1445 = arith.constant 0 : i32
      %dma_wait3A_1446 = tpu.memref_slice %dma_wait3A_1443[%select_n3A_1350, %dma_wait3A_1435, %dma_wait3A_1444, %dma_wait3A_1445] : memref<4x4x56x56xf32, #tpu.memory_space<vmem_shared>> -> memref<1x1x56x56xf32, #tpu.memory_space<vmem_shared>>
      %dma_wait3A_1447 = tpu.memref_squeeze %dma_wait3A_1446 : memref<1x1x56x56xf32, #tpu.memory_space<vmem_shared>> -> memref<56x56xf32, #tpu.memory_space<vmem_shared>>
      %dma_wait3A_1448 = arith.constant 0 : i32
      %dma_wait3A_1449 = arith.constant 0 : i32
      %dma_wait3A_1450 = tpu.memref_slice %arg2[%dma_wait3A_1433, %dma_wait3A_1434, %dma_wait3A_1448, %dma_wait3A_1449] : memref<32x384x56x56xf32, #tpu.memory_space<hbm>> -> memref<1x1x56x56xf32, #tpu.memory_space<hbm>>
      %dma_wait3A_1451 = tpu.memref_squeeze %dma_wait3A_1450 : memref<1x1x56x56xf32, #tpu.memory_space<hbm>> -> memref<56x56xf32, #tpu.memory_space<hbm>>
      tpu.wait_dma2 semaphore(%dma_wait3A_1437 : memref<!tpu.dma_semaphore, #tpu.memory_space<semaphore_mem>>) src(%dma_wait3A_1451 : memref<56x56xf32, #tpu.memory_space<hbm>>) dst(%dma_wait3A_1447 : memref<56x56xf32, #tpu.memory_space<vmem_shared>>)
      %dma_wait3A_1452 = arith.constant 0 : i32
      %dma_wait3A_1453 = arith.constant 0 : i32
      %dma_wait3A_1454 = arith.constant 0 : i32
      %dma_wait3A_1455 = tpu.memref_slice %arg7[%select_n3A_1350] : memref<4x!tpu.dma_semaphore, #tpu.memory_space<semaphore_mem>> -> memref<1x!tpu.dma_semaphore, #tpu.memory_space<semaphore_mem>>
      %dma_wait3A_1456 = tpu.memref_squeeze %dma_wait3A_1455 : memref<1x!tpu.dma_semaphore, #tpu.memory_space<semaphore_mem>> -> memref<!tpu.dma_semaphore, #tpu.memory_space<semaphore_mem>>
      %dma_wait3A_1457 = arith.constant 0 : i32
      %dma_wait3A_1458 = arith.constant 0 : i32
      %dma_wait3A_1459 = arith.constant 0 : i32
      %dma_wait3A_1460 = arith.constant 0 : i32
      %dma_wait3A_1461 = tpu.memref_slice %arg6[%arg1, %dma_wait3A_1457, %dma_wait3A_1458, %dma_wait3A_1459, %dma_wait3A_1460] : memref<16x4x4x56x56xf32, #tpu.memory_space<vmem_shared>> -> memref<1x4x4x56x56xf32, #tpu.memory_space<vmem_shared>>
      %dma_wait3A_1462 = tpu.memref_squeeze %dma_wait3A_1461 : memref<1x4x4x56x56xf32, #tpu.memory_space<vmem_shared>> -> memref<4x4x56x56xf32, #tpu.memory_space<vmem_shared>>
      %dma_wait3A_1463 = arith.constant 0 : i32
      %dma_wait3A_1464 = arith.constant 0 : i32
      %dma_wait3A_1465 = tpu.memref_slice %dma_wait3A_1462[%select_n3A_1350, %dma_wait3A_1454, %dma_wait3A_1463, %dma_wait3A_1464] : memref<4x4x56x56xf32, #tpu.memory_space<vmem_shared>> -> memref<1x1x56x56xf32, #tpu.memory_space<vmem_shared>>
      %dma_wait3A_1466 = tpu.memref_squeeze %dma_wait3A_1465 : memref<1x1x56x56xf32, #tpu.memory_space<vmem_shared>> -> memref<56x56xf32, #tpu.memory_space<vmem_shared>>
      %dma_wait3A_1467 = arith.constant 0 : i32
      %dma_wait3A_1468 = arith.constant 0 : i32
      %dma_wait3A_1469 = tpu.memref_slice %arg2[%dma_wait3A_1452, %dma_wait3A_1453, %dma_wait3A_1467, %dma_wait3A_1468] : memref<32x384x56x56xf32, #tpu.memory_space<hbm>> -> memref<1x1x56x56xf32, #tpu.memory_space<hbm>>
      %dma_wait3A_1470 = tpu.memref_squeeze %dma_wait3A_1469 : memref<1x1x56x56xf32, #tpu.memory_space<hbm>> -> memref<56x56xf32, #tpu.memory_space<hbm>>
      tpu.wait_dma2 semaphore(%dma_wait3A_1456 : memref<!tpu.dma_semaphore, #tpu.memory_space<semaphore_mem>>) src(%dma_wait3A_1470 : memref<56x56xf32, #tpu.memory_space<hbm>>) dst(%dma_wait3A_1466 : memref<56x56xf32, #tpu.memory_space<vmem_shared>>)
      %mul3A_1471 = arith.constant 4 : i32
      %mul3A_1472 = arith.muli %add3A_1334, %mul3A_1471 : i32
      %dma_start3A_1473 = tpu.memref_slice %arg8[%select_n3A_1350] : memref<4x!tpu.dma_semaphore, #tpu.memory_space<semaphore_mem>> -> memref<1x!tpu.dma_semaphore, #tpu.memory_space<semaphore_mem>>
      %dma_start3A_1474 = tpu.memref_squeeze %dma_start3A_1473 : memref<1x!tpu.dma_semaphore, #tpu.memory_space<semaphore_mem>> -> memref<!tpu.dma_semaphore, #tpu.memory_space<semaphore_mem>>
      %dma_start3A_1475 = arith.constant 0 : i32
      %dma_start3A_1476 = arith.constant 0 : i32
      %dma_start3A_1477 = tpu.memref_slice %arg4[%add3A, %mul3A_1472, %dma_start3A_1475, %dma_start3A_1476] : memref<32x384x56x56xf32, #tpu.memory_space<hbm>> -> memref<1x4x56x56xf32, #tpu.memory_space<hbm>>
      %dma_start3A_1478 = tpu.memref_squeeze %dma_start3A_1477 : memref<1x4x56x56xf32, #tpu.memory_space<hbm>> -> memref<4x56x56xf32, #tpu.memory_space<hbm>>
      %dma_start3A_1479 = arith.constant 0 : i32
      %dma_start3A_1480 = arith.constant 0 : i32
      %dma_start3A_1481 = arith.constant 0 : i32
      %dma_start3A_1482 = arith.constant 0 : i32
      %dma_start3A_1483 = tpu.memref_slice %arg6[%arg1, %dma_start3A_1479, %dma_start3A_1480, %dma_start3A_1481, %dma_start3A_1482] : memref<16x4x4x56x56xf32, #tpu.memory_space<vmem_shared>> -> memref<1x4x4x56x56xf32, #tpu.memory_space<vmem_shared>>
      %dma_start3A_1484 = tpu.memref_squeeze %dma_start3A_1483 : memref<1x4x4x56x56xf32, #tpu.memory_space<vmem_shared>> -> memref<4x4x56x56xf32, #tpu.memory_space<vmem_shared>>
      %dma_start3A_1485 = arith.constant 0 : i32
      %dma_start3A_1486 = arith.constant 0 : i32
      %dma_start3A_1487 = arith.constant 0 : i32
      %dma_start3A_1488 = tpu.memref_slice %dma_start3A_1484[%select_n3A_1350, %dma_start3A_1485, %dma_start3A_1486, %dma_start3A_1487] : memref<4x4x56x56xf32, #tpu.memory_space<vmem_shared>> -> memref<1x4x56x56xf32, #tpu.memory_space<vmem_shared>>
      %dma_start3A_1489 = tpu.memref_squeeze %dma_start3A_1488 : memref<1x4x56x56xf32, #tpu.memory_space<vmem_shared>> -> memref<4x56x56xf32, #tpu.memory_space<vmem_shared>>
      tpu.enqueue_dma source(%dma_start3A_1489 : memref<4x56x56xf32, #tpu.memory_space<vmem_shared>>) target(%dma_start3A_1478 : memref<4x56x56xf32, #tpu.memory_space<hbm>>) target_semaphore(%dma_start3A_1474 : memref<!tpu.dma_semaphore, #tpu.memory_space<semaphore_mem>>)
      %add3A_1490 = arith.constant 3 : i32
      %add3A_1491 = arith.addi %mul3A_1027, %add3A_1490 : i32
      %jit3A_1492 = arith.constant 4 : i32
      %eq3A_1493 = arith.constant 0 : i32
      %eq3A_1494 = arith.cmpi eq, %jit3A_1492, %eq3A_1493 : i32
      %jit3A_1495 = arith.constant 1 : i32
      %select_n3A_1496 = arith.select %eq3A_1494, %jit3A_1495, %jit3A_1492 : i32
      %rem3A_1497 = arith.remsi %add3A_1491, %select_n3A_1496 : i32
      %ne3A_1498 = arith.constant 0 : i32
      %ne3A_1499 = arith.cmpi ne, %rem3A_1497, %ne3A_1498 : i32
      %lt3A_1500 = arith.constant 0 : i32
      %lt3A_1501 = arith.cmpi slt, %rem3A_1497, %lt3A_1500 : i32
      %lt3A_1502 = arith.constant 0 : i32
      %lt3A_1503 = arith.cmpi slt, %select_n3A_1496, %lt3A_1502 : i32
      %ne3A_1504 = arith.xori %lt3A_1501, %lt3A_1503 : i1
      %and3A_1505 = arith.andi %ne3A_1504, %ne3A_1499 : i1
      %add3A_1506 = arith.addi %rem3A_1497, %select_n3A_1496 : i32
      %select_n3A_1507 = arith.select %and3A_1505, %add3A_1506, %rem3A_1497 : i32
      %add3A_1508 = arith.constant 2 : i32
      %add3A_1509 = arith.addi %add3A_1491, %add3A_1508 : i32
      %jit3A_1510 = arith.constant 4 : i32
      %eq3A_1511 = arith.constant 0 : i32
      %eq3A_1512 = arith.cmpi eq, %jit3A_1510, %eq3A_1511 : i32
      %jit3A_1513 = arith.constant 1 : i32
      %select_n3A_1514 = arith.select %eq3A_1512, %jit3A_1513, %jit3A_1510 : i32
      %rem3A_1515 = arith.remsi %add3A_1509, %select_n3A_1514 : i32
      %ne3A_1516 = arith.constant 0 : i32
      %ne3A_1517 = arith.cmpi ne, %rem3A_1515, %ne3A_1516 : i32
      %lt3A_1518 = arith.constant 0 : i32
      %lt3A_1519 = arith.cmpi slt, %rem3A_1515, %lt3A_1518 : i32
      %lt3A_1520 = arith.constant 0 : i32
      %lt3A_1521 = arith.cmpi slt, %select_n3A_1514, %lt3A_1520 : i32
      %ne3A_1522 = arith.xori %lt3A_1519, %lt3A_1521 : i1
      %and3A_1523 = arith.andi %ne3A_1522, %ne3A_1517 : i1
      %add3A_1524 = arith.addi %rem3A_1515, %select_n3A_1514 : i32
      %select_n3A_1525 = arith.select %and3A_1523, %add3A_1524, %rem3A_1515 : i32
      %dma_wait3A_1526 = arith.constant 0 : i32
      %dma_wait3A_1527 = tpu.memref_slice %arg8[%select_n3A_1525] : memref<4x!tpu.dma_semaphore, #tpu.memory_space<semaphore_mem>> -> memref<1x!tpu.dma_semaphore, #tpu.memory_space<semaphore_mem>>
      %dma_wait3A_1528 = tpu.memref_squeeze %dma_wait3A_1527 : memref<1x!tpu.dma_semaphore, #tpu.memory_space<semaphore_mem>> -> memref<!tpu.dma_semaphore, #tpu.memory_space<semaphore_mem>>
      %dma_wait3A_1529 = arith.constant 0 : i32
      %dma_wait3A_1530 = arith.constant 0 : i32
      %dma_wait3A_1531 = arith.constant 0 : i32
      %dma_wait3A_1532 = tpu.memref_slice %arg4[%dma_wait3A_1526, %dma_wait3A_1529, %dma_wait3A_1530, %dma_wait3A_1531] : memref<32x384x56x56xf32, #tpu.memory_space<hbm>> -> memref<1x4x56x56xf32, #tpu.memory_space<hbm>>
      %dma_wait3A_1533 = tpu.memref_squeeze %dma_wait3A_1532 : memref<1x4x56x56xf32, #tpu.memory_space<hbm>> -> memref<4x56x56xf32, #tpu.memory_space<hbm>>
      %dma_wait3A_1534 = arith.constant 0 : i32
      %dma_wait3A_1535 = arith.constant 0 : i32
      %dma_wait3A_1536 = arith.constant 0 : i32
      %dma_wait3A_1537 = arith.constant 0 : i32
      %dma_wait3A_1538 = tpu.memref_slice %arg6[%arg1, %dma_wait3A_1534, %dma_wait3A_1535, %dma_wait3A_1536, %dma_wait3A_1537] : memref<16x4x4x56x56xf32, #tpu.memory_space<vmem_shared>> -> memref<1x4x4x56x56xf32, #tpu.memory_space<vmem_shared>>
      %dma_wait3A_1539 = tpu.memref_squeeze %dma_wait3A_1538 : memref<1x4x4x56x56xf32, #tpu.memory_space<vmem_shared>> -> memref<4x4x56x56xf32, #tpu.memory_space<vmem_shared>>
      %dma_wait3A_1540 = arith.constant 0 : i32
      %dma_wait3A_1541 = arith.constant 0 : i32
      %dma_wait3A_1542 = arith.constant 0 : i32
      %dma_wait3A_1543 = tpu.memref_slice %dma_wait3A_1539[%select_n3A_1525, %dma_wait3A_1540, %dma_wait3A_1541, %dma_wait3A_1542] : memref<4x4x56x56xf32, #tpu.memory_space<vmem_shared>> -> memref<1x4x56x56xf32, #tpu.memory_space<vmem_shared>>
      %dma_wait3A_1544 = tpu.memref_squeeze %dma_wait3A_1543 : memref<1x4x56x56xf32, #tpu.memory_space<vmem_shared>> -> memref<4x56x56xf32, #tpu.memory_space<vmem_shared>>
      tpu.wait_dma2 semaphore(%dma_wait3A_1528 : memref<!tpu.dma_semaphore, #tpu.memory_space<semaphore_mem>>) src(%dma_wait3A_1544 : memref<4x56x56xf32, #tpu.memory_space<vmem_shared>>) dst(%dma_wait3A_1533 : memref<4x56x56xf32, #tpu.memory_space<hbm>>)
      %add3A_1545 = arith.constant 2 : i32
      %add3A_1546 = arith.addi %add3A_1491, %add3A_1545 : i32
      %lt3A_1547 = arith.constant 96 : i32
      %lt3A_1548 = arith.cmpi slt, %add3A_1546, %lt3A_1547 : i32
      %convert_element_type3A_1549 = arith.extui %lt3A_1548 : i1 to i32
      %cond3A_1550 = arith.constant 0 : i32
      %cond3A_1551 = arith.cmpi ne, %convert_element_type3A_1549, %cond3A_1550 : i32
      scf.if %cond3A_1551 {
        %add3A_1648 = arith.constant 2 : i32
        %add3A_1649 = arith.addi %add3A_1491, %add3A_1648 : i32
        %mul3A_1650 = arith.constant 4 : i32
        %mul3A_1651 = arith.muli %add3A_1649, %mul3A_1650 : i32
        %get3A_1652 = arith.index_cast %mul3A_1651 : i32 to index
        %get3A_1653 = tpu.vector_load %arg5[%get3A_1652] {strides = array<i32>} : memref<400xi32, #tpu.memory_space<vmem>>, vector<16xi32>,
        %get3A_1654 = vector.shape_cast %get3A_1653 : vector<16xi32> to vector<16xi32>
        %slice3A_1655 = vector.extract_strided_slice %get3A_1654 {offsets = [0], sizes = [1], strides = [1]} : vector<16xi32> to vector<1xi32>
        %squeeze3A_1656 = vector.extract %slice3A_1655[0] : i32 from vector<1xi32>
        %dma_start3A_1657 = arith.constant 0 : i32
        %dma_start3A_1658 = tpu.memref_slice %arg7[%select_n3A_1525] : memref<4x!tpu.dma_semaphore, #tpu.memory_space<semaphore_mem>> -> memref<1x!tpu.dma_semaphore, #tpu.memory_space<semaphore_mem>>
        %dma_start3A_1659 = tpu.memref_squeeze %dma_start3A_1658 : memref<1x!tpu.dma_semaphore, #tpu.memory_space<semaphore_mem>> -> memref<!tpu.dma_semaphore, #tpu.memory_space<semaphore_mem>>
        %dma_start3A_1660 = arith.constant 0 : i32
        %dma_start3A_1661 = arith.constant 0 : i32
        %dma_start3A_1662 = arith.constant 0 : i32
        %dma_start3A_1663 = arith.constant 0 : i32
        %dma_start3A_1664 = tpu.memref_slice %arg6[%arg1, %dma_start3A_1660, %dma_start3A_1661, %dma_start3A_1662, %dma_start3A_1663] : memref<16x4x4x56x56xf32, #tpu.memory_space<vmem_shared>> -> memref<1x4x4x56x56xf32, #tpu.memory_space<vmem_shared>>
        %dma_start3A_1665 = tpu.memref_squeeze %dma_start3A_1664 : memref<1x4x4x56x56xf32, #tpu.memory_space<vmem_shared>> -> memref<4x4x56x56xf32, #tpu.memory_space<vmem_shared>>
        %dma_start3A_1666 = arith.constant 0 : i32
        %dma_start3A_1667 = arith.constant 0 : i32
        %dma_start3A_1668 = tpu.memref_slice %dma_start3A_1665[%select_n3A_1525, %dma_start3A_1657, %dma_start3A_1666, %dma_start3A_1667] : memref<4x4x56x56xf32, #tpu.memory_space<vmem_shared>> -> memref<1x1x56x56xf32, #tpu.memory_space<vmem_shared>>
        %dma_start3A_1669 = tpu.memref_squeeze %dma_start3A_1668 : memref<1x1x56x56xf32, #tpu.memory_space<vmem_shared>> -> memref<56x56xf32, #tpu.memory_space<vmem_shared>>
        %dma_start3A_1670 = arith.constant 0 : i32
        %dma_start3A_1671 = arith.constant 0 : i32
        %dma_start3A_1672 = tpu.memref_slice %arg2[%add3A, %squeeze3A_1656, %dma_start3A_1670, %dma_start3A_1671] : memref<32x384x56x56xf32, #tpu.memory_space<hbm>> -> memref<1x1x56x56xf32, #tpu.memory_space<hbm>>
        %dma_start3A_1673 = tpu.memref_squeeze %dma_start3A_1672 : memref<1x1x56x56xf32, #tpu.memory_space<hbm>> -> memref<56x56xf32, #tpu.memory_space<hbm>>
        tpu.enqueue_dma source(%dma_start3A_1673 : memref<56x56xf32, #tpu.memory_space<hbm>>) target(%dma_start3A_1669 : memref<56x56xf32, #tpu.memory_space<vmem_shared>>) target_semaphore(%dma_start3A_1659 : memref<!tpu.dma_semaphore, #tpu.memory_space<semaphore_mem>>)
        %slice3A_1674 = vector.extract_strided_slice %get3A_1654 {offsets = [1], sizes = [1], strides = [1]} : vector<16xi32> to vector<1xi32>
        %squeeze3A_1675 = vector.extract %slice3A_1674[0] : i32 from vector<1xi32>
        %dma_start3A_1676 = arith.constant 1 : i32
        %dma_start3A_1677 = tpu.memref_slice %arg7[%select_n3A_1525] : memref<4x!tpu.dma_semaphore, #tpu.memory_space<semaphore_mem>> -> memref<1x!tpu.dma_semaphore, #tpu.memory_space<semaphore_mem>>
        %dma_start3A_1678 = tpu.memref_squeeze %dma_start3A_1677 : memref<1x!tpu.dma_semaphore, #tpu.memory_space<semaphore_mem>> -> memref<!tpu.dma_semaphore, #tpu.memory_space<semaphore_mem>>
        %dma_start3A_1679 = arith.constant 0 : i32
        %dma_start3A_1680 = arith.constant 0 : i32
        %dma_start3A_1681 = arith.constant 0 : i32
        %dma_start3A_1682 = arith.constant 0 : i32
        %dma_start3A_1683 = tpu.memref_slice %arg6[%arg1, %dma_start3A_1679, %dma_start3A_1680, %dma_start3A_1681, %dma_start3A_1682] : memref<16x4x4x56x56xf32, #tpu.memory_space<vmem_shared>> -> memref<1x4x4x56x56xf32, #tpu.memory_space<vmem_shared>>
        %dma_start3A_1684 = tpu.memref_squeeze %dma_start3A_1683 : memref<1x4x4x56x56xf32, #tpu.memory_space<vmem_shared>> -> memref<4x4x56x56xf32, #tpu.memory_space<vmem_shared>>
        %dma_start3A_1685 = arith.constant 0 : i32
        %dma_start3A_1686 = arith.constant 0 : i32
        %dma_start3A_1687 = tpu.memref_slice %dma_start3A_1684[%select_n3A_1525, %dma_start3A_1676, %dma_start3A_1685, %dma_start3A_1686] : memref<4x4x56x56xf32, #tpu.memory_space<vmem_shared>> -> memref<1x1x56x56xf32, #tpu.memory_space<vmem_shared>>
        %dma_start3A_1688 = tpu.memref_squeeze %dma_start3A_1687 : memref<1x1x56x56xf32, #tpu.memory_space<vmem_shared>> -> memref<56x56xf32, #tpu.memory_space<vmem_shared>>
        %dma_start3A_1689 = arith.constant 0 : i32
        %dma_start3A_1690 = arith.constant 0 : i32
        %dma_start3A_1691 = tpu.memref_slice %arg2[%add3A, %squeeze3A_1675, %dma_start3A_1689, %dma_start3A_1690] : memref<32x384x56x56xf32, #tpu.memory_space<hbm>> -> memref<1x1x56x56xf32, #tpu.memory_space<hbm>>
        %dma_start3A_1692 = tpu.memref_squeeze %dma_start3A_1691 : memref<1x1x56x56xf32, #tpu.memory_space<hbm>> -> memref<56x56xf32, #tpu.memory_space<hbm>>
        tpu.enqueue_dma source(%dma_start3A_1692 : memref<56x56xf32, #tpu.memory_space<hbm>>) target(%dma_start3A_1688 : memref<56x56xf32, #tpu.memory_space<vmem_shared>>) target_semaphore(%dma_start3A_1678 : memref<!tpu.dma_semaphore, #tpu.memory_space<semaphore_mem>>)
        %slice3A_1693 = vector.extract_strided_slice %get3A_1654 {offsets = [2], sizes = [1], strides = [1]} : vector<16xi32> to vector<1xi32>
        %squeeze3A_1694 = vector.extract %slice3A_1693[0] : i32 from vector<1xi32>
        %dma_start3A_1695 = arith.constant 2 : i32
        %dma_start3A_1696 = tpu.memref_slice %arg7[%select_n3A_1525] : memref<4x!tpu.dma_semaphore, #tpu.memory_space<semaphore_mem>> -> memref<1x!tpu.dma_semaphore, #tpu.memory_space<semaphore_mem>>
        %dma_start3A_1697 = tpu.memref_squeeze %dma_start3A_1696 : memref<1x!tpu.dma_semaphore, #tpu.memory_space<semaphore_mem>> -> memref<!tpu.dma_semaphore, #tpu.memory_space<semaphore_mem>>
        %dma_start3A_1698 = arith.constant 0 : i32
        %dma_start3A_1699 = arith.constant 0 : i32
        %dma_start3A_1700 = arith.constant 0 : i32
        %dma_start3A_1701 = arith.constant 0 : i32
        %dma_start3A_1702 = tpu.memref_slice %arg6[%arg1, %dma_start3A_1698, %dma_start3A_1699, %dma_start3A_1700, %dma_start3A_1701] : memref<16x4x4x56x56xf32, #tpu.memory_space<vmem_shared>> -> memref<1x4x4x56x56xf32, #tpu.memory_space<vmem_shared>>
        %dma_start3A_1703 = tpu.memref_squeeze %dma_start3A_1702 : memref<1x4x4x56x56xf32, #tpu.memory_space<vmem_shared>> -> memref<4x4x56x56xf32, #tpu.memory_space<vmem_shared>>
        %dma_start3A_1704 = arith.constant 0 : i32
        %dma_start3A_1705 = arith.constant 0 : i32
        %dma_start3A_1706 = tpu.memref_slice %dma_start3A_1703[%select_n3A_1525, %dma_start3A_1695, %dma_start3A_1704, %dma_start3A_1705] : memref<4x4x56x56xf32, #tpu.memory_space<vmem_shared>> -> memref<1x1x56x56xf32, #tpu.memory_space<vmem_shared>>
        %dma_start3A_1707 = tpu.memref_squeeze %dma_start3A_1706 : memref<1x1x56x56xf32, #tpu.memory_space<vmem_shared>> -> memref<56x56xf32, #tpu.memory_space<vmem_shared>>
        %dma_start3A_1708 = arith.constant 0 : i32
        %dma_start3A_1709 = arith.constant 0 : i32
        %dma_start3A_1710 = tpu.memref_slice %arg2[%add3A, %squeeze3A_1694, %dma_start3A_1708, %dma_start3A_1709] : memref<32x384x56x56xf32, #tpu.memory_space<hbm>> -> memref<1x1x56x56xf32, #tpu.memory_space<hbm>>
        %dma_start3A_1711 = tpu.memref_squeeze %dma_start3A_1710 : memref<1x1x56x56xf32, #tpu.memory_space<hbm>> -> memref<56x56xf32, #tpu.memory_space<hbm>>
        tpu.enqueue_dma source(%dma_start3A_1711 : memref<56x56xf32, #tpu.memory_space<hbm>>) target(%dma_start3A_1707 : memref<56x56xf32, #tpu.memory_space<vmem_shared>>) target_semaphore(%dma_start3A_1697 : memref<!tpu.dma_semaphore, #tpu.memory_space<semaphore_mem>>)
        %slice3A_1712 = vector.extract_strided_slice %get3A_1654 {offsets = [3], sizes = [1], strides = [1]} : vector<16xi32> to vector<1xi32>
        %squeeze3A_1713 = vector.extract %slice3A_1712[0] : i32 from vector<1xi32>
        %dma_start3A_1714 = arith.constant 3 : i32
        %dma_start3A_1715 = tpu.memref_slice %arg7[%select_n3A_1525] : memref<4x!tpu.dma_semaphore, #tpu.memory_space<semaphore_mem>> -> memref<1x!tpu.dma_semaphore, #tpu.memory_space<semaphore_mem>>
        %dma_start3A_1716 = tpu.memref_squeeze %dma_start3A_1715 : memref<1x!tpu.dma_semaphore, #tpu.memory_space<semaphore_mem>> -> memref<!tpu.dma_semaphore, #tpu.memory_space<semaphore_mem>>
        %dma_start3A_1717 = arith.constant 0 : i32
        %dma_start3A_1718 = arith.constant 0 : i32
        %dma_start3A_1719 = arith.constant 0 : i32
        %dma_start3A_1720 = arith.constant 0 : i32
        %dma_start3A_1721 = tpu.memref_slice %arg6[%arg1, %dma_start3A_1717, %dma_start3A_1718, %dma_start3A_1719, %dma_start3A_1720] : memref<16x4x4x56x56xf32, #tpu.memory_space<vmem_shared>> -> memref<1x4x4x56x56xf32, #tpu.memory_space<vmem_shared>>
        %dma_start3A_1722 = tpu.memref_squeeze %dma_start3A_1721 : memref<1x4x4x56x56xf32, #tpu.memory_space<vmem_shared>> -> memref<4x4x56x56xf32, #tpu.memory_space<vmem_shared>>
        %dma_start3A_1723 = arith.constant 0 : i32
        %dma_start3A_1724 = arith.constant 0 : i32
        %dma_start3A_1725 = tpu.memref_slice %dma_start3A_1722[%select_n3A_1525, %dma_start3A_1714, %dma_start3A_1723, %dma_start3A_1724] : memref<4x4x56x56xf32, #tpu.memory_space<vmem_shared>> -> memref<1x1x56x56xf32, #tpu.memory_space<vmem_shared>>
        %dma_start3A_1726 = tpu.memref_squeeze %dma_start3A_1725 : memref<1x1x56x56xf32, #tpu.memory_space<vmem_shared>> -> memref<56x56xf32, #tpu.memory_space<vmem_shared>>
        %dma_start3A_1727 = arith.constant 0 : i32
        %dma_start3A_1728 = arith.constant 0 : i32
        %dma_start3A_1729 = tpu.memref_slice %arg2[%add3A, %squeeze3A_1713, %dma_start3A_1727, %dma_start3A_1728] : memref<32x384x56x56xf32, #tpu.memory_space<hbm>> -> memref<1x1x56x56xf32, #tpu.memory_space<hbm>>
        %dma_start3A_1730 = tpu.memref_squeeze %dma_start3A_1729 : memref<1x1x56x56xf32, #tpu.memory_space<hbm>> -> memref<56x56xf32, #tpu.memory_space<hbm>>
        tpu.enqueue_dma source(%dma_start3A_1730 : memref<56x56xf32, #tpu.memory_space<hbm>>) target(%dma_start3A_1726 : memref<56x56xf32, #tpu.memory_space<vmem_shared>>) target_semaphore(%dma_start3A_1716 : memref<!tpu.dma_semaphore, #tpu.memory_space<semaphore_mem>>)
      } else {
      }
      %dma_wait3A_1552 = arith.constant 0 : i32
      %dma_wait3A_1553 = arith.constant 0 : i32
      %dma_wait3A_1554 = arith.constant 0 : i32
      %dma_wait3A_1555 = tpu.memref_slice %arg7[%select_n3A_1507] : memref<4x!tpu.dma_semaphore, #tpu.memory_space<semaphore_mem>> -> memref<1x!tpu.dma_semaphore, #tpu.memory_space<semaphore_mem>>
      %dma_wait3A_1556 = tpu.memref_squeeze %dma_wait3A_1555 : memref<1x!tpu.dma_semaphore, #tpu.memory_space<semaphore_mem>> -> memref<!tpu.dma_semaphore, #tpu.memory_space<semaphore_mem>>
      %dma_wait3A_1557 = arith.constant 0 : i32
      %dma_wait3A_1558 = arith.constant 0 : i32
      %dma_wait3A_1559 = arith.constant 0 : i32
      %dma_wait3A_1560 = arith.constant 0 : i32
      %dma_wait3A_1561 = tpu.memref_slice %arg6[%arg1, %dma_wait3A_1557, %dma_wait3A_1558, %dma_wait3A_1559, %dma_wait3A_1560] : memref<16x4x4x56x56xf32, #tpu.memory_space<vmem_shared>> -> memref<1x4x4x56x56xf32, #tpu.memory_space<vmem_shared>>
      %dma_wait3A_1562 = tpu.memref_squeeze %dma_wait3A_1561 : memref<1x4x4x56x56xf32, #tpu.memory_space<vmem_shared>> -> memref<4x4x56x56xf32, #tpu.memory_space<vmem_shared>>
      %dma_wait3A_1563 = arith.constant 0 : i32
      %dma_wait3A_1564 = arith.constant 0 : i32
      %dma_wait3A_1565 = tpu.memref_slice %dma_wait3A_1562[%select_n3A_1507, %dma_wait3A_1554, %dma_wait3A_1563, %dma_wait3A_1564] : memref<4x4x56x56xf32, #tpu.memory_space<vmem_shared>> -> memref<1x1x56x56xf32, #tpu.memory_space<vmem_shared>>
      %dma_wait3A_1566 = tpu.memref_squeeze %dma_wait3A_1565 : memref<1x1x56x56xf32, #tpu.memory_space<vmem_shared>> -> memref<56x56xf32, #tpu.memory_space<vmem_shared>>
      %dma_wait3A_1567 = arith.constant 0 : i32
      %dma_wait3A_1568 = arith.constant 0 : i32
      %dma_wait3A_1569 = tpu.memref_slice %arg2[%dma_wait3A_1552, %dma_wait3A_1553, %dma_wait3A_1567, %dma_wait3A_1568] : memref<32x384x56x56xf32, #tpu.memory_space<hbm>> -> memref<1x1x56x56xf32, #tpu.memory_space<hbm>>
      %dma_wait3A_1570 = tpu.memref_squeeze %dma_wait3A_1569 : memref<1x1x56x56xf32, #tpu.memory_space<hbm>> -> memref<56x56xf32, #tpu.memory_space<hbm>>
      tpu.wait_dma2 semaphore(%dma_wait3A_1556 : memref<!tpu.dma_semaphore, #tpu.memory_space<semaphore_mem>>) src(%dma_wait3A_1570 : memref<56x56xf32, #tpu.memory_space<hbm>>) dst(%dma_wait3A_1566 : memref<56x56xf32, #tpu.memory_space<vmem_shared>>)
      %dma_wait3A_1571 = arith.constant 0 : i32
      %dma_wait3A_1572 = arith.constant 0 : i32
      %dma_wait3A_1573 = arith.constant 0 : i32
      %dma_wait3A_1574 = tpu.memref_slice %arg7[%select_n3A_1507] : memref<4x!tpu.dma_semaphore, #tpu.memory_space<semaphore_mem>> -> memref<1x!tpu.dma_semaphore, #tpu.memory_space<semaphore_mem>>
      %dma_wait3A_1575 = tpu.memref_squeeze %dma_wait3A_1574 : memref<1x!tpu.dma_semaphore, #tpu.memory_space<semaphore_mem>> -> memref<!tpu.dma_semaphore, #tpu.memory_space<semaphore_mem>>
      %dma_wait3A_1576 = arith.constant 0 : i32
      %dma_wait3A_1577 = arith.constant 0 : i32
      %dma_wait3A_1578 = arith.constant 0 : i32
      %dma_wait3A_1579 = arith.constant 0 : i32
      %dma_wait3A_1580 = tpu.memref_slice %arg6[%arg1, %dma_wait3A_1576, %dma_wait3A_1577, %dma_wait3A_1578, %dma_wait3A_1579] : memref<16x4x4x56x56xf32, #tpu.memory_space<vmem_shared>> -> memref<1x4x4x56x56xf32, #tpu.memory_space<vmem_shared>>
      %dma_wait3A_1581 = tpu.memref_squeeze %dma_wait3A_1580 : memref<1x4x4x56x56xf32, #tpu.memory_space<vmem_shared>> -> memref<4x4x56x56xf32, #tpu.memory_space<vmem_shared>>
      %dma_wait3A_1582 = arith.constant 0 : i32
      %dma_wait3A_1583 = arith.constant 0 : i32
      %dma_wait3A_1584 = tpu.memref_slice %dma_wait3A_1581[%select_n3A_1507, %dma_wait3A_1573, %dma_wait3A_1582, %dma_wait3A_1583] : memref<4x4x56x56xf32, #tpu.memory_space<vmem_shared>> -> memref<1x1x56x56xf32, #tpu.memory_space<vmem_shared>>
      %dma_wait3A_1585 = tpu.memref_squeeze %dma_wait3A_1584 : memref<1x1x56x56xf32, #tpu.memory_space<vmem_shared>> -> memref<56x56xf32, #tpu.memory_space<vmem_shared>>
      %dma_wait3A_1586 = arith.constant 0 : i32
      %dma_wait3A_1587 = arith.constant 0 : i32
      %dma_wait3A_1588 = tpu.memref_slice %arg2[%dma_wait3A_1571, %dma_wait3A_1572, %dma_wait3A_1586, %dma_wait3A_1587] : memref<32x384x56x56xf32, #tpu.memory_space<hbm>> -> memref<1x1x56x56xf32, #tpu.memory_space<hbm>>
      %dma_wait3A_1589 = tpu.memref_squeeze %dma_wait3A_1588 : memref<1x1x56x56xf32, #tpu.memory_space<hbm>> -> memref<56x56xf32, #tpu.memory_space<hbm>>
      tpu.wait_dma2 semaphore(%dma_wait3A_1575 : memref<!tpu.dma_semaphore, #tpu.memory_space<semaphore_mem>>) src(%dma_wait3A_1589 : memref<56x56xf32, #tpu.memory_space<hbm>>) dst(%dma_wait3A_1585 : memref<56x56xf32, #tpu.memory_space<vmem_shared>>)
      %dma_wait3A_1590 = arith.constant 0 : i32
      %dma_wait3A_1591 = arith.constant 0 : i32
      %dma_wait3A_1592 = arith.constant 0 : i32
      %dma_wait3A_1593 = tpu.memref_slice %arg7[%select_n3A_1507] : memref<4x!tpu.dma_semaphore, #tpu.memory_space<semaphore_mem>> -> memref<1x!tpu.dma_semaphore, #tpu.memory_space<semaphore_mem>>
      %dma_wait3A_1594 = tpu.memref_squeeze %dma_wait3A_1593 : memref<1x!tpu.dma_semaphore, #tpu.memory_space<semaphore_mem>> -> memref<!tpu.dma_semaphore, #tpu.memory_space<semaphore_mem>>
      %dma_wait3A_1595 = arith.constant 0 : i32
      %dma_wait3A_1596 = arith.constant 0 : i32
      %dma_wait3A_1597 = arith.constant 0 : i32
      %dma_wait3A_1598 = arith.constant 0 : i32
      %dma_wait3A_1599 = tpu.memref_slice %arg6[%arg1, %dma_wait3A_1595, %dma_wait3A_1596, %dma_wait3A_1597, %dma_wait3A_1598] : memref<16x4x4x56x56xf32, #tpu.memory_space<vmem_shared>> -> memref<1x4x4x56x56xf32, #tpu.memory_space<vmem_shared>>
      %dma_wait3A_1600 = tpu.memref_squeeze %dma_wait3A_1599 : memref<1x4x4x56x56xf32, #tpu.memory_space<vmem_shared>> -> memref<4x4x56x56xf32, #tpu.memory_space<vmem_shared>>
      %dma_wait3A_1601 = arith.constant 0 : i32
      %dma_wait3A_1602 = arith.constant 0 : i32
      %dma_wait3A_1603 = tpu.memref_slice %dma_wait3A_1600[%select_n3A_1507, %dma_wait3A_1592, %dma_wait3A_1601, %dma_wait3A_1602] : memref<4x4x56x56xf32, #tpu.memory_space<vmem_shared>> -> memref<1x1x56x56xf32, #tpu.memory_space<vmem_shared>>
      %dma_wait3A_1604 = tpu.memref_squeeze %dma_wait3A_1603 : memref<1x1x56x56xf32, #tpu.memory_space<vmem_shared>> -> memref<56x56xf32, #tpu.memory_space<vmem_shared>>
      %dma_wait3A_1605 = arith.constant 0 : i32
      %dma_wait3A_1606 = arith.constant 0 : i32
      %dma_wait3A_1607 = tpu.memref_slice %arg2[%dma_wait3A_1590, %dma_wait3A_1591, %dma_wait3A_1605, %dma_wait3A_1606] : memref<32x384x56x56xf32, #tpu.memory_space<hbm>> -> memref<1x1x56x56xf32, #tpu.memory_space<hbm>>
      %dma_wait3A_1608 = tpu.memref_squeeze %dma_wait3A_1607 : memref<1x1x56x56xf32, #tpu.memory_space<hbm>> -> memref<56x56xf32, #tpu.memory_space<hbm>>
      tpu.wait_dma2 semaphore(%dma_wait3A_1594 : memref<!tpu.dma_semaphore, #tpu.memory_space<semaphore_mem>>) src(%dma_wait3A_1608 : memref<56x56xf32, #tpu.memory_space<hbm>>) dst(%dma_wait3A_1604 : memref<56x56xf32, #tpu.memory_space<vmem_shared>>)
      %dma_wait3A_1609 = arith.constant 0 : i32
      %dma_wait3A_1610 = arith.constant 0 : i32
      %dma_wait3A_1611 = arith.constant 0 : i32
      %dma_wait3A_1612 = tpu.memref_slice %arg7[%select_n3A_1507] : memref<4x!tpu.dma_semaphore, #tpu.memory_space<semaphore_mem>> -> memref<1x!tpu.dma_semaphore, #tpu.memory_space<semaphore_mem>>
      %dma_wait3A_1613 = tpu.memref_squeeze %dma_wait3A_1612 : memref<1x!tpu.dma_semaphore, #tpu.memory_space<semaphore_mem>> -> memref<!tpu.dma_semaphore, #tpu.memory_space<semaphore_mem>>
      %dma_wait3A_1614 = arith.constant 0 : i32
      %dma_wait3A_1615 = arith.constant 0 : i32
      %dma_wait3A_1616 = arith.constant 0 : i32
      %dma_wait3A_1617 = arith.constant 0 : i32
      %dma_wait3A_1618 = tpu.memref_slice %arg6[%arg1, %dma_wait3A_1614, %dma_wait3A_1615, %dma_wait3A_1616, %dma_wait3A_1617] : memref<16x4x4x56x56xf32, #tpu.memory_space<vmem_shared>> -> memref<1x4x4x56x56xf32, #tpu.memory_space<vmem_shared>>
      %dma_wait3A_1619 = tpu.memref_squeeze %dma_wait3A_1618 : memref<1x4x4x56x56xf32, #tpu.memory_space<vmem_shared>> -> memref<4x4x56x56xf32, #tpu.memory_space<vmem_shared>>
      %dma_wait3A_1620 = arith.constant 0 : i32
      %dma_wait3A_1621 = arith.constant 0 : i32
      %dma_wait3A_1622 = tpu.memref_slice %dma_wait3A_1619[%select_n3A_1507, %dma_wait3A_1611, %dma_wait3A_1620, %dma_wait3A_1621] : memref<4x4x56x56xf32, #tpu.memory_space<vmem_shared>> -> memref<1x1x56x56xf32, #tpu.memory_space<vmem_shared>>
      %dma_wait3A_1623 = tpu.memref_squeeze %dma_wait3A_1622 : memref<1x1x56x56xf32, #tpu.memory_space<vmem_shared>> -> memref<56x56xf32, #tpu.memory_space<vmem_shared>>
      %dma_wait3A_1624 = arith.constant 0 : i32
      %dma_wait3A_1625 = arith.constant 0 : i32
      %dma_wait3A_1626 = tpu.memref_slice %arg2[%dma_wait3A_1609, %dma_wait3A_1610, %dma_wait3A_1624, %dma_wait3A_1625] : memref<32x384x56x56xf32, #tpu.memory_space<hbm>> -> memref<1x1x56x56xf32, #tpu.memory_space<hbm>>
      %dma_wait3A_1627 = tpu.memref_squeeze %dma_wait3A_1626 : memref<1x1x56x56xf32, #tpu.memory_space<hbm>> -> memref<56x56xf32, #tpu.memory_space<hbm>>
      tpu.wait_dma2 semaphore(%dma_wait3A_1613 : memref<!tpu.dma_semaphore, #tpu.memory_space<semaphore_mem>>) src(%dma_wait3A_1627 : memref<56x56xf32, #tpu.memory_space<hbm>>) dst(%dma_wait3A_1623 : memref<56x56xf32, #tpu.memory_space<vmem_shared>>)
      %mul3A_1628 = arith.constant 4 : i32
      %mul3A_1629 = arith.muli %add3A_1491, %mul3A_1628 : i32
      %dma_start3A_1630 = tpu.memref_slice %arg8[%select_n3A_1507] : memref<4x!tpu.dma_semaphore, #tpu.memory_space<semaphore_mem>> -> memref<1x!tpu.dma_semaphore, #tpu.memory_space<semaphore_mem>>
      %dma_start3A_1631 = tpu.memref_squeeze %dma_start3A_1630 : memref<1x!tpu.dma_semaphore, #tpu.memory_space<semaphore_mem>> -> memref<!tpu.dma_semaphore, #tpu.memory_space<semaphore_mem>>
      %dma_start3A_1632 = arith.constant 0 : i32
      %dma_start3A_1633 = arith.constant 0 : i32
      %dma_start3A_1634 = tpu.memref_slice %arg4[%add3A, %mul3A_1629, %dma_start3A_1632, %dma_start3A_1633] : memref<32x384x56x56xf32, #tpu.memory_space<hbm>> -> memref<1x4x56x56xf32, #tpu.memory_space<hbm>>
      %dma_start3A_1635 = tpu.memref_squeeze %dma_start3A_1634 : memref<1x4x56x56xf32, #tpu.memory_space<hbm>> -> memref<4x56x56xf32, #tpu.memory_space<hbm>>
      %dma_start3A_1636 = arith.constant 0 : i32
      %dma_start3A_1637 = arith.constant 0 : i32
      %dma_start3A_1638 = arith.constant 0 : i32
      %dma_start3A_1639 = arith.constant 0 : i32
      %dma_start3A_1640 = tpu.memref_slice %arg6[%arg1, %dma_start3A_1636, %dma_start3A_1637, %dma_start3A_1638, %dma_start3A_1639] : memref<16x4x4x56x56xf32, #tpu.memory_space<vmem_shared>> -> memref<1x4x4x56x56xf32, #tpu.memory_space<vmem_shared>>
      %dma_start3A_1641 = tpu.memref_squeeze %dma_start3A_1640 : memref<1x4x4x56x56xf32, #tpu.memory_space<vmem_shared>> -> memref<4x4x56x56xf32, #tpu.memory_space<vmem_shared>>
      %dma_start3A_1642 = arith.constant 0 : i32
      %dma_start3A_1643 = arith.constant 0 : i32
      %dma_start3A_1644 = arith.constant 0 : i32
      %dma_start3A_1645 = tpu.memref_slice %dma_start3A_1641[%select_n3A_1507, %dma_start3A_1642, %dma_start3A_1643, %dma_start3A_1644] : memref<4x4x56x56xf32, #tpu.memory_space<vmem_shared>> -> memref<1x4x56x56xf32, #tpu.memory_space<vmem_shared>>
      %dma_start3A_1646 = tpu.memref_squeeze %dma_start3A_1645 : memref<1x4x56x56xf32, #tpu.memory_space<vmem_shared>> -> memref<4x56x56xf32, #tpu.memory_space<vmem_shared>>
      tpu.enqueue_dma source(%dma_start3A_1646 : memref<4x56x56xf32, #tpu.memory_space<vmem_shared>>) target(%dma_start3A_1635 : memref<4x56x56xf32, #tpu.memory_space<hbm>>) target_semaphore(%dma_start3A_1631 : memref<!tpu.dma_semaphore, #tpu.memory_space<semaphore_mem>>)
      %scan3A_1647 = arith.constant 0 : i32
      scf.yield %scan3A_1647 : i32
    }
    %scan3A_981 = arith.constant 23 : i32
    %dma_wait3A_982 = arith.constant 2 : i32
    %dma_wait3A_983 = arith.constant 0 : i32
    %dma_wait3A_984 = arith.constant 2 : i32
    %dma_wait3A_985 = tpu.memref_slice %arg8[%dma_wait3A_984] : memref<4x!tpu.dma_semaphore, #tpu.memory_space<semaphore_mem>> -> memref<1x!tpu.dma_semaphore, #tpu.memory_space<semaphore_mem>>
    %dma_wait3A_986 = tpu.memref_squeeze %dma_wait3A_985 : memref<1x!tpu.dma_semaphore, #tpu.memory_space<semaphore_mem>> -> memref<!tpu.dma_semaphore, #tpu.memory_space<semaphore_mem>>
    %dma_wait3A_987 = arith.constant 0 : i32
    %dma_wait3A_988 = arith.constant 0 : i32
    %dma_wait3A_989 = arith.constant 0 : i32
    %dma_wait3A_990 = tpu.memref_slice %arg4[%dma_wait3A_983, %dma_wait3A_987, %dma_wait3A_988, %dma_wait3A_989] : memref<32x384x56x56xf32, #tpu.memory_space<hbm>> -> memref<1x4x56x56xf32, #tpu.memory_space<hbm>>
    %dma_wait3A_991 = tpu.memref_squeeze %dma_wait3A_990 : memref<1x4x56x56xf32, #tpu.memory_space<hbm>> -> memref<4x56x56xf32, #tpu.memory_space<hbm>>
    %dma_wait3A_992 = arith.constant 0 : i32
    %dma_wait3A_993 = arith.constant 0 : i32
    %dma_wait3A_994 = arith.constant 0 : i32
    %dma_wait3A_995 = arith.constant 0 : i32
    %dma_wait3A_996 = tpu.memref_slice %arg6[%arg1, %dma_wait3A_992, %dma_wait3A_993, %dma_wait3A_994, %dma_wait3A_995] : memref<16x4x4x56x56xf32, #tpu.memory_space<vmem_shared>> -> memref<1x4x4x56x56xf32, #tpu.memory_space<vmem_shared>>
    %dma_wait3A_997 = tpu.memref_squeeze %dma_wait3A_996 : memref<1x4x4x56x56xf32, #tpu.memory_space<vmem_shared>> -> memref<4x4x56x56xf32, #tpu.memory_space<vmem_shared>>
    %dma_wait3A_998 = arith.constant 0 : i32
    %dma_wait3A_999 = arith.constant 0 : i32
    %dma_wait3A_1000 = arith.constant 0 : i32
    %dma_wait3A_1001 = tpu.memref_slice %dma_wait3A_997[%dma_wait3A_982, %dma_wait3A_998, %dma_wait3A_999, %dma_wait3A_1000] : memref<4x4x56x56xf32, #tpu.memory_space<vmem_shared>> -> memref<1x4x56x56xf32, #tpu.memory_space<vmem_shared>>
    %dma_wait3A_1002 = tpu.memref_squeeze %dma_wait3A_1001 : memref<1x4x56x56xf32, #tpu.memory_space<vmem_shared>> -> memref<4x56x56xf32, #tpu.memory_space<vmem_shared>>
    tpu.wait_dma2 semaphore(%dma_wait3A_986 : memref<!tpu.dma_semaphore, #tpu.memory_space<semaphore_mem>>) src(%dma_wait3A_1002 : memref<4x56x56xf32, #tpu.memory_space<vmem_shared>>) dst(%dma_wait3A_991 : memref<4x56x56xf32, #tpu.memory_space<hbm>>)
    %dma_wait3A_1003 = arith.constant 3 : i32
    %dma_wait3A_1004 = arith.constant 0 : i32
    %dma_wait3A_1005 = arith.constant 3 : i32
    %dma_wait3A_1006 = tpu.memref_slice %arg8[%dma_wait3A_1005] : memref<4x!tpu.dma_semaphore, #tpu.memory_space<semaphore_mem>> -> memref<1x!tpu.dma_semaphore, #tpu.memory_space<semaphore_mem>>
    %dma_wait3A_1007 = tpu.memref_squeeze %dma_wait3A_1006 : memref<1x!tpu.dma_semaphore, #tpu.memory_space<semaphore_mem>> -> memref<!tpu.dma_semaphore, #tpu.memory_space<semaphore_mem>>
    %dma_wait3A_1008 = arith.constant 0 : i32
    %dma_wait3A_1009 = arith.constant 0 : i32
    %dma_wait3A_1010 = arith.constant 0 : i32
    %dma_wait3A_1011 = tpu.memref_slice %arg4[%dma_wait3A_1004, %dma_wait3A_1008, %dma_wait3A_1009, %dma_wait3A_1010] : memref<32x384x56x56xf32, #tpu.memory_space<hbm>> -> memref<1x4x56x56xf32, #tpu.memory_space<hbm>>
    %dma_wait3A_1012 = tpu.memref_squeeze %dma_wait3A_1011 : memref<1x4x56x56xf32, #tpu.memory_space<hbm>> -> memref<4x56x56xf32, #tpu.memory_space<hbm>>
    %dma_wait3A_1013 = arith.constant 0 : i32
    %dma_wait3A_1014 = arith.constant 0 : i32
    %dma_wait3A_1015 = arith.constant 0 : i32
    %dma_wait3A_1016 = arith.constant 0 : i32
    %dma_wait3A_1017 = tpu.memref_slice %arg6[%arg1, %dma_wait3A_1013, %dma_wait3A_1014, %dma_wait3A_1015, %dma_wait3A_1016] : memref<16x4x4x56x56xf32, #tpu.memory_space<vmem_shared>> -> memref<1x4x4x56x56xf32, #tpu.memory_space<vmem_shared>>
    %dma_wait3A_1018 = tpu.memref_squeeze %dma_wait3A_1017 : memref<1x4x4x56x56xf32, #tpu.memory_space<vmem_shared>> -> memref<4x4x56x56xf32, #tpu.memory_space<vmem_shared>>
    %dma_wait3A_1019 = arith.constant 0 : i32
    %dma_wait3A_1020 = arith.constant 0 : i32
    %dma_wait3A_1021 = arith.constant 0 : i32
    %dma_wait3A_1022 = tpu.memref_slice %dma_wait3A_1018[%dma_wait3A_1003, %dma_wait3A_1019, %dma_wait3A_1020, %dma_wait3A_1021] : memref<4x4x56x56xf32, #tpu.memory_space<vmem_shared>> -> memref<1x4x56x56xf32, #tpu.memory_space<vmem_shared>>
    %dma_wait3A_1023 = tpu.memref_squeeze %dma_wait3A_1022 : memref<1x4x56x56xf32, #tpu.memory_space<vmem_shared>> -> memref<4x56x56xf32, #tpu.memory_space<vmem_shared>>
    tpu.wait_dma2 semaphore(%dma_wait3A_1007 : memref<!tpu.dma_semaphore, #tpu.memory_space<semaphore_mem>>) src(%dma_wait3A_1023 : memref<4x56x56xf32, #tpu.memory_space<vmem_shared>>) dst(%dma_wait3A_1012 : memref<4x56x56xf32, #tpu.memory_space<hbm>>)
    return
  }
}

</mosaic_0001>

<sc_bundles>
// kernel: kernel.3.cloned.1.call-start
scs
__scs_entry_jumppad:
0x0: {  	(pc) =	sbr.rel $0x88, $3  }
0x1: {  	(tag) =	ssettag $0x0;
	lr =	simm.s32 $0x1  }
0x2: {  	[smem:$0x3F9F] =	sst lr;
	_ =	strace $0xD0000000  }
0x3: {  	_ = 	snop  }
0x4: {  	_ = 	snop  }
0x5: {  	_ = 	snop  }
0x6: {  	_ = 	snop  }
0x7: {  	_ = 	snop  }
__scs_overlays_trampoline_lowered:
0x8: {  	[smem:$0x3FAE] =	sst s0  }
0x9: {  	[smem:$0x3FAF] =	sst s1  }
0xa: {  	[smem:$0x3FB0] =	sst s2  }
0xb: {  	[smem:$0x3FB1] =	sst s3  }
0xc: {  	[smem:$0x3FB2] =	sst s4  }
0xd: {  	[smem:$0x3FB3] =	sst s5  }
0xe: {  	[smem:$0x3FB4] =	sst s6  }
0xf: {  	[smem:$0x3FB5] =	sst s7  }
0x10: {  	[smem:$0x3FB6] =	sst s8  }
0x11: {  	[smem:$0x3FB7] =	sst s9;
	s0 =	simm.s32 @!p0 $0x0  }
0x12: {  	s1 =	sld [smem:$0x3F9D];
	s0 =	simm.s32 @p0 $0x1  }
0x13: {  	[smem:$0x3FB8] =	sst s0;
	s0 =	simm.s32 @!p1 $0x0  }
0x14: {  	s2 =	sld [smem:$0x3F9C];
	s0 =	simm.s32 @p1 $0x1  }
0x15: {  	[smem:$0x3FB9] =	sst s0;
	s0 =	simm.s32 @!p2 $0x0  }
0x16: {  	s3 =	sld [smem:$0x3FDB];
	s0 =	simm.s32 @p2 $0x1  }
0x17: {  	s4 =	simm.s32 $0x1BF5;
	[smem:$0x3FBB] =	sst s0  }
0x18: {  	s0 =	sld [smem:$0x3F9E];
	_ =	swait.ge [sflag:s4], $0x0  }
0x19: {  	s7 =	sld [smem:$0x3F9F]  }
0x1a: {  	s8 =	sadd.s32 $0xFFFFE003, lr  }
0x1b: {  	s9 =	sadd.s32 $0xFFFFFEF7, lr;
	s5 =	simm.s32 $0xFFFFFFFF;
	p2 =	slt.u32 s8, $0xFFFFF086  }
0x1c: {  	p1 =	slt.u32 s9, $0xF7A;
	s5 =	simm.s32 @!p2 $0x0  }
0x1d: {  	s5 =	simm.s32 @p1 $0x1;
	p0 =	seq.s32 s7, s2  }
0x1e: {  	s7 =	smul.u32 @!p0 $0xF7A, s2;
	p2 =	seq.s32 @!p0 s5, $0x0  }
0x1f: {  	s9 =	smul.u32 $0xF7A, s1;
	s8 =	simm.s32 @!p0 $0x1BF5;
	p2 =	por !p2, p0  }
0x20: {  	[sflag:s8] =	ssyncset.s32 @!p0 $0xFFFFF086;
	s6 =	sadd.s32 @!p0 s3, s7;
	s7 =	simm.s32 @!p0 $0x108  }
0x21: {  	s3 =	sadd.s32 s3, s9;
	s6 =	sadd.s32 @!p0 $0x88, s6;
	s7 =	simm.s32 @p2 $0x1082  }
0x22: {  	[simem:s7], [sflag:s8] =	dma.local @!p0 [hbm:s6], $0xF7A  }
0x23: {  	s9 =	sor.u32 $0xD0000000, s2;
	s6 =	simm.s32 $0x108;
	_ =	swait.ge @!p0 [sflag:s8], $0x0  }
0x24: {  	s3 =	sadd.s32 $0x88, s3;
	s6 =	simm.s32 @!p1 $0x1082;
	[sflag:s4] =	ssyncset.s32 $0xFFFFF086  }
0x25: {  	[simem:s6], [sflag:s4] =	dma.local [hbm:s3], $0xF7A  }
0x26: {  	[smem:$0x3F9F] =	sst s1;
	(tag) =	ssettag s2;
	_ =	strace s9  }
0x27: {  	s1 =	sld [smem:$0x3FAF]  }
0x28: {  	s2 =	sld [smem:$0x3FB0]  }
0x29: {  	s4 =	sld [smem:$0x3FB2]  }
0x2a: {  	p0 =	seq.s32 s5, $0x0;
	s5 =	sld [smem:$0x3FB3]  }
0x2b: {  	s6 =	sld [smem:$0x3FB4]  }
0x2c: {  	s7 =	sld [smem:$0x3FB5]  }
0x2d: {  	s3 =	simm.s32 $0x108;
	s8 =	sld [smem:$0x3FB6]  }
0x2e: {  	s3 =	simm.s32 @!p0 $0x1082;
	s9 =	sld [smem:$0x3FB7]  }
0x2f: {  	lr =	sadd.s32 s0, s3;
	s0 =	sld [smem:$0x3FAE]  }
0x30: {  	s3 =	sld [smem:$0x3FB1]  }
0x31: {  	[smem:$0x3FBA] =	sst s10  }
0x32: {  	s10 =	sld [smem:$0x3FB8];
	_ =	sdelay $0x3  }
0x33: {  	p0 =	seq.s32 s10, $0x1;
	s10 =	sld [smem:$0x3FBA];
	_ =	sdelay $0x3  }
0x34: {  	[smem:$0x3FBA] =	sst s10  }
0x35: {  	s10 =	sld [smem:$0x3FB9];
	_ =	sdelay $0x3  }
0x36: {  	p1 =	seq.s32 s10, $0x1;
	s10 =	sld [smem:$0x3FBA];
	_ =	sdelay $0x3  }
0x37: {  	[smem:$0x3FBA] =	sst s10  }
0x38: {  	s10 =	sld [smem:$0x3FBB]  }
0x39: {  	_ = 	snop;
	(pc) =	sbr.ind lr, $3  }
0x3a: {  	_ = 	snop  }
0x3b: {  	_ = 	snop  }
0x3c: {  	p2 =	seq.s32 s10, $0x1;
	s10 =	sld [smem:$0x3FBA]  }
0x3d: {  	_ =	shalt  }
0x3e: {  	_ =	shalt  }
0x3f: {  	_ =	shalt  }
0x40: {  	_ =	shalt  }
0x41: {  	_ =	shalt  }
0x42: {  	_ =	shalt  }
0x43: {  	_ =	shalt  }
0x44: {  	_ =	shalt  }
0x45: {  	_ =	shalt  }
0x46: {  	_ =	shalt  }
0x47: {  	_ =	shalt  }
0x48: {  	_ =	shalt  }
0x49: {  	_ =	shalt  }
0x4a: {  	_ =	shalt  }
0x4b: {  	_ =	shalt  }
0x4c: {  	_ =	shalt  }
0x4d: {  	_ =	shalt  }
0x4e: {  	_ =	shalt  }
0x4f: {  	_ =	shalt  }
0x50: {  	_ =	shalt  }
0x51: {  	_ =	shalt  }
0x52: {  	_ =	shalt  }
0x53: {  	_ =	shalt  }
0x54: {  	_ =	shalt  }
0x55: {  	_ =	shalt  }
0x56: {  	_ =	shalt  }
0x57: {  	_ =	shalt  }
0x58: {  	_ =	shalt  }
0x59: {  	_ =	shalt  }
0x5a: {  	_ =	shalt  }
0x5b: {  	_ =	shalt  }
0x5c: {  	_ =	shalt  }
0x5d: {  	_ =	shalt  }
0x5e: {  	_ =	shalt  }
0x5f: {  	_ =	shalt  }
0x60: {  	_ =	shalt  }
0x61: {  	_ =	shalt  }
0x62: {  	_ =	shalt  }
0x63: {  	_ =	shalt  }
0x64: {  	_ =	shalt  }
0x65: {  	_ =	shalt  }
0x66: {  	_ =	shalt  }
0x67: {  	_ =	shalt  }
0x68: {  	_ =	shalt  }
0x69: {  	_ =	shalt  }
0x6a: {  	_ =	shalt  }
0x6b: {  	_ =	shalt  }
0x6c: {  	_ =	shalt  }
0x6d: {  	_ =	shalt  }
0x6e: {  	_ =	shalt  }
0x6f: {  	_ =	shalt  }
0x70: {  	_ =	shalt  }
0x71: {  	_ =	shalt  }
0x72: {  	_ =	shalt  }
0x73: {  	_ =	shalt  }
0x74: {  	_ =	shalt  }
0x75: {  	_ =	shalt  }
0x76: {  	_ =	shalt  }
0x77: {  	_ =	shalt  }
0x78: {  	_ =	shalt  }
0x79: {  	_ =	shalt  }
0x7a: {  	_ =	shalt  }
0x7b: {  	_ =	shalt  }
0x7c: {  	_ =	shalt  }
0x7d: {  	_ =	shalt  }
0x7e: {  	_ =	shalt  }
0x7f: {  	_ =	shalt  }
0x80: {  	_ =	shalt  }
0x81: {  	_ =	shalt  }
0x82: {  	_ =	shalt  }
0x83: {  	_ =	shalt  }
0x84: {  	_ =	shalt  }
0x85: {  	_ =	shalt  }
0x86: {  	_ =	shalt  }
0x87: {  	_ =	shalt  }
.Lfunc_end0:
.L_simem_size_0:
called_computation_lowered:
.L_overlay_start_0:
0x88: {  	s2 =	sld [smem:$0x3FD9]  }
0x89: {  	s3 =	sld [smem:$0x3FFE];
	_ =	sdelay $0x1  }
0x8a: {  	s1 =	srdreg.scid  }
0x8b: {  	s0 =	sand.u32 $0x1, s1  }
0x8c: {  	s17 =	sshll.u32 s0, $0xA;
	s2 =	sadd.s32 s3, s2  }
0x8d: {  	s2 =	sadd.s32 s2, s17  }
0x8e: {  	[smem:$0x3FC6] =	sst s2  }
0x8f: {  	_ = 	snop  }
0x90: {  	s2 =	sld [smem:$0x3FC8];
	(tm) =	ssettm $0x1  }
0x91: {  	s18 =	sld [smem:$0x3FFB];
	_ =	sdelay $0x3  }
0x92: {  	_ =	strace s18  }
0x93: {  	s3 =	sld [smem:$0x3FFC];
	_ =	sdelay $0x3  }
0x94: {  	_ =	strace s3  }
0x95: {  	s3 =	sld [smem:$0x3FFD];
	_ =	sdelay $0x3  }
0x96: {  	_ =	strace s3  }
0x97: {  	_ =	strace $0x8FFFFFFF  }
0x98: {  	s19 =	sld [smem:$0x3FDB];
	_ =	sdelay $0x1  }
0x99: {  	s4 =	simm.s32 $_scs_section_size  }
0x9a: {  	s5 =	simm.s32 $_size__tile_overlayer_lowered;
	s6 =	simm.s32 $_tile_overlayer_lowered  }
0x9b: {  	s22 =	simm.s32 $0x1BFF;
	s21 =	sshll.u32 s6, $0x1;
	s3 =	sadd.s32 s4, s19  }
0x9c: {  	s7 =	simm.s32 $0x0;
	s20 =	sshll.u32 s5, $0x1;
	s5 =	sadd.s32 s21, s3  }
0x9d: {  	[timem:s7], [sflag:s22] =	dma.local [hbm:s5], s20  }
0x9e: {  	_ =	swait.ge [sflag:s22], s20  }
0x9f: {  	s4 =	ssub.s32 $0x0, s20;
	[sflag:s22] =	ssyncset.done $0x0  }
0xa0: {  	[sflag:s22] =	ssyncadd.s32 s4;
	_ =	sdelay $0x1  }
0xa1: {  	s23 =	simm.s32 $0x1B8B  }
0xa2: {  	_ =	swait.ge [sflag:s23], $0x1  }
0xa3: {  	[sflag:s23] =	ssyncset.done $0x0  }
0xa4: {  	s25 =	simm.s32 $0x1B8E;
	s24 =	sld [smem:$0x3FFE];
	[sflag:s23] =	ssyncadd.s32 $0xFFFFFFFF  }
0xa5: {  	s26 =	simm.s32 $execute0_lowered;
	[smem:$0x3FD2] =	sst s25  }
0xa6: {  	s5 =	sshll.u32 s26, $0x1;
	_ =	strace $0x80000046;
	[dreg:$0x1] =	wrdreg $0xFFFFFFFF  }
0xa7: {  	s28 =	simm.s32 $_size_execute0_lowered;
	s3 =	sadd.s32 s3, s5;
	[dreg:$0x0] =	wrdreg $0x0  }
0xa8: {  	s5 =	sshll.u32 s28, $0x1;
	[dreg:$0x2] =	wrdreg s3  }
0xa9: {  	[dreg:$0x3] =	wrdreg s5  }
0xaa: {  	[dreg:$0x4] =	wrdreg $0xC0  }
0xab: {  	_ =	task [dreg:s7], $0x5FFFF  }
0xac: {  	[dreg:$0x1] =	wrdreg $0xFFFFFFFF  }
0xad: {  	[dreg:$0x0] =	wrdreg $0x60  }
0xae: {  	[dreg:$0x2] =	wrdreg s24  }
0xaf: {  	[dreg:$0x3] =	wrdreg s2  }
0xb0: {  	[dreg:$0x4] =	wrdreg $0x2000  }
0xb1: {  	[dreg:$0x5] =	wrdreg $0x9  }
0xb2: {  	_ =	task.clear_ibuf [dreg:s7], $0x6FFFF;
	_ =	strace $0x90000046  }
0xb3: {  	s29 =	simm.s32 $0x9;
	_ =	strace $0x80000048  }
0xb4: {  	_ =	swait.ge [sflag:s29], $0x1  }
0xb5: {  	[sflag:s29] =	ssyncadd.s32 $0xFFFFFFFF  }
0xb6: {  	_ =	strace $0x90000048  }
0xb7: {  	_ =	sfence  }
0xb8: {  	s30 =	sld [smem:$0x0];
	_ =	sdelay $0x2  }
0xb9: {  	s31 =	sshll.u32 s1, $0xD;
	s1 =	sshrl.u32 s1, $0x2  }
0xba: {  	s3 =	sand.u32 $0x4000, s31;
	s1 =	sadd.s32 s1, s30  }
0xbb: {  	s0 =	sor.u32 s3, s0;
	s1 =	sshll.u32 s1, $0x11  }
0xbc: {  	s0 =	sor.u32 s1, s0  }
0xbd: {  	s0 =	sadd.s32 $0x8F2B, s0  }
0xbe: {  	[sflag:s0] =	ssyncadd.remote.s32 $0x1  }
0xbf: {  	_ =	sfence.sel $0xFFFF  }
0xc0: {  	[dreg:$0x0] =	wrdreg $0xFFFFFFFF;
	(pc) =	sbr.abs _section_cstart, $3  }
0xc1: {  	[dreg:$0x1] =	wrdreg $0xFFFFFFFF  }
0xc2: {  	_ =	task.clear_ibuf [dreg:s7], $0x2FFFF;
	_ =	strace $0x9FFFFFFF  }
0xc3: {  	(tm) =	ssettm $0x7FFFFFFF  }
tec
execute0_lowered:
.L_overlay_start_1:
0x0: {  	(tag) =	ssettag $0x1  }
0x1: {  	s0 =	rddreg [dreg:$0x0];
	s8 =	stileid.u32  }
0x2: {  	s1 =	rddreg [dreg:$0x2];
	s2 =	simm.s32 $0x0;
	s3 =	smul.u32 $0x70000, s8  }
0x3: {  	s19 =	srdreg.scid;
	s29 =	simm.s32 $0x1;
	s30 =	simm.s32 $0x2  }
0x4: {  	[smem:$0x7FF] =	sst s2;
	s2 =	sand.u32 $0x1, s19;
	s3 =	sshrl.u32 s3, $0x2  }
0x5: {  	s4 =	sadd.s32 $0x400, s0;
	s0 =	sadd.s32 $0xA80400, s0;
	s18 =	sadd.s32 s3, s1  }
0x6: {  	s7 =	sshll.u32 s8, $0x1;
	s21 =	smul.u32 $0x540000, s8;
	s3 =	sadd.s32 $0xE000, s18  }
0x7: {  	_ =	strace $0x80000047;
	s22 =	sadd.s32 $0xFC00, s18;
	[dreg:$0x14] =	wrdreg s3  }
0x8: {  	s5 =	ssub.s32 $0x2, s2;
	s23 =	sadd.s32 $0x11800, s18;
	[dreg:$0x15] =	wrdreg s22  }
0x9: {  	s20 =	sor.u32 s2, s7;
	s26 =	sadd.s32 $0x13400, s18;
	[dreg:$0x16] =	wrdreg s23  }
0xa: {  	s2 =	smul.u32 $0x2A0000, s2;
	s10 =	sadd.s32 $0x15000, s18;
	[dreg:$0x17] =	wrdreg s26  }
0xb: {  	s6 =	sshrl.u32 s5, $0x1;
	s14 =	sadd.s32 $0x16C00, s18;
	[dreg:$0x19] =	wrdreg s10  }
0xc: {  	s1 =	sadd.s32 s2, s21;
	s21 =	sadd.s32 $0x18800, s18;
	[dreg:$0x1a] =	wrdreg s14  }
0xd: {  	s5 =	ssub.s32 s5, s6;
	s11 =	sadd.s32 $0x3800, s18;
	[dreg:$0x1b] =	wrdreg s21  }
0xe: {  	s6 =	smul.u32 $0x2A0000, s20;
	s9 =	sadd.s32 $0x7000, s18;
	[smem:$0x7F9] =	sst s11  }
0xf: {  	s15 =	sadd.s32 $0x1C00, s18;
	s20 =	sadd.s32 $0xC400, s18;
	[smem:$0x7FA] =	sst s9  }
0x10: {  	s13 =	sadd.s32 $0x8C00, s18;
	s31 =	sadd.s32 $0xA800, s18;
	[smem:$0x7FB] =	sst s20  }
0x11: {  	s8 =	sadd.s32 $0x2A000, s1;
	s12 =	sadd.s32 $0x23000, s1;
	[smem:$0x7FC] =	sst s31  }
0x12: {  	s17 =	sor.u32 $0x1C000, s1;
	s22 =	sadd.s32 $0x1A400, s18;
	[smem:$0x7FD] =	sst s13  }
0x13: {  	s2 =	sshrl.u32 s8, $0x3;
	s26 =	smax.u32 s5, $0x1;
	[dreg:$0x1c] =	wrdreg s22  }
0x14: {  	s3 =	sshrl.u32 s12, $0x3;
	s2 =	sadd.s32 s2, s0;
	[dreg:$0x1f] =	wrdreg s26  }
0x15: {  	s25 =	sshrl.u32 s6, $0x3;
	s16 =	sadd.s32 s3, s0;
	[dreg:$0x4] =	wrdreg s2  }
0x16: {  	s19 =	sshrl.u32 s17, $0x3;
	s28 =	sadd.s32 s0, s25;
	[dreg:$0x5] =	wrdreg s16  }
0x17: {  	s1 =	sadd.s32 $0x31000, s1;
	s2 =	sadd.s32 s19, s0;
	[dreg:$0x18] =	wrdreg s28  }
0x18: {  	s1 =	sshrl.u32 s1, $0x3;
	s23 =	sadd.s32 $0xE00, s28;
	[dreg:$0x6] =	wrdreg s2  }
0x19: {  	s24 =	sadd.s32 $0x5400, s18;
	s0 =	sadd.s32 s1, s0;
	[dreg:$0x1d] =	wrdreg s23  }
0x1a: {  	s8 =	simm.s32 $0x0;
	s25 =	sadd.s32 $0x1C00, s28;
	[dreg:$0x7] =	wrdreg s0  }
0x1b: {  	s3 =	simm.s32 $0x4;
	s28 =	sadd.s32 $0x2A00, s28;
	[dreg:$0x1e] =	wrdreg s25  }
0x1c: {  	[smem:$0x7F8] =	sst s28;
	s2 =	simm.s32 $0x5;
	s0 =	simm.s32 $0x3  }
.LBB2_1:
0x1d: {  	[smem:$0x7F4] =	sst s8  }
0x1e: {  	s5 =	rddreg [dreg:$0x1];
	s7 =	simm.s32 $0x0;
	s1 =	simm.s32 $0x9  }
0x1f: {  	[tilespmem:s7], [sflag:$0x9] =	stream.linear.gather [hbm4b:s5+s7], $0x180, $0x38;
	[tilespmem:$0xC600] =	vst v63  }
0x20: {  	_ =	swait.ge [sflag:s1], $0x180  }
0x21: {  	[sflag:s1] =	ssyncset.done $0x0  }
0x22: {  	[sflag:s1] =	ssyncadd.s32 $0xFFFFFE80  }
0x23: {  	v0 =	vld [tilespmem:$0x0];
	_ =	sdelay $0x4  }
0x24: {  	v0 =	vmul.u32 $0x1C00, v0;
	_ =	sdelay $0x1  }
0x25: {  	v0 =	vadd.s32 s6, v0  }
0x26: {  	v0 =	vshrl.u32 v0, $0x3  }
0x27: {  	v0 =	vadd.s32 s4, v0  }
0x28: {  	(v2sf) =	vpush v0, $0x0;
	_ =	sdelay $0xc  }
0x29: {  	s26 =	stileid.u32  }
0x2a: {  	s10 =	sshll.u32 s26, $0x6  }
0x2b: {  	s17 =	sshrl.u32 s18, $0x3;
	s16 =	sor.u32 $0x1C01, s10;
	s1 =	spop (v2sf)  }
0x2c: {  	[spmem:s17], [sflag:s16] =	dma.local [hbm:s1], $0x380  }
0x2d: {  	(v2sf) =	vpush v0, $0x1;
	_ =	sdelay $0xe  }
0x2e: {  	s12 =	sshrl.u32 s15, $0x3;
	s5 =	spop (v2sf)  }
0x2f: {  	[spmem:s12], [sflag:s16] =	dma.local [hbm:s5], $0x380  }
0x30: {  	(v2sf) =	vpush v0, $0x2;
	_ =	sdelay $0xe  }
0x31: {  	s11 =	sshrl.u32 s11, $0x3;
	s5 =	spop (v2sf)  }
0x32: {  	[spmem:s11], [sflag:s16] =	dma.local [hbm:s5], $0x380  }
0x33: {  	(v2sf) =	vpush v0, $0x3;
	_ =	sdelay $0xe  }
0x34: {  	s14 =	sshrl.u32 s24, $0x3;
	s5 =	spop (v2sf)  }
0x35: {  	[spmem:s14], [sflag:s16] =	dma.local [hbm:s5], $0x380  }
0x36: {  	v57 =	vld [tilespmem:$0x4];
	_ =	sdelay $0x4  }
0x37: {  	v0 =	vmul.u32 $0x1C00, v57;
	_ =	sdelay $0x1  }
0x38: {  	v0 =	vadd.s32 s6, v0  }
0x39: {  	v0 =	vshrl.u32 v0, $0x3  }
0x3a: {  	v0 =	vadd.s32 s4, v0  }
0x3b: {  	(v2sf) =	vpush v0, $0x0;
	_ =	sdelay $0xe  }
0x3c: {  	s23 =	sshrl.u32 s9, $0x3;
	s19 =	sor.u32 $0x1C02, s10;
	s5 =	spop (v2sf)  }
0x3d: {  	[spmem:s23], [sflag:s19] =	dma.local [hbm:s5], $0x380  }
0x3e: {  	(v2sf) =	vpush v0, $0x1;
	_ =	sdelay $0xd  }
0x3f: {  	s7 =	sshrl.u32 s13, $0x3  }
0x40: {  	[smem:$0x7F5] =	sst s7;
	s5 =	spop (v2sf)  }
0x41: {  	[spmem:s7], [sflag:s19] =	dma.local [hbm:s5], $0x380  }
0x42: {  	(v2sf) =	vpush v0, $0x2;
	_ =	sdelay $0xd  }
0x43: {  	s8 =	sshrl.u32 s31, $0x3  }
0x44: {  	[smem:$0x7F6] =	sst s8;
	s5 =	spop (v2sf)  }
0x45: {  	[spmem:s8], [sflag:s19] =	dma.local [hbm:s5], $0x380  }
0x46: {  	(v2sf) =	vpush v0, $0x3;
	_ =	sdelay $0xd  }
0x47: {  	s9 =	sshrl.u32 s20, $0x3  }
0x48: {  	[smem:$0x7F7] =	sst s9;
	s5 =	spop (v2sf)  }
0x49: {  	[spmem:s9], [sflag:s19] =	dma.local [hbm:s5], $0x380  }
0x4a: {  	v58 =	vld [tilespmem:$0x8];
	_ =	sdelay $0x4  }
0x4b: {  	v0 =	vmul.u32 $0x1C00, v58;
	_ =	sdelay $0x1  }
0x4c: {  	v0 =	vadd.s32 s6, v0  }
0x4d: {  	v0 =	vshrl.u32 v0, $0x3  }
0x4e: {  	v0 =	vadd.s32 s4, v0  }
0x4f: {  	(v2sf) =	vpush v0, $0x0;
	_ =	sdelay $0xd  }
0x50: {  	s1 =	rddreg [dreg:$0x14]  }
0x51: {  	s21 =	sor.u32 $0x1C03, s10;
	s22 =	sshrl.u32 s1, $0x3;
	s5 =	spop (v2sf)  }
0x52: {  	[spmem:s22], [sflag:s21] =	dma.local [hbm:s5], $0x380  }
0x53: {  	(v2sf) =	vpush v0, $0x1;
	_ =	sdelay $0xc  }
0x54: {  	s13 =	rddreg [dreg:$0x15]  }
0x55: {  	s1 =	sshrl.u32 s13, $0x3  }
0x56: {  	[dreg:$0xa] =	wrdreg s1;
	s5 =	spop (v2sf)  }
0x57: {  	[spmem:s1], [sflag:s21] =	dma.local [hbm:s5], $0x380  }
0x58: {  	(v2sf) =	vpush v0, $0x2;
	_ =	sdelay $0xd  }
0x59: {  	s1 =	rddreg [dreg:$0x16]  }
0x5a: {  	s25 =	sshrl.u32 s1, $0x3;
	s5 =	spop (v2sf)  }
0x5b: {  	[spmem:s25], [sflag:s21] =	dma.local [hbm:s5], $0x380  }
0x5c: {  	(v2sf) =	vpush v0, $0x3;
	_ =	sdelay $0xd  }
0x5d: {  	s20 =	rddreg [dreg:$0x17]  }
0x5e: {  	s9 =	sshrl.u32 s20, $0x3;
	s5 =	spop (v2sf)  }
0x5f: {  	[spmem:s9], [sflag:s21] =	dma.local [hbm:s5], $0x380  }
0x60: {  	_ =	swait.ge [sflag:s29], $0x380  }
0x61: {  	[sflag:s29] =	ssyncset.done $0x0  }
0x62: {  	[sflag:s29] =	ssyncadd.s32 $0xFFFFFC80  }
0x63: {  	_ =	swait.ge [sflag:s29], $0x380  }
0x64: {  	[sflag:s29] =	ssyncset.done $0x0  }
0x65: {  	[sflag:s29] =	ssyncadd.s32 $0xFFFFFC80  }
0x66: {  	_ =	swait.ge [sflag:s29], $0x380  }
0x67: {  	[sflag:s29] =	ssyncset.done $0x0  }
0x68: {  	[sflag:s29] =	ssyncadd.s32 $0xFFFFFC80  }
0x69: {  	_ =	swait.ge [sflag:s29], $0x380  }
0x6a: {  	[sflag:s29] =	ssyncset.done $0x0  }
0x6b: {  	s20 =	sor.u32 $0x1C05, s10;
	s26 =	rddreg [dreg:$0x18];
	[sflag:s29] =	ssyncadd.s32 $0xFFFFFC80  }
0x6c: {  	[hbm:s26], [sflag:s20] =	dma.local [spmem:s17], $0xE00  }
0x6d: {  	v59 =	vld [tilespmem:$0xC];
	_ =	sdelay $0x4  }
0x6e: {  	v0 =	vmul.u32 $0x1C00, v59;
	_ =	sdelay $0x1  }
0x6f: {  	v0 =	vadd.s32 s6, v0  }
0x70: {  	v0 =	vshrl.u32 v0, $0x3  }
0x71: {  	v0 =	vadd.s32 s4, v0  }
0x72: {  	(v2sf) =	vpush v0, $0x0;
	_ =	sdelay $0xd  }
0x73: {  	s1 =	rddreg [dreg:$0x19]  }
0x74: {  	s28 =	sor.u32 $0x1C04, s10;
	s26 =	sshrl.u32 s1, $0x3;
	s1 =	spop (v2sf)  }
0x75: {  	[spmem:s26], [sflag:s28] =	dma.local [hbm:s1], $0x380  }
0x76: {  	(v2sf) =	vpush v0, $0x1;
	_ =	sdelay $0xd  }
0x77: {  	s5 =	rddreg [dreg:$0x1a]  }
0x78: {  	s31 =	sshrl.u32 s5, $0x3;
	s5 =	spop (v2sf)  }
0x79: {  	[spmem:s31], [sflag:s28] =	dma.local [hbm:s5], $0x380  }
0x7a: {  	(v2sf) =	vpush v0, $0x2;
	_ =	sdelay $0xd  }
0x7b: {  	s7 =	rddreg [dreg:$0x1b]  }
0x7c: {  	s5 =	sshrl.u32 s7, $0x3;
	s8 =	spop (v2sf)  }
0x7d: {  	[spmem:s5], [sflag:s28] =	dma.local [hbm:s8], $0x380  }
0x7e: {  	(v2sf) =	vpush v0, $0x3;
	_ =	sdelay $0xd  }
0x7f: {  	s7 =	rddreg [dreg:$0x1c]  }
0x80: {  	s7 =	sshrl.u32 s7, $0x3;
	s13 =	spop (v2sf)  }
0x81: {  	[spmem:s7], [sflag:s28] =	dma.local [hbm:s13], $0x380  }
0x82: {  	_ =	swait.ge [sflag:s30], $0x380  }
0x83: {  	[sflag:s30] =	ssyncset.done $0x0  }
0x84: {  	[sflag:s30] =	ssyncadd.s32 $0xFFFFFC80  }
0x85: {  	_ =	swait.ge [sflag:s30], $0x380  }
0x86: {  	[sflag:s30] =	ssyncset.done $0x0  }
0x87: {  	[sflag:s30] =	ssyncadd.s32 $0xFFFFFC80  }
0x88: {  	_ =	swait.ge [sflag:s30], $0x380  }
0x89: {  	[sflag:s30] =	ssyncset.done $0x0  }
0x8a: {  	[sflag:s30] =	ssyncadd.s32 $0xFFFFFC80  }
0x8b: {  	_ =	swait.ge [sflag:s30], $0x380  }
0x8c: {  	[sflag:s30] =	ssyncset.done $0x0  }
0x8d: {  	s8 =	sor.u32 $0x1C06, s10;
	s13 =	rddreg [dreg:$0x1d];
	[sflag:s30] =	ssyncadd.s32 $0xFFFFFC80  }
0x8e: {  	[hbm:s13], [sflag:s8] =	dma.local [spmem:s23], $0xE00  }
0x8f: {  	_ =	swait.ge [sflag:s2], $0xE00  }
0x90: {  	[sflag:s2] =	ssyncset.done $0x0  }
0x91: {  	[sflag:s2] =	ssyncadd.s32 $0xFFFFF200  }
0x92: {  	v60 =	vld [tilespmem:$0x10];
	_ =	sdelay $0x4  }
0x93: {  	v0 =	vmul.u32 $0x1C00, v60;
	_ =	sdelay $0x1  }
0x94: {  	v0 =	vadd.s32 s6, v0  }
0x95: {  	v0 =	vshrl.u32 v0, $0x3  }
0x96: {  	v0 =	vadd.s32 s4, v0  }
0x97: {  	(v2sf) =	vpush v0, $0x0;
	_ =	sdelay $0xe  }
0x98: {  	s1 =	spop (v2sf)  }
0x99: {  	[spmem:s17], [sflag:s16] =	dma.local [hbm:s1], $0x380  }
0x9a: {  	(v2sf) =	vpush v0, $0x1;
	_ =	sdelay $0xe  }
0x9b: {  	s13 =	spop (v2sf)  }
0x9c: {  	[spmem:s12], [sflag:s16] =	dma.local [hbm:s13], $0x380  }
0x9d: {  	(v2sf) =	vpush v0, $0x2;
	_ =	sdelay $0xe  }
0x9e: {  	s12 =	spop (v2sf)  }
0x9f: {  	[spmem:s11], [sflag:s16] =	dma.local [hbm:s12], $0x380  }
0xa0: {  	(v2sf) =	vpush v0, $0x3;
	_ =	sdelay $0xe  }
0xa1: {  	s11 =	spop (v2sf)  }
0xa2: {  	[spmem:s14], [sflag:s16] =	dma.local [hbm:s11], $0x380  }
0xa3: {  	_ =	swait.ge [sflag:s0], $0x380  }
0xa4: {  	[sflag:s0] =	ssyncset.done $0x0  }
0xa5: {  	[sflag:s0] =	ssyncadd.s32 $0xFFFFFC80  }
0xa6: {  	_ =	swait.ge [sflag:s0], $0x380  }
0xa7: {  	[sflag:s0] =	ssyncset.done $0x0  }
0xa8: {  	[sflag:s0] =	ssyncadd.s32 $0xFFFFFC80  }
0xa9: {  	_ =	swait.ge [sflag:s0], $0x380  }
0xaa: {  	[sflag:s0] =	ssyncset.done $0x0  }
0xab: {  	[sflag:s0] =	ssyncadd.s32 $0xFFFFFC80  }
0xac: {  	s13 =	sor.u32 $0x1C07, s10;
	_ =	swait.ge [sflag:s0], $0x380  }
0xad: {  	[dreg:$0x12] =	wrdreg s13;
	[sflag:s0] =	ssyncset.done $0x0  }
0xae: {  	s14 =	rddreg [dreg:$0x1e];
	[sflag:s0] =	ssyncadd.s32 $0xFFFFFC80  }
0xaf: {  	[hbm:s14], [sflag:s13] =	dma.local [spmem:s22], $0xE00  }
0xb0: {  	s14 =	simm.s32 $0x6  }
0xb1: {  	_ =	swait.ge [sflag:s14], $0xE00  }
0xb2: {  	[sflag:s14] =	ssyncset.done $0x0  }
0xb3: {  	[sflag:s14] =	ssyncadd.s32 $0xFFFFF200  }
0xb4: {  	v61 =	vld [tilespmem:$0x14];
	_ =	sdelay $0x4  }
0xb5: {  	v0 =	vmul.u32 $0x1C00, v61;
	_ =	sdelay $0x1  }
0xb6: {  	v0 =	vadd.s32 s6, v0  }
0xb7: {  	v0 =	vshrl.u32 v0, $0x3  }
0xb8: {  	v0 =	vadd.s32 s4, v0  }
0xb9: {  	(v2sf) =	vpush v0, $0x0;
	_ =	sdelay $0xe  }
0xba: {  	s12 =	spop (v2sf)  }
0xbb: {  	[spmem:s23], [sflag:s19] =	dma.local [hbm:s12], $0x380  }
0xbc: {  	(v2sf) =	vpush v0, $0x1;
	_ =	sdelay $0xc  }
0xbd: {  	s13 =	sld [smem:$0x7F5];
	_ =	sdelay $0x1  }
0xbe: {  	s11 =	spop (v2sf)  }
0xbf: {  	[spmem:s13], [sflag:s19] =	dma.local [hbm:s11], $0x380  }
0xc0: {  	(v2sf) =	vpush v0, $0x2;
	_ =	sdelay $0xc  }
0xc1: {  	s1 =	sld [smem:$0x7F6];
	_ =	sdelay $0x1  }
0xc2: {  	s11 =	spop (v2sf)  }
0xc3: {  	[spmem:s1], [sflag:s19] =	dma.local [hbm:s11], $0x380  }
0xc4: {  	(v2sf) =	vpush v0, $0x3;
	_ =	sdelay $0xc  }
0xc5: {  	s1 =	sld [smem:$0x7F7];
	_ =	sdelay $0x1  }
0xc6: {  	s11 =	spop (v2sf)  }
0xc7: {  	[spmem:s1], [sflag:s19] =	dma.local [hbm:s11], $0x380  }
0xc8: {  	_ =	swait.ge [sflag:s3], $0x380  }
0xc9: {  	[sflag:s3] =	ssyncset.done $0x0  }
0xca: {  	[sflag:s3] =	ssyncadd.s32 $0xFFFFFC80  }
0xcb: {  	_ =	swait.ge [sflag:s3], $0x380  }
0xcc: {  	[sflag:s3] =	ssyncset.done $0x0  }
0xcd: {  	[sflag:s3] =	ssyncadd.s32 $0xFFFFFC80  }
0xce: {  	_ =	swait.ge [sflag:s3], $0x380  }
0xcf: {  	[sflag:s3] =	ssyncset.done $0x0  }
0xd0: {  	[sflag:s3] =	ssyncadd.s32 $0xFFFFFC80  }
0xd1: {  	_ =	swait.ge [sflag:s3], $0x380  }
0xd2: {  	s12 =	sld [smem:$0x7F8]  }
0xd3: {  	s10 =	sor.u32 $0x1C08, s10;
	[sflag:s3] =	ssyncset.done $0x0  }
0xd4: {  	s13 =	simm.s32 $0x7;
	[dreg:$0x13] =	wrdreg s10;
	[sflag:s3] =	ssyncadd.s32 $0xFFFFFC80  }
0xd5: {  	[hbm:s12], [sflag:s10] =	dma.local [spmem:s26], $0xE00  }
0xd6: {  	_ =	swait.ge [sflag:s13], $0xE00  }
0xd7: {  	[sflag:s13] =	ssyncset.done $0x0  }
0xd8: {  	s11 =	simm.s32 $0x24;
	[sflag:s13] =	ssyncadd.s32 $0xFFFFF200  }
0xd9: {  	v62 =	vld [tilespmem:s11+$0xFFFFFFF4];
	_ =	sdelay $0x4  }
0xda: {  	v0 =	vmul.u32 $0x1C00, v62;
	_ =	sdelay $0x1  }
0xdb: {  	v0 =	vadd.s32 s6, v0  }
0xdc: {  	v0 =	vshrl.u32 v0, $0x3  }
0xdd: {  	v0 =	vadd.s32 s4, v0  }
0xde: {  	(v2sf) =	vpush v0, $0x3  }
0xdf: {  	(v2sf) =	vpush v0, $0x2  }
0xe0: {  	(v2sf) =	vpush v0, $0x0;
	_ =	sdelay $0x1  }
0xe1: {  	(v2sf) =	vpush v0, $0x1;
	_ =	sdelay $0xa  }
0xe2: {  	s10 =	spop (v2sf)  }
0xe3: {  	s13 =	spop (v2sf)  }
0xe4: {  	s1 =	spop (v2sf)  }
0xe5: {  	[spmem:s22], [sflag:s21] =	dma.local [hbm:s1], $0x380  }
0xe6: {  	s12 =	spop (v2sf);
	s1 =	rddreg [dreg:$0xa]  }
0xe7: {  	[spmem:s1], [sflag:s21] =	dma.local [hbm:s12], $0x380  }
0xe8: {  	[dreg:$0xb] =	wrdreg s25  }
0xe9: {  	[spmem:s25], [sflag:s21] =	dma.local [hbm:s13], $0x380  }
0xea: {  	[dreg:$0xc] =	wrdreg s9  }
0xeb: {  	[spmem:s9], [sflag:s21] =	dma.local [hbm:s10], $0x380  }
0xec: {  	_ =	swait.ge [sflag:s29], $0x380  }
0xed: {  	[sflag:s29] =	ssyncset.done $0x0  }
0xee: {  	[sflag:s29] =	ssyncadd.s32 $0xFFFFFC80  }
0xef: {  	_ =	swait.ge [sflag:s29], $0x380  }
0xf0: {  	[sflag:s29] =	ssyncset.done $0x0  }
0xf1: {  	[sflag:s29] =	ssyncadd.s32 $0xFFFFFC80  }
0xf2: {  	_ =	swait.ge [sflag:s29], $0x380  }
0xf3: {  	[sflag:s29] =	ssyncset.done $0x0  }
0xf4: {  	[sflag:s29] =	ssyncadd.s32 $0xFFFFFC80  }
0xf5: {  	_ =	swait.ge [sflag:s29], $0x380;
	[dreg:$0x8] =	wrdreg s17  }
0xf6: {  	s9 =	simm.s32 $0x8;
	s1 =	rddreg [dreg:$0x6];
	[sflag:s29] =	ssyncset.done $0x0  }
0xf7: {  	[dreg:$0xd] =	wrdreg s20;
	[sflag:s29] =	ssyncadd.s32 $0xFFFFFC80;
	s12 =	sadd.s32 $0x0, s1  }
0xf8: {  	[hbm:s12], [sflag:s20] =	dma.local [spmem:s17], $0xE00  }
0xf9: {  	_ =	swait.ge [sflag:s9], $0xE00  }
0xfa: {  	[sflag:s9] =	ssyncset.done $0x0  }
0xfb: {  	[sflag:s9] =	ssyncadd.s32 $0xFFFFF200  }
0xfc: {  	v63 =	vld [tilespmem:s11+$0xFFFFFFF8];
	_ =	sdelay $0x4  }
0xfd: {  	v0 =	vmul.u32 $0x1C00, v63;
	_ =	sdelay $0x1  }
0xfe: {  	v0 =	vadd.s32 s6, v0  }
0xff: {  	v0 =	vshrl.u32 v0, $0x3  }
0x100: {  	v0 =	vadd.s32 s4, v0  }
0x101: {  	(v2sf) =	vpush v0, $0x0;
	_ =	sdelay $0x1  }
0x102: {  	(v2sf) =	vpush v0, $0x2  }
0x103: {  	(v2sf) =	vpush v0, $0x3  }
0x104: {  	(v2sf) =	vpush v0, $0x1;
	_ =	sdelay $0xa  }
0x105: {  	s10 =	spop (v2sf)  }
0x106: {  	[spmem:s26], [sflag:s28] =	dma.local [hbm:s10], $0x380  }
0x107: {  	s13 =	spop (v2sf)  }
0x108: {  	s17 =	spop (v2sf)  }
0x109: {  	[dreg:$0xe] =	wrdreg s31;
	s12 =	spop (v2sf)  }
0x10a: {  	[spmem:s31], [sflag:s28] =	dma.local [hbm:s12], $0x380  }
0x10b: {  	[dreg:$0xf] =	wrdreg s5  }
0x10c: {  	[spmem:s5], [sflag:s28] =	dma.local [hbm:s13], $0x380  }
0x10d: {  	[dreg:$0x10] =	wrdreg s7  }
0x10e: {  	[spmem:s7], [sflag:s28] =	dma.local [hbm:s17], $0x380  }
0x10f: {  	_ =	swait.ge [sflag:s30], $0x380  }
0x110: {  	[sflag:s30] =	ssyncset.done $0x0  }
0x111: {  	[sflag:s30] =	ssyncadd.s32 $0xFFFFFC80  }
0x112: {  	_ =	swait.ge [sflag:s30], $0x380  }
0x113: {  	[sflag:s30] =	ssyncset.done $0x0  }
0x114: {  	[sflag:s30] =	ssyncadd.s32 $0xFFFFFC80  }
0x115: {  	_ =	swait.ge [sflag:s30], $0x380  }
0x116: {  	[sflag:s30] =	ssyncset.done $0x0  }
0x117: {  	[sflag:s30] =	ssyncadd.s32 $0xFFFFFC80  }
0x118: {  	_ =	swait.ge [sflag:s30], $0x380;
	[dreg:$0x9] =	wrdreg s23  }
0x119: {  	s2 =	simm.s32 $0x5;
	s20 =	rddreg [dreg:$0x5];
	[sflag:s30] =	ssyncset.done $0x0  }
0x11a: {  	[dreg:$0x11] =	wrdreg s8;
	[sflag:s30] =	ssyncadd.s32 $0xFFFFFC80;
	s12 =	sadd.s32 $0x0, s20  }
0x11b: {  	[hbm:s12], [sflag:s8] =	dma.local [spmem:s23], $0xE00  }
0x11c: {  	_ =	swait.ge [sflag:s2], $0xE00  }
0x11d: {  	[sflag:s2] =	ssyncset.done $0x0  }
0x11e: {  	p0 =	por $0x0, $0x0;
	[sflag:s2] =	ssyncadd.s32 $0xFFFFF200  }
0x11f: {  	v0 =	vld @!p0 [tilespmem:s11+$0xFFFFFFFC];
	_ =	sdelay $0x4  }
0x120: {  	v0 =	vmul.u32 @!p0 $0x1C00, v0;
	_ =	sdelay $0x1  }
0x121: {  	v0 =	vadd.s32 @!p0 s6, v0  }
0x122: {  	v0 =	vshrl.u32 @!p0 v0, $0x3  }
0x123: {  	v0 =	vadd.s32 @!p0 s4, v0  }
0x124: {  	(v2sf) =	vpush @!p0 v0, $0x0  }
0x125: {  	(v2sf) =	vpush @!p0 v0, $0x3  }
0x126: {  	(v2sf) =	vpush @!p0 v0, $0x2;
	_ =	sdelay $0x1  }
0x127: {  	(v2sf) =	vpush @!p0 v0, $0x1;
	_ =	sdelay $0xa  }
0x128: {  	s13 =	spop @!p0 (v2sf)  }
0x129: {  	s1 =	spop @!p0 (v2sf)  }
0x12a: {  	s12 =	sshrl.u32 @!p0 s18, $0x3;
	s5 =	spop @!p0 (v2sf)  }
0x12b: {  	[spmem:s12], [sflag:s16] =	dma.local @!p0 [hbm:s13], $0x380  }
0x12c: {  	s12 =	sshrl.u32 @!p0 s15, $0x3;
	s13 =	spop @!p0 (v2sf)  }
0x12d: {  	[spmem:s12], [sflag:s16] =	dma.local @!p0 [hbm:s13], $0x380  }
0x12e: {  	s7 =	sld [smem:$0x7F9];
	_ =	sdelay $0x2  }
0x12f: {  	s12 =	sshrl.u32 @!p0 s24, $0x3;
	s13 =	sshrl.u32 @!p0 s7, $0x3  }
0x130: {  	[spmem:s13], [sflag:s16] =	dma.local @!p0 [hbm:s5], $0x380  }
0x131: {  	[spmem:s12], [sflag:s16] =	dma.local @!p0 [hbm:s1], $0x380  }
0x132: {  	_ =	swait.ge [sflag:s0], $0x380  }
0x133: {  	[sflag:s0] =	ssyncset.done $0x0  }
0x134: {  	[sflag:s0] =	ssyncadd.s32 $0xFFFFFC80  }
0x135: {  	_ =	swait.ge [sflag:s0], $0x380  }
0x136: {  	[sflag:s0] =	ssyncset.done $0x0  }
0x137: {  	[sflag:s0] =	ssyncadd.s32 $0xFFFFFC80  }
0x138: {  	_ =	swait.ge [sflag:s0], $0x380  }
0x139: {  	[sflag:s0] =	ssyncset.done $0x0  }
0x13a: {  	[sflag:s0] =	ssyncadd.s32 $0xFFFFFC80  }
0x13b: {  	_ =	swait.ge [sflag:s0], $0x380  }
0x13c: {  	s23 =	rddreg [dreg:$0x4];
	[sflag:s0] =	ssyncset.done $0x0  }
0x13d: {  	s25 =	rddreg [dreg:$0x12];
	[sflag:s0] =	ssyncadd.s32 $0xFFFFFC80;
	s12 =	sadd.s32 $0x0, s23  }
0x13e: {  	[hbm:s12], [sflag:s25] =	dma.local [spmem:s22], $0xE00  }
0x13f: {  	_ =	swait.ge [sflag:s14], $0xE00  }
0x140: {  	[sflag:s14] =	ssyncset.done $0x0  }
0x141: {  	[sflag:s14] =	ssyncadd.s32 $0xFFFFF200  }
0x142: {  	v0 =	vld @!p0 [tilespmem:s11+$0x0];
	_ =	sdelay $0x4  }
0x143: {  	v0 =	vmul.u32 @!p0 $0x1C00, v0;
	_ =	sdelay $0x1  }
0x144: {  	v0 =	vadd.s32 @!p0 s6, v0  }
0x145: {  	v0 =	vshrl.u32 @!p0 v0, $0x3  }
0x146: {  	v0 =	vadd.s32 @!p0 s4, v0  }
0x147: {  	(v2sf) =	vpush @!p0 v0, $0x0;
	_ =	sdelay $0x2  }
0x148: {  	(v2sf) =	vpush @!p0 v0, $0x3  }
0x149: {  	(v2sf) =	vpush @!p0 v0, $0x2  }
0x14a: {  	(v2sf) =	vpush @!p0 v0, $0x1;
	_ =	sdelay $0x6  }
0x14b: {  	s9 =	sld [smem:$0x7FA];
	_ =	sdelay $0x2  }
0x14c: {  	s12 =	sshrl.u32 @!p0 s9, $0x3;
	s13 =	spop @!p0 (v2sf)  }
0x14d: {  	[spmem:s12], [sflag:s19] =	dma.local @!p0 [hbm:s13], $0x380  }
0x14e: {  	s10 =	sld [smem:$0x7FD]  }
0x14f: {  	s5 =	spop @!p0 (v2sf)  }
0x150: {  	s1 =	spop @!p0 (v2sf)  }
0x151: {  	s13 =	spop @!p0 (v2sf);
	s12 =	sshrl.u32 @!p0 s10, $0x3  }
0x152: {  	[spmem:s12], [sflag:s19] =	dma.local @!p0 [hbm:s13], $0x380  }
0x153: {  	s31 =	sld [smem:$0x7FC];
	_ =	sdelay $0x2  }
0x154: {  	s12 =	sshrl.u32 @!p0 s31, $0x3  }
0x155: {  	[spmem:s12], [sflag:s19] =	dma.local @!p0 [hbm:s1], $0x380  }
0x156: {  	s1 =	sld [smem:$0x7FB];
	_ =	sdelay $0x2  }
0x157: {  	s12 =	sshrl.u32 @!p0 s1, $0x3  }
0x158: {  	[spmem:s12], [sflag:s19] =	dma.local @!p0 [hbm:s5], $0x380  }
0x159: {  	_ =	swait.ge [sflag:s3], $0x380  }
0x15a: {  	s13 =	simm.s32 $0x3800;
	s12 =	simm.s32 $0x0;
	[sflag:s3] =	ssyncset.done $0x0  }
.LBB2_2:
0x15b: {  	[sflag:s3] =	ssyncadd.s32 $0xFFFFFC80  }
0x15c: {  	_ =	swait.ge [sflag:s3], $0x380  }
0x15d: {  	[sflag:s3] =	ssyncset.done $0x0  }
0x15e: {  	[sflag:s3] =	ssyncadd.s32 $0xFFFFFC80  }
0x15f: {  	_ =	swait.ge [sflag:s3], $0x380  }
0x160: {  	[sflag:s3] =	ssyncset.done $0x0  }
0x161: {  	[sflag:s3] =	ssyncadd.s32 $0xFFFFFC80  }
0x162: {  	_ =	swait.ge [sflag:s3], $0x380  }
0x163: {  	s23 =	simm.s32 $0x7;
	[sflag:s3] =	ssyncset.done $0x0;
	s20 =	rddreg [dreg:$0x7]  }
0x164: {  	s5 =	rddreg [dreg:$0x13];
	[sflag:s3] =	ssyncadd.s32 $0xFFFFFC80;
	s20 =	sadd.s32 s12, s20  }
0x165: {  	[hbm:s20], [sflag:s5] =	dma.local [spmem:s26], $0xE00  }
0x166: {  	_ =	swait.ge [sflag:s23], $0xE00  }
0x167: {  	[sflag:s23] =	ssyncset.done $0x0  }
0x168: {  	s11 =	sadd.s32 $0x10, s11;
	[sflag:s23] =	ssyncadd.s32 $0xFFFFF200  }
0x169: {  	v0 =	vld [tilespmem:s11+$0xFFFFFFF4];
	_ =	sdelay $0x4  }
0x16a: {  	v0 =	vmul.u32 $0x1C00, v0;
	_ =	sdelay $0x1  }
0x16b: {  	v0 =	vadd.s32 s6, v0  }
0x16c: {  	v0 =	vshrl.u32 v0, $0x3  }
0x16d: {  	v0 =	vadd.s32 s4, v0  }
0x16e: {  	(v2sf) =	vpush v0, $0x3  }
0x16f: {  	(v2sf) =	vpush v0, $0x2  }
0x170: {  	(v2sf) =	vpush v0, $0x0;
	_ =	sdelay $0x1  }
0x171: {  	(v2sf) =	vpush v0, $0x1;
	_ =	sdelay $0x9  }
0x172: {  	s17 =	smov.u32 s13  }
0x173: {  	s12 =	smov.u32 s17;
	s17 =	spop (v2sf)  }
0x174: {  	s25 =	spop (v2sf)  }
0x175: {  	s23 =	spop (v2sf)  }
0x176: {  	[spmem:s22], [sflag:s21] =	dma.local [hbm:s23], $0x380  }
0x177: {  	s23 =	spop (v2sf);
	s8 =	rddreg [dreg:$0xa]  }
0x178: {  	[spmem:s8], [sflag:s21] =	dma.local [hbm:s23], $0x380  }
0x179: {  	s5 =	rddreg [dreg:$0xb]  }
0x17a: {  	[spmem:s5], [sflag:s21] =	dma.local [hbm:s25], $0x380  }
0x17b: {  	s5 =	rddreg [dreg:$0xc]  }
0x17c: {  	[spmem:s5], [sflag:s21] =	dma.local [hbm:s17], $0x380  }
0x17d: {  	_ =	swait.ge [sflag:s29], $0x380  }
0x17e: {  	[sflag:s29] =	ssyncset.done $0x0  }
0x17f: {  	[sflag:s29] =	ssyncadd.s32 $0xFFFFFC80  }
0x180: {  	_ =	swait.ge [sflag:s29], $0x380  }
0x181: {  	[sflag:s29] =	ssyncset.done $0x0  }
0x182: {  	[sflag:s29] =	ssyncadd.s32 $0xFFFFFC80  }
0x183: {  	_ =	swait.ge [sflag:s29], $0x380  }
0x184: {  	[sflag:s29] =	ssyncset.done $0x0  }
0x185: {  	[sflag:s29] =	ssyncadd.s32 $0xFFFFFC80  }
0x186: {  	_ =	swait.ge [sflag:s29], $0x380  }
0x187: {  	s20 =	rddreg [dreg:$0x6]  }
0x188: {  	s25 =	simm.s32 $0x8;
	[sflag:s29] =	ssyncset.done $0x0;
	s23 =	rddreg [dreg:$0x8]  }
0x189: {  	s8 =	rddreg [dreg:$0xd];
	[sflag:s29] =	ssyncadd.s32 $0xFFFFFC80;
	s17 =	sadd.s32 s12, s20  }
0x18a: {  	[hbm:s17], [sflag:s8] =	dma.local [spmem:s23], $0xE00  }
0x18b: {  	_ =	swait.ge [sflag:s25], $0xE00  }
0x18c: {  	[sflag:s25] =	ssyncset.done $0x0  }
0x18d: {  	[sflag:s25] =	ssyncadd.s32 $0xFFFFF200  }
0x18e: {  	v63 =	vld [tilespmem:s11+$0xFFFFFFF8];
	_ =	sdelay $0x4  }
0x18f: {  	v0 =	vmul.u32 $0x1C00, v63;
	_ =	sdelay $0x1  }
0x190: {  	v0 =	vadd.s32 s6, v0  }
0x191: {  	v0 =	vshrl.u32 v0, $0x3  }
0x192: {  	v0 =	vadd.s32 s4, v0  }
0x193: {  	(v2sf) =	vpush v0, $0x0;
	_ =	sdelay $0x1  }
0x194: {  	(v2sf) =	vpush v0, $0x2  }
0x195: {  	(v2sf) =	vpush v0, $0x3  }
0x196: {  	(v2sf) =	vpush v0, $0x1;
	_ =	sdelay $0xa  }
0x197: {  	s5 =	spop (v2sf)  }
0x198: {  	[spmem:s26], [sflag:s28] =	dma.local [hbm:s5], $0x380  }
0x199: {  	s17 =	spop (v2sf)  }
0x19a: {  	s20 =	spop (v2sf)  }
0x19b: {  	s25 =	rddreg [dreg:$0xe];
	s8 =	spop (v2sf)  }
0x19c: {  	[spmem:s25], [sflag:s28] =	dma.local [hbm:s8], $0x380  }
0x19d: {  	s5 =	rddreg [dreg:$0xf]  }
0x19e: {  	[spmem:s5], [sflag:s28] =	dma.local [hbm:s17], $0x380  }
0x19f: {  	s5 =	rddreg [dreg:$0x10]  }
0x1a0: {  	[spmem:s5], [sflag:s28] =	dma.local [hbm:s20], $0x380  }
0x1a1: {  	_ =	swait.ge [sflag:s30], $0x380  }
0x1a2: {  	[sflag:s30] =	ssyncset.done $0x0  }
0x1a3: {  	[sflag:s30] =	ssyncadd.s32 $0xFFFFFC80  }
0x1a4: {  	_ =	swait.ge [sflag:s30], $0x380  }
0x1a5: {  	[sflag:s30] =	ssyncset.done $0x0  }
0x1a6: {  	[sflag:s30] =	ssyncadd.s32 $0xFFFFFC80  }
0x1a7: {  	_ =	swait.ge [sflag:s30], $0x380  }
0x1a8: {  	[sflag:s30] =	ssyncset.done $0x0  }
0x1a9: {  	[sflag:s30] =	ssyncadd.s32 $0xFFFFFC80  }
0x1aa: {  	_ =	swait.ge [sflag:s30], $0x380  }
0x1ab: {  	s8 =	rddreg [dreg:$0x5]  }
0x1ac: {  	[sflag:s30] =	ssyncset.done $0x0;
	s20 =	rddreg [dreg:$0x9]  }
0x1ad: {  	s23 =	rddreg [dreg:$0x11];
	[sflag:s30] =	ssyncadd.s32 $0xFFFFFC80;
	s17 =	sadd.s32 s12, s8  }
0x1ae: {  	[hbm:s17], [sflag:s23] =	dma.local [spmem:s20], $0xE00  }
0x1af: {  	_ =	swait.ge [sflag:s2], $0xE00  }
0x1b0: {  	[sflag:s2] =	ssyncset.done $0x0  }
0x1b1: {  	p1 =	seq.s32 s12, $0x4D000;
	[sflag:s2] =	ssyncadd.s32 $0xFFFFF200  }
0x1b2: {  	v0 =	vld @!p1 [tilespmem:s11+$0xFFFFFFFC];
	_ =	sdelay $0x4  }
0x1b3: {  	v0 =	vmul.u32 @!p1 $0x1C00, v0;
	_ =	sdelay $0x1  }
0x1b4: {  	v0 =	vadd.s32 @!p1 s6, v0  }
0x1b5: {  	v0 =	vshrl.u32 @!p1 v0, $0x3  }
0x1b6: {  	v0 =	vadd.s32 @!p1 s4, v0  }
0x1b7: {  	(v2sf) =	vpush @!p1 v0, $0x0  }
0x1b8: {  	(v2sf) =	vpush @!p1 v0, $0x3  }
0x1b9: {  	(v2sf) =	vpush @!p1 v0, $0x2;
	_ =	sdelay $0x2  }
0x1ba: {  	(v2sf) =	vpush @!p1 v0, $0x1;
	_ =	sdelay $0x9  }
0x1bb: {  	s17 =	spop @!p1 (v2sf)  }
0x1bc: {  	s20 =	spop @!p1 (v2sf)  }
0x1bd: {  	s5 =	smov.u32 s15;
	s23 =	sshrl.u32 @!p1 s18, $0x3;
	s25 =	spop @!p1 (v2sf)  }
0x1be: {  	[spmem:s23], [sflag:s16] =	dma.local @!p1 [hbm:s17], $0x380  }
0x1bf: {  	s8 =	smov.u32 s24;
	s24 =	sshrl.u32 @!p1 s24, $0x3;
	s17 =	sshrl.u32 @!p1 s15, $0x3  }
0x1c0: {  	s23 =	sshrl.u32 @!p1 s7, $0x3;
	s15 =	smov.u32 s18;
	s18 =	spop @!p1 (v2sf)  }
0x1c1: {  	[spmem:s17], [sflag:s16] =	dma.local @!p1 [hbm:s18], $0x380  }
0x1c2: {  	[spmem:s23], [sflag:s16] =	dma.local @!p1 [hbm:s25], $0x380  }
0x1c3: {  	[spmem:s24], [sflag:s16] =	dma.local @!p1 [hbm:s20], $0x380  }
0x1c4: {  	_ =	swait.ge [sflag:s0], $0x380  }
0x1c5: {  	[sflag:s0] =	ssyncset.done $0x0  }
0x1c6: {  	[sflag:s0] =	ssyncadd.s32 $0xFFFFFC80  }
0x1c7: {  	_ =	swait.ge [sflag:s0], $0x380  }
0x1c8: {  	[sflag:s0] =	ssyncset.done $0x0  }
0x1c9: {  	[sflag:s0] =	ssyncadd.s32 $0xFFFFFC80  }
0x1ca: {  	_ =	swait.ge [sflag:s0], $0x380  }
0x1cb: {  	[sflag:s0] =	ssyncset.done $0x0  }
0x1cc: {  	[sflag:s0] =	ssyncadd.s32 $0xFFFFFC80  }
0x1cd: {  	_ =	swait.ge [sflag:s0], $0x380  }
0x1ce: {  	[sflag:s0] =	ssyncset.done $0x0;
	s24 =	rddreg [dreg:$0x4]  }
0x1cf: {  	s25 =	rddreg [dreg:$0x12];
	[sflag:s0] =	ssyncadd.s32 $0xFFFFFC80;
	s17 =	sadd.s32 s12, s24  }
0x1d0: {  	[hbm:s17], [sflag:s25] =	dma.local [spmem:s22], $0xE00  }
0x1d1: {  	_ =	swait.ge [sflag:s14], $0xE00  }
0x1d2: {  	[sflag:s14] =	ssyncset.done $0x0  }
0x1d3: {  	[sflag:s14] =	ssyncadd.s32 $0xFFFFF200  }
0x1d4: {  	v0 =	vld @!p1 [tilespmem:s11+$0x0];
	_ =	sdelay $0x4  }
0x1d5: {  	v0 =	vmul.u32 @!p1 $0x1C00, v0;
	_ =	sdelay $0x1  }
0x1d6: {  	v0 =	vadd.s32 @!p1 s6, v0  }
0x1d7: {  	v0 =	vshrl.u32 @!p1 v0, $0x3  }
0x1d8: {  	v0 =	vadd.s32 @!p1 s4, v0  }
0x1d9: {  	(v2sf) =	vpush @!p1 v0, $0x0;
	_ =	sdelay $0x1  }
0x1da: {  	(v2sf) =	vpush @!p1 v0, $0x3  }
0x1db: {  	(v2sf) =	vpush @!p1 v0, $0x2  }
0x1dc: {  	(v2sf) =	vpush @!p1 v0, $0x1;
	_ =	sdelay $0xa  }
0x1dd: {  	s17 =	sshrl.u32 @!p1 s9, $0x3;
	s18 =	spop @!p1 (v2sf)  }
0x1de: {  	[spmem:s17], [sflag:s19] =	dma.local @!p1 [hbm:s18], $0x380  }
0x1df: {  	s17 =	spop @!p1 (v2sf)  }
0x1e0: {  	s13 =	sadd.s32 $0x3800, s13;
	s20 =	spop @!p1 (v2sf)  }
0x1e1: {  	p0 =	sne.s32 s13, $0x50800;
	s18 =	sshrl.u32 @!p1 s10, $0x3;
	s25 =	spop @!p1 (v2sf)  }
0x1e2: {  	[spmem:s18], [sflag:s19] =	dma.local @!p1 [hbm:s25], $0x380  }
.Ltmp0:
0x1e3: {  	s23 =	sshrl.u32 @!p1 s31, $0x3;
	s24 =	sshrl.u32 @!p1 s1, $0x3;
	(pc) =	sbr.rel @p0 .LBB2_2-.Ltmp0, $4  }
0x1e4: {  	[spmem:s23], [sflag:s19] =	dma.local @!p1 [hbm:s20], $0x380  }
0x1e5: {  	[spmem:s24], [sflag:s19] =	dma.local @!p1 [hbm:s17], $0x380  }
0x1e6: {  	s18 =	smov.u32 s15;
	_ =	swait.ge [sflag:s3], $0x380  }
0x1e7: {  	s15 =	smov.u32 s5;
	s24 =	smov.u32 s8;
	[sflag:s3] =	ssyncset.done $0x0  }
0x1e8: {  	[sflag:s3] =	ssyncadd.s32 $0xFFFFFC80  }
0x1e9: {  	_ =	swait.ge [sflag:s3], $0x380  }
0x1ea: {  	[sflag:s3] =	ssyncset.done $0x0  }
0x1eb: {  	[sflag:s3] =	ssyncadd.s32 $0xFFFFFC80  }
0x1ec: {  	_ =	swait.ge [sflag:s3], $0x380  }
0x1ed: {  	[sflag:s3] =	ssyncset.done $0x0  }
0x1ee: {  	[sflag:s3] =	ssyncadd.s32 $0xFFFFFC80  }
0x1ef: {  	_ =	swait.ge [sflag:s3], $0x380  }
0x1f0: {  	s25 =	simm.s32 $0x7;
	s5 =	rddreg [dreg:$0x7];
	[sflag:s3] =	ssyncset.done $0x0  }
0x1f1: {  	s2 =	rddreg [dreg:$0x13];
	[sflag:s3] =	ssyncadd.s32 $0xFFFFFC80;
	s5 =	sadd.s32 s12, s5  }
0x1f2: {  	[hbm:s5], [sflag:s2] =	dma.local [spmem:s26], $0xE00  }
0x1f3: {  	_ =	swait.ge [sflag:s25], $0xE00  }
0x1f4: {  	[sflag:s25] =	ssyncset.done $0x0  }
0x1f5: {  	s26 =	simm.s32 $0x8;
	[sflag:s25] =	ssyncadd.s32 $0xFFFFF200  }
0x1f6: {  	_ =	swait.ge [sflag:s26], $0xE00  }
0x1f7: {  	s8 =	sld [smem:$0x7F4];
	_ =	sdelay $0x2  }
0x1f8: {  	s28 =	rddreg [dreg:$0x1f];
	s8 =	sadd.s32 $0x1, s8  }
0x1f9: {  	p0 =	sne.s32 s8, s28  }
.Ltmp1:
0x1fa: {  	_ = 	snop;
	(pc) =	sbr.rel @p0 .LBB2_1-.Ltmp1, $3  }
0x1fb: {  	_ =	sdelay $0x1  }
0x1fc: {  	s11 =	smov.u32 s7;
	s13 =	smov.u32 s10;
	[sflag:s26] =	ssyncset.done $0x0  }
0x1fd: {  	s20 =	smov.u32 s1;
	s2 =	simm.s32 $0x5;
	[sflag:s26] =	ssyncadd.s32 $0xFFFFF200  }
0x1fe: {  	_ =	sfence.sel $0x180000  }
0x1ff: {  	[bflag:$0x0] =	sbarrier.arrive $0xFFFF  }
0x200: {  	_ =	strace $0x90000047  }
0x201: {  	s0 =	stileid.u32;
	[bflag:$0x2] =	sbarrier.arrive $0xFFFF  }
0x202: {  	p0 =	sne.s32 s0, $0x0;
	s0 =	rddreg [dreg:$0x3]  }
0x203: {  	s0 =	sadd.s32 @!p0 $0x100000, s0  }
0x204: {  	[sflag:s0] =	ssyncadd.tile.s32 @!p0 $0x1;
	_ =	shalt  }
.Lfunc_end2:
_tile_overlayer_lowered:
.L_overlay_start_2:
0x205: {  	(tag) =	ssettag $0x2  }
0x206: {  	s0 =	rddreg [dreg:$0x0];
	s2 =	stileid.u32  }
0x207: {  	s1 =	rddreg [dreg:$0x1];
	p0 =	sne.s32 s2, $0x0  }
0x208: {  	s3 =	rddreg [dreg:$0x2];
	[bflag:$0x3] =	sbarrier.arrive $0xFFFF;
	s2 =	simm.s32 @!p0 $0x1C09  }
0x209: {  	[timem:s3], [sflag:s2] =	dma.local @!p0 [hbm:s0], s1  }
0x20a: {  	s0 =	simm.s32 @!p0 $0x9  }
0x20b: {  	_ =	swait.ge @!p0 [sflag:s0], s1  }
0x20c: {  	s1 =	ssub.s32 @!p0 $0x0, s1;
	[sflag:s0] =	ssyncset.done @!p0 $0x0  }
0x20d: {  	[sflag:s0] =	ssyncadd.s32 @!p0 s1  }
0x20e: {  	[bflag:$0x3] =	sbarrier.arrive $0xFFFF  }
0x20f: {  	_ =	shalt  }

</sc_bundles>
